<compile_context>
chip_gen: v7x
topology: tpu7x:2x2x1
jax: 0.10.2.dev20260603
libtpu: 0.0.44.dev20260713+nightly
codegen_flags: <defaults>
</compile_context>

<pallas_src>
import jax
import jax.numpy as jnp
from jax import lax
from jax.experimental import pallas as pl
from jax.experimental.pallas import tpu as pltpu
from jax.experimental.pallas import tpu_sc as plsc

B = 1024
F = 13
L = 50
EMB = 128
NV = EMB // 16
VOCAB = 1000
NC, NS = 2, 16
NW = NC * NS
SPT = B // NW
FH0, FH1 = 6, 7
IDXW = 904

IT0 = ((0, 8, 128), (128, 136, 128), (256, 264, 50))
PR0 = (384, 0, FH0)
RB0 = 8 + FH0 * (L + 1)
IT1 = ((512, 8, 128), (640, 136, 128), (768, 264, 101))
PR1 = (896, 0, FH1)
RB1 = 8 + FH1 * (L + 1)


def _fold_reduce(vecs):
    t = vecs[0]
    for v in vecs[1:]:
        t = t + v
    lane = lax.iota(jnp.int32, 16)
    dnums = lax.GatherDimensionNumbers(
        offset_dims=(), collapsed_slice_dims=(0,), start_index_map=(0,))
    for sh in (1, 2, 4, 8):
        perm = jnp.bitwise_xor(lane, sh)
        t = t + lax.gather(t, perm[:, None], dnums, slice_sizes=(1,),
                           mode=lax.GatherScatterMode.PROMISE_IN_BOUNDS)
    return t


def _sc_body(itm_hbm, prf_hbm, idx_hbm, ctx_hbm, w40_hbm,
             out_hbm,
             bufa_v, bufb_v, idx_v, ctxout_v, w40_v,
             sema, semb):
    wid = lax.axis_index("s") * NC + lax.axis_index("c")
    base = wid * SPT

    pltpu.sync_copy(idx_hbm.at[pl.ds(base, SPT)], idx_v)
    pltpu.sync_copy(ctx_hbm.at[pl.ds(base, SPT)], ctxout_v)
    pltpu.sync_copy(w40_hbm, w40_v)

    zero = jnp.zeros((16,), jnp.float32)

    def plan(i, buf, sem, items, prof):
        cps = []
        for col, dst, ln in items:
            cps.append(pltpu.make_async_copy(
                itm_hbm.at[idx_v.at[i, pl.ds(col, ln)]],
                buf.at[pl.ds(dst, ln)], sem))
        col, dst, ln = prof
        cps.append(pltpu.make_async_copy(
            prf_hbm.at[idx_v.at[i, pl.ds(col, ln)]],
            buf.at[pl.ds(dst, ln)], sem))
        return cps

    def issue(i, buf, sem, items, prof):
        for cp in plan(i, buf, sem, items, prof):
            cp.start()

    def drain(buf, sem, items, prof):
        for cp in plan(0, buf, sem, items, prof):
            cp.wait()

    def compute_half(buf, f0, nf, carry):
        def rd(r):
            return [buf[r, pl.ds(j * 16, 16)] for j in range(NV)]

        def field_body(lf, c):
            s, nrm, wd = c

            def u_body(l5, uacc):
                out = list(uacc)
                for k in range(5):
                    r = rd(8 + nf + lf * L + l5 * 5 + k)
                    out = [a + b for a, b in zip(out, r)]
                return out

            uacc = lax.fori_loop(0, L // 5, u_body, [zero] * NV)
            rt = rd(8 + lf)
            rp = rd(lf)
            f = f0 + lf
            s2, nrm2, wd2 = [], [], []
            for j in range(NV):
                u = uacc[j] * (1.0 / L)
                wt = w40_v[f, pl.ds(j * 16, 16)]
                wu = w40_v[F + f, pl.ds(j * 16, 16)]
                wp = w40_v[2 * F + f, pl.ds(j * 16, 16)]
                s2.append(s[j] + rt[j] + rp[j] + u)
                nrm2.append(nrm[j] + rt[j] * rt[j] + rp[j] * rp[j] + u * u)
                wd2.append(wd[j] + rt[j] * wt + rp[j] * wp + u * wu)
            return (s2, nrm2, wd2)

        return lax.fori_loop(0, nf, field_body, carry)

    issue(0, bufa_v, sema, IT0, PR0)

    def sample_body(i, carry):
        issue(i, bufb_v, semb, IT1, PR1)
        drain(bufa_v, sema, IT0, PR0)
        init = ([zero] * NV, [zero] * NV, [zero] * NV)
        acc = compute_half(bufa_v, 0, FH0, init)
        issue(jnp.minimum(i + 1, SPT - 1), bufa_v, sema, IT0, PR0)
        drain(bufb_v, semb, IT1, PR1)
        s, nrm, wd = compute_half(bufb_v, FH0, FH1, acc)

        for j in range(4):
            wd[j] = wd[j] + ctxout_v[i, pl.ds(j * 16, 16)] * w40_v[3 * F, pl.ds(j * 16, 16)]

        sq = [v * v for v in s]
        square_sum = _fold_reduce(sq)
        sum_square = _fold_reduce(nrm)
        lr_dot = _fold_reduce(wd) + w40_v[3 * F, pl.ds(64, 16)]

        cross = 1.0 / (1.0 + jnp.exp((sum_square - square_sum) * 0.5))
        lr = 1.0 / (1.0 + jnp.exp(-lr_dot))
        ctxout_v[i, pl.ds(64, 16)] = (cross + lr) * 0.5
        return carry

    lax.fori_loop(0, SPT, sample_body, 0)
    drain(bufa_v, sema, IT0, PR0)
    pltpu.sync_copy(ctxout_v, out_hbm.at[pl.ds(base, SPT)])


@jax.jit
def kernel(target_ad, ubs_feature, profile_feature, context_feature,
           item_emb, profile_emb, lr_W, lr_b):
    ta = target_ad.astype(jnp.int32)
    ub = ubs_feature.astype(jnp.int32)
    pf = profile_feature.astype(jnp.int32)
    foff = jnp.arange(F, dtype=jnp.int32) * VOCAB

    itm = item_emb.reshape(F * VOCAB, EMB)
    prf = profile_emb.reshape(F * VOCAB, EMB)

    idx_t = ta + foff[None, :]
    idx_p = pf + foff[None, :]
    idx_u = (ub.transpose(0, 2, 1) + foff[None, :, None]).reshape(B, F * L)

    def zpad(n):
        return jnp.zeros((B, n), jnp.int32)

    ctx128 = jnp.concatenate(
        [context_feature.astype(jnp.float32),
         jnp.zeros((B, EMB - 64), jnp.float32)], axis=1)

    idx = jnp.concatenate(
        [idx_t[:, :FH0], idx_u[:, : FH0 * L], zpad(78),
         idx_p[:, :FH0], zpad(122),
         idx_t[:, FH0:], idx_u[:, FH0 * L:], zpad(27),
         idx_p[:, FH0:], zpad(1)],
        axis=1)

    w39 = lr_W[: 3 * F * EMB, 0].reshape(3 * F, EMB)
    wrow = jnp.concatenate(
        [lr_W[3 * F * EMB:, 0],
         jnp.broadcast_to(lr_b.astype(jnp.float32), (16,)),
         jnp.zeros((48,), jnp.float32)])
    w40 = jnp.concatenate([w39, wrow[None, :]], axis=0)

    mesh = plsc.VectorSubcoreMesh(core_axis_name="c", subcore_axis_name="s",
                                  num_cores=NC, num_subcores=NS)
    out16 = pl.kernel(
        _sc_body,
        out_type=jax.ShapeDtypeStruct((B, EMB), jnp.float32),
        mesh=mesh,
        scratch_types=[
            pltpu.VMEM((RB0, EMB), jnp.float32),
            pltpu.VMEM((RB1, EMB), jnp.float32),
            pltpu.VMEM((SPT, IDXW), jnp.int32),
            pltpu.VMEM((SPT, EMB), jnp.float32),
            pltpu.VMEM((3 * F + 1, EMB), jnp.float32),
            pltpu.SemaphoreType.DMA,
            pltpu.SemaphoreType.DMA,
        ],
    )(itm, prf, idx, ctx128, w40)

    return out16[:, 64:65]

# --- scband reference (transcript-rebuilt; emitter-appended) ---
"""Pipeline reference for scband-factorization-machine-5626407157919 (READ-ONLY COPY).

The authoritative reference and input builder live on the scoring server;
editing this copy changes nothing except your own understanding.
"""

import jax, jax.numpy as jnp
import numpy as np

B = 1024
L = 50
F_ITEM = 13
F_PROF = 13
VOCAB = 1000
EMB = 128
CTX = 64
LR_IN = (F_ITEM + F_ITEM + F_PROF) * EMB + CTX  # 39*128 + 64 = 5056


def setup_inputs(seed: int = 0) -> dict:
    key = jax.random.key(seed)
    k1, k2, k3, k4, k5, k6, k7, k8 = jax.random.split(key, 8)
    target_ad = jax.random.randint(k1, (B, F_ITEM), 0, VOCAB, dtype=jnp.int64 if jax.config.jax_enable_x64 else jnp.int32)
    ubs_feature = jax.random.randint(k2, (B, L, F_ITEM), 0, VOCAB, dtype=jnp.int64 if jax.config.jax_enable_x64 else jnp.int32)
    profile_feature = jax.random.randint(k3, (B, F_PROF), 0, VOCAB, dtype=jnp.int64 if jax.config.jax_enable_x64 else jnp.int32)
    context_feature = jax.random.normal(k4, (B, CTX), dtype=jnp.float32)
    item_emb = jax.random.normal(k5, (F_ITEM, VOCAB, EMB), dtype=jnp.float32) * 0.05
    profile_emb = jax.random.normal(k6, (F_PROF, VOCAB, EMB), dtype=jnp.float32) * 0.05
    lr_W = jax.random.normal(k7, (LR_IN, 1), dtype=jnp.float32) * 0.02
    lr_b = jnp.zeros((1,), dtype=jnp.float32)
    return {"target_ad": target_ad, "ubs_feature": ubs_feature, "profile_feature": profile_feature,
            "context_feature": context_feature, "item_emb": item_emb, "profile_emb": profile_emb,
            "lr_W": lr_W, "lr_b": lr_b}


def reference(target_ad, ubs_feature, profile_feature, context_feature, item_emb, profile_emb, lr_W, lr_b):
    # per-field embedding lookups (gather), then concat along field axis (axis=-2)
    t = jnp.stack([jnp.take(item_emb[i], target_ad[:, i], axis=0) for i in range(F_ITEM)], axis=1)          # [B, 13, EMB]
    u = jnp.stack([jnp.take(item_emb[i], ubs_feature[:, :, i], axis=0) for i in range(F_ITEM)], axis=2)     # [B, L, 13, EMB]
    p = jnp.stack([jnp.take(profile_emb[i], profile_feature[:, i], axis=0) for i in range(F_PROF)], axis=1) # [B, 13, EMB]
    u = jnp.mean(u, axis=1)                                   # [B, 13, EMB]
    sparse_emb = jnp.concatenate([t, u, p], axis=1)           # [B, 39, EMB]
    square_sum = jnp.sum(jnp.square(jnp.sum(sparse_emb, axis=1)), axis=1)   # [B]
    sum_square = jnp.sum(jnp.sum(jnp.square(sparse_emb), axis=1), axis=1)   # [B]
    cross_out = jax.nn.sigmoid((square_sum - sum_square) / 2.0)[:, None]    # [B, 1]
    flat = sparse_emb.reshape(sparse_emb.shape[0], -1)        # [B, 39*EMB]
    lr_in = jnp.concatenate([flat, context_feature], axis=-1)  # [B, 5056]
    lr_out = jax.nn.sigmoid(lr_in @ lr_W + lr_b)              # [B, 1]
    fm_out = (lr_out + cross_out) / 2.0
    return fm_out

if __name__ == "__main__":
    import jax
    _d = setup_inputs()
    print(jax.jit(kernel)(*tuple(_d.values())))

</pallas_src>

<mosaic_0001>
#map = affine_map<(d0, d1) -> (0, 0)>
module attributes {stable_mosaic.version = 14 : i64} {
  func.func @_sc_body(%arg0: i32, %arg1: i32, %arg2: memref<13000x128xf32, #tpu.memory_space<hbm>>, %arg3: memref<13000x128xf32, #tpu.memory_space<hbm>>, %arg4: memref<1024x904xi32, #tpu.memory_space<hbm>>, %arg5: memref<1024x128xf32, #tpu.memory_space<hbm>>, %arg6: memref<40x128xf32, #tpu.memory_space<hbm>>, %arg7: memref<1024x128xf32, #tpu.memory_space<hbm>>, %arg8: memref<314x128xf32, #tpu.memory_space<vmem>>, %arg9: memref<365x128xf32, #tpu.memory_space<vmem>>, %arg10: memref<32x904xi32, #tpu.memory_space<vmem>>, %arg11: memref<32x128xf32, #tpu.memory_space<vmem>>, %arg12: memref<40x128xf32, #tpu.memory_space<vmem>>, %arg13: memref<!tpu.dma_semaphore, #tpu.memory_space<semaphore_mem>>, %arg14: memref<!tpu.dma_semaphore, #tpu.memory_space<semaphore_mem>>) attributes {dimension_semantics = [#tpu.dimension_semantics<core_parallel>, #tpu.dimension_semantics<subcore_parallel>], iteration_bounds = array<i64: 2, 16>, scalar_prefetch = 0 : i64, scratch_operands = 7 : i64, tpu.core_type = #tpu.core_type<sc_vector_subcore>, window_params = [{transform_indices = #map}, {transform_indices = #map}, {transform_indices = #map}, {transform_indices = #map}, {transform_indices = #map}, {transform_indices = #map}]} {
    %mul3A = arith.constant 2 : i32
    %mul3A_0 = arith.muli %arg1, %mul3A : i32
    %add3A = arith.addi %mul3A_0, %arg0 : i32
    %mul3A_1 = arith.constant 32 : i32
    %mul3A_2 = arith.muli %add3A, %mul3A_1 : i32
    "tpu.region"() ({
      %run_scoped3A = tpu.sem_alloc : memref<!tpu.dma_semaphore, #tpu.memory_space<semaphore_mem>>
      %dma_start3A_87 = arith.constant 0 : i32
      %dma_start3A_88 = tpu.memref_slice %arg4[%mul3A_2, %dma_start3A_87] : memref<1024x904xi32, #tpu.memory_space<hbm>> -> memref<32x904xi32, #tpu.memory_space<hbm>>
      %dma_start3A_89 = arith.constant 0 : i32
      %dma_start3A_90 = tpu.memref_slice %arg4[%mul3A_2, %dma_start3A_89] : memref<1024x904xi32, #tpu.memory_space<hbm>> -> memref<32x904xi32, #tpu.memory_space<hbm>>
      tpu.enqueue_dma source(%dma_start3A_90 : memref<32x904xi32, #tpu.memory_space<hbm>>) target(%arg10 : memref<32x904xi32, #tpu.memory_space<vmem>>) target_semaphore(%run_scoped3A : memref<!tpu.dma_semaphore, #tpu.memory_space<semaphore_mem>>)
      %dma_wait3A_91 = arith.constant 0 : i32
      %dma_wait3A_92 = tpu.memref_slice %arg4[%mul3A_2, %dma_wait3A_91] : memref<1024x904xi32, #tpu.memory_space<hbm>> -> memref<32x904xi32, #tpu.memory_space<hbm>>
      %dma_wait3A_93 = arith.constant 0 : i32
      %dma_wait3A_94 = tpu.memref_slice %arg4[%mul3A_2, %dma_wait3A_93] : memref<1024x904xi32, #tpu.memory_space<hbm>> -> memref<32x904xi32, #tpu.memory_space<hbm>>
      tpu.wait_dma2 semaphore(%run_scoped3A : memref<!tpu.dma_semaphore, #tpu.memory_space<semaphore_mem>>) src(%dma_wait3A_94 : memref<32x904xi32, #tpu.memory_space<hbm>>) dst(%arg10 : memref<32x904xi32, #tpu.memory_space<vmem>>)
      tpu.yield
    }) : () -> ()
    "tpu.region"() ({
      %run_scoped3A = tpu.sem_alloc : memref<!tpu.dma_semaphore, #tpu.memory_space<semaphore_mem>>
      %dma_start3A_87 = arith.constant 0 : i32
      %dma_start3A_88 = tpu.memref_slice %arg5[%mul3A_2, %dma_start3A_87] : memref<1024x128xf32, #tpu.memory_space<hbm>> -> memref<32x128xf32, #tpu.memory_space<hbm>>
      %dma_start3A_89 = arith.constant 0 : i32
      %dma_start3A_90 = tpu.memref_slice %arg5[%mul3A_2, %dma_start3A_89] : memref<1024x128xf32, #tpu.memory_space<hbm>> -> memref<32x128xf32, #tpu.memory_space<hbm>>
      tpu.enqueue_dma source(%dma_start3A_90 : memref<32x128xf32, #tpu.memory_space<hbm>>) target(%arg11 : memref<32x128xf32, #tpu.memory_space<vmem>>) target_semaphore(%run_scoped3A : memref<!tpu.dma_semaphore, #tpu.memory_space<semaphore_mem>>)
      %dma_wait3A_91 = arith.constant 0 : i32
      %dma_wait3A_92 = tpu.memref_slice %arg5[%mul3A_2, %dma_wait3A_91] : memref<1024x128xf32, #tpu.memory_space<hbm>> -> memref<32x128xf32, #tpu.memory_space<hbm>>
      %dma_wait3A_93 = arith.constant 0 : i32
      %dma_wait3A_94 = tpu.memref_slice %arg5[%mul3A_2, %dma_wait3A_93] : memref<1024x128xf32, #tpu.memory_space<hbm>> -> memref<32x128xf32, #tpu.memory_space<hbm>>
      tpu.wait_dma2 semaphore(%run_scoped3A : memref<!tpu.dma_semaphore, #tpu.memory_space<semaphore_mem>>) src(%dma_wait3A_94 : memref<32x128xf32, #tpu.memory_space<hbm>>) dst(%arg11 : memref<32x128xf32, #tpu.memory_space<vmem>>)
      tpu.yield
    }) : () -> ()
    "tpu.region"() ({
      %run_scoped3A = tpu.sem_alloc : memref<!tpu.dma_semaphore, #tpu.memory_space<semaphore_mem>>
      tpu.enqueue_dma source(%arg6 : memref<40x128xf32, #tpu.memory_space<hbm>>) target(%arg12 : memref<40x128xf32, #tpu.memory_space<vmem>>) target_semaphore(%run_scoped3A : memref<!tpu.dma_semaphore, #tpu.memory_space<semaphore_mem>>)
      tpu.wait_dma2 semaphore(%run_scoped3A : memref<!tpu.dma_semaphore, #tpu.memory_space<semaphore_mem>>) src(%arg6 : memref<40x128xf32, #tpu.memory_space<hbm>>) dst(%arg12 : memref<40x128xf32, #tpu.memory_space<vmem>>)
      tpu.yield
    }) : () -> ()
    %broadcast_in_dim3A = arith.constant 0.000000e+00 : f32
    %broadcast_in_dim3A_3 = vector.broadcast %broadcast_in_dim3A : f32 to vector<16xf32>
    %dma_start3A = arith.constant 0 : i32
    %dma_start3A_4 = arith.constant 8 : i32
    %dma_start3A_5 = arith.constant 0 : i32
    %dma_start3A_6 = tpu.memref_slice %arg8[%dma_start3A_4, %dma_start3A_5] : memref<314x128xf32, #tpu.memory_space<vmem>> -> memref<128x128xf32, #tpu.memory_space<vmem>>
    %dma_start3A_7 = arith.constant 0 : i32
    %dma_start3A_8 = tpu.memref_slice %arg10[%dma_start3A, %dma_start3A_7] : memref<32x904xi32, #tpu.memory_space<vmem>> -> memref<1x128xi32, #tpu.memory_space<vmem>>
    %dma_start3A_9 = tpu.memref_squeeze %dma_start3A_8 : memref<1x128xi32, #tpu.memory_space<vmem>> -> memref<128xi32, #tpu.memory_space<vmem>>
    %dma_start3A_10 = arith.constant 0 : i32
    %dma_start3A_11 = arith.constant 0 : i32
    %dma_start3A_12 = tpu.memref_slice %arg2[%dma_start3A_10, %dma_start3A_11] : memref<13000x128xf32, #tpu.memory_space<hbm>> -> memref<13000x128xf32, #tpu.memory_space<hbm>>
    tpu.enqueue_indirect_dma source(%dma_start3A_12 : memref<13000x128xf32, #tpu.memory_space<hbm>>) target(%dma_start3A_6 : memref<128x128xf32, #tpu.memory_space<vmem>>) offsets(%dma_start3A_9 : memref<128xi32, #tpu.memory_space<vmem>>) semaphore(%arg13 : memref<!tpu.dma_semaphore, #tpu.memory_space<semaphore_mem>>)
    %dma_start3A_13 = arith.constant 0 : i32
    %dma_start3A_14 = arith.constant 136 : i32
    %dma_start3A_15 = arith.constant 0 : i32
    %dma_start3A_16 = tpu.memref_slice %arg8[%dma_start3A_14, %dma_start3A_15] : memref<314x128xf32, #tpu.memory_space<vmem>> -> memref<128x128xf32, #tpu.memory_space<vmem>>
    %dma_start3A_17 = arith.constant 128 : i32
    %dma_start3A_18 = tpu.memref_slice %arg10[%dma_start3A_13, %dma_start3A_17] : memref<32x904xi32, #tpu.memory_space<vmem>> -> memref<1x128xi32, #tpu.memory_space<vmem>>
    %dma_start3A_19 = tpu.memref_squeeze %dma_start3A_18 : memref<1x128xi32, #tpu.memory_space<vmem>> -> memref<128xi32, #tpu.memory_space<vmem>>
    %dma_start3A_20 = arith.constant 0 : i32
    %dma_start3A_21 = arith.constant 0 : i32
    %dma_start3A_22 = tpu.memref_slice %arg2[%dma_start3A_20, %dma_start3A_21] : memref<13000x128xf32, #tpu.memory_space<hbm>> -> memref<13000x128xf32, #tpu.memory_space<hbm>>
    tpu.enqueue_indirect_dma source(%dma_start3A_22 : memref<13000x128xf32, #tpu.memory_space<hbm>>) target(%dma_start3A_16 : memref<128x128xf32, #tpu.memory_space<vmem>>) offsets(%dma_start3A_19 : memref<128xi32, #tpu.memory_space<vmem>>) semaphore(%arg13 : memref<!tpu.dma_semaphore, #tpu.memory_space<semaphore_mem>>)
    %dma_start3A_23 = arith.constant 0 : i32
    %dma_start3A_24 = arith.constant 264 : i32
    %dma_start3A_25 = arith.constant 0 : i32
    %dma_start3A_26 = tpu.memref_slice %arg8[%dma_start3A_24, %dma_start3A_25] : memref<314x128xf32, #tpu.memory_space<vmem>> -> memref<50x128xf32, #tpu.memory_space<vmem>>
    %dma_start3A_27 = arith.constant 256 : i32
    %dma_start3A_28 = tpu.memref_slice %arg10[%dma_start3A_23, %dma_start3A_27] : memref<32x904xi32, #tpu.memory_space<vmem>> -> memref<1x50xi32, #tpu.memory_space<vmem>>
    %dma_start3A_29 = tpu.memref_squeeze %dma_start3A_28 : memref<1x50xi32, #tpu.memory_space<vmem>> -> memref<50xi32, #tpu.memory_space<vmem>>
    %dma_start3A_30 = arith.constant 0 : i32
    %dma_start3A_31 = arith.constant 0 : i32
    %dma_start3A_32 = tpu.memref_slice %arg2[%dma_start3A_30, %dma_start3A_31] : memref<13000x128xf32, #tpu.memory_space<hbm>> -> memref<13000x128xf32, #tpu.memory_space<hbm>>
    tpu.enqueue_indirect_dma source(%dma_start3A_32 : memref<13000x128xf32, #tpu.memory_space<hbm>>) target(%dma_start3A_26 : memref<50x128xf32, #tpu.memory_space<vmem>>) offsets(%dma_start3A_29 : memref<50xi32, #tpu.memory_space<vmem>>) semaphore(%arg13 : memref<!tpu.dma_semaphore, #tpu.memory_space<semaphore_mem>>)
    %dma_start3A_33 = arith.constant 0 : i32
    %dma_start3A_34 = arith.constant 0 : i32
    %dma_start3A_35 = arith.constant 0 : i32
    %dma_start3A_36 = tpu.memref_slice %arg8[%dma_start3A_34, %dma_start3A_35] : memref<314x128xf32, #tpu.memory_space<vmem>> -> memref<6x128xf32, #tpu.memory_space<vmem>>
    %dma_start3A_37 = arith.constant 384 : i32
    %dma_start3A_38 = tpu.memref_slice %arg10[%dma_start3A_33, %dma_start3A_37] : memref<32x904xi32, #tpu.memory_space<vmem>> -> memref<1x6xi32, #tpu.memory_space<vmem>>
    %dma_start3A_39 = tpu.memref_squeeze %dma_start3A_38 : memref<1x6xi32, #tpu.memory_space<vmem>> -> memref<6xi32, #tpu.memory_space<vmem>>
    %dma_start3A_40 = arith.constant 0 : i32
    %dma_start3A_41 = arith.constant 0 : i32
    %dma_start3A_42 = tpu.memref_slice %arg3[%dma_start3A_40, %dma_start3A_41] : memref<13000x128xf32, #tpu.memory_space<hbm>> -> memref<13000x128xf32, #tpu.memory_space<hbm>>
    tpu.enqueue_indirect_dma source(%dma_start3A_42 : memref<13000x128xf32, #tpu.memory_space<hbm>>) target(%dma_start3A_36 : memref<6x128xf32, #tpu.memory_space<vmem>>) offsets(%dma_start3A_39 : memref<6xi32, #tpu.memory_space<vmem>>) semaphore(%arg13 : memref<!tpu.dma_semaphore, #tpu.memory_space<semaphore_mem>>)
    %scan3A = arith.constant 0 : i32
    %scan3A_43 = arith.constant 0 : i32
    %scan3A_44 = arith.constant 32 : i32
    %scan3A_45 = arith.addi %scan3A_43, %scan3A_44 : i32
    %scan3A_46 = arith.constant 1 : i32
    scf.for %scan3A_87 = %scan3A_43 to %scan3A_45 step %scan3A_46  : i32 {
      %dma_start3A_88 = arith.constant 8 : i32
      %dma_start3A_89 = arith.constant 0 : i32
      %dma_start3A_90 = tpu.memref_slice %arg9[%dma_start3A_88, %dma_start3A_89] : memref<365x128xf32, #tpu.memory_space<vmem>> -> memref<128x128xf32, #tpu.memory_space<vmem>>
      %dma_start3A_91 = arith.constant 512 : i32
      %dma_start3A_92 = tpu.memref_slice %arg10[%scan3A_87, %dma_start3A_91] : memref<32x904xi32, #tpu.memory_space<vmem>> -> memref<1x128xi32, #tpu.memory_space<vmem>>
      %dma_start3A_93 = tpu.memref_squeeze %dma_start3A_92 : memref<1x128xi32, #tpu.memory_space<vmem>> -> memref<128xi32, #tpu.memory_space<vmem>>
      %dma_start3A_94 = arith.constant 0 : i32
      %dma_start3A_95 = arith.constant 0 : i32
      %dma_start3A_96 = tpu.memref_slice %arg2[%dma_start3A_94, %dma_start3A_95] : memref<13000x128xf32, #tpu.memory_space<hbm>> -> memref<13000x128xf32, #tpu.memory_space<hbm>>
      tpu.enqueue_indirect_dma source(%dma_start3A_96 : memref<13000x128xf32, #tpu.memory_space<hbm>>) target(%dma_start3A_90 : memref<128x128xf32, #tpu.memory_space<vmem>>) offsets(%dma_start3A_93 : memref<128xi32, #tpu.memory_space<vmem>>) semaphore(%arg14 : memref<!tpu.dma_semaphore, #tpu.memory_space<semaphore_mem>>)
      %dma_start3A_97 = arith.constant 136 : i32
      %dma_start3A_98 = arith.constant 0 : i32
      %dma_start3A_99 = tpu.memref_slice %arg9[%dma_start3A_97, %dma_start3A_98] : memref<365x128xf32, #tpu.memory_space<vmem>> -> memref<128x128xf32, #tpu.memory_space<vmem>>
      %dma_start3A_100 = arith.constant 640 : i32
      %dma_start3A_101 = tpu.memref_slice %arg10[%scan3A_87, %dma_start3A_100] : memref<32x904xi32, #tpu.memory_space<vmem>> -> memref<1x128xi32, #tpu.memory_space<vmem>>
      %dma_start3A_102 = tpu.memref_squeeze %dma_start3A_101 : memref<1x128xi32, #tpu.memory_space<vmem>> -> memref<128xi32, #tpu.memory_space<vmem>>
      %dma_start3A_103 = arith.constant 0 : i32
      %dma_start3A_104 = arith.constant 0 : i32
      %dma_start3A_105 = tpu.memref_slice %arg2[%dma_start3A_103, %dma_start3A_104] : memref<13000x128xf32, #tpu.memory_space<hbm>> -> memref<13000x128xf32, #tpu.memory_space<hbm>>
      tpu.enqueue_indirect_dma source(%dma_start3A_105 : memref<13000x128xf32, #tpu.memory_space<hbm>>) target(%dma_start3A_99 : memref<128x128xf32, #tpu.memory_space<vmem>>) offsets(%dma_start3A_102 : memref<128xi32, #tpu.memory_space<vmem>>) semaphore(%arg14 : memref<!tpu.dma_semaphore, #tpu.memory_space<semaphore_mem>>)
      %dma_start3A_106 = arith.constant 264 : i32
      %dma_start3A_107 = arith.constant 0 : i32
      %dma_start3A_108 = tpu.memref_slice %arg9[%dma_start3A_106, %dma_start3A_107] : memref<365x128xf32, #tpu.memory_space<vmem>> -> memref<101x128xf32, #tpu.memory_space<vmem>>
      %dma_start3A_109 = arith.constant 768 : i32
      %dma_start3A_110 = tpu.memref_slice %arg10[%scan3A_87, %dma_start3A_109] : memref<32x904xi32, #tpu.memory_space<vmem>> -> memref<1x101xi32, #tpu.memory_space<vmem>>
      %dma_start3A_111 = tpu.memref_squeeze %dma_start3A_110 : memref<1x101xi32, #tpu.memory_space<vmem>> -> memref<101xi32, #tpu.memory_space<vmem>>
      %dma_start3A_112 = arith.constant 0 : i32
      %dma_start3A_113 = arith.constant 0 : i32
      %dma_start3A_114 = tpu.memref_slice %arg2[%dma_start3A_112, %dma_start3A_113] : memref<13000x128xf32, #tpu.memory_space<hbm>> -> memref<13000x128xf32, #tpu.memory_space<hbm>>
      tpu.enqueue_indirect_dma source(%dma_start3A_114 : memref<13000x128xf32, #tpu.memory_space<hbm>>) target(%dma_start3A_108 : memref<101x128xf32, #tpu.memory_space<vmem>>) offsets(%dma_start3A_111 : memref<101xi32, #tpu.memory_space<vmem>>) semaphore(%arg14 : memref<!tpu.dma_semaphore, #tpu.memory_space<semaphore_mem>>)
      %dma_start3A_115 = arith.constant 0 : i32
      %dma_start3A_116 = arith.constant 0 : i32
      %dma_start3A_117 = tpu.memref_slice %arg9[%dma_start3A_115, %dma_start3A_116] : memref<365x128xf32, #tpu.memory_space<vmem>> -> memref<7x128xf32, #tpu.memory_space<vmem>>
      %dma_start3A_118 = arith.constant 896 : i32
      %dma_start3A_119 = tpu.memref_slice %arg10[%scan3A_87, %dma_start3A_118] : memref<32x904xi32, #tpu.memory_space<vmem>> -> memref<1x7xi32, #tpu.memory_space<vmem>>
      %dma_start3A_120 = tpu.memref_squeeze %dma_start3A_119 : memref<1x7xi32, #tpu.memory_space<vmem>> -> memref<7xi32, #tpu.memory_space<vmem>>
      %dma_start3A_121 = arith.constant 0 : i32
      %dma_start3A_122 = arith.constant 0 : i32
      %dma_start3A_123 = tpu.memref_slice %arg3[%dma_start3A_121, %dma_start3A_122] : memref<13000x128xf32, #tpu.memory_space<hbm>> -> memref<13000x128xf32, #tpu.memory_space<hbm>>
      tpu.enqueue_indirect_dma source(%dma_start3A_123 : memref<13000x128xf32, #tpu.memory_space<hbm>>) target(%dma_start3A_117 : memref<7x128xf32, #tpu.memory_space<vmem>>) offsets(%dma_start3A_120 : memref<7xi32, #tpu.memory_space<vmem>>) semaphore(%arg14 : memref<!tpu.dma_semaphore, #tpu.memory_space<semaphore_mem>>)
      %dma_wait3A_124 = arith.constant 0 : i32
      %dma_wait3A_125 = arith.constant 8 : i32
      %dma_wait3A_126 = arith.constant 0 : i32
      %dma_wait3A_127 = tpu.memref_slice %arg8[%dma_wait3A_125, %dma_wait3A_126] : memref<314x128xf32, #tpu.memory_space<vmem>> -> memref<128x128xf32, #tpu.memory_space<vmem>>
      %dma_wait3A_128 = arith.constant 0 : i32
      %dma_wait3A_129 = tpu.memref_slice %arg10[%dma_wait3A_124, %dma_wait3A_128] : memref<32x904xi32, #tpu.memory_space<vmem>> -> memref<1x128xi32, #tpu.memory_space<vmem>>
      %dma_wait3A_130 = tpu.memref_squeeze %dma_wait3A_129 : memref<1x128xi32, #tpu.memory_space<vmem>> -> memref<128xi32, #tpu.memory_space<vmem>>
      %dma_wait3A_131 = arith.constant 0 : i32
      %dma_wait3A_132 = arith.constant 0 : i32
      %dma_wait3A_133 = tpu.memref_slice %arg2[%dma_wait3A_131, %dma_wait3A_132] : memref<13000x128xf32, #tpu.memory_space<hbm>> -> memref<13000x128xf32, #tpu.memory_space<hbm>>
      tpu.wait_indirect_dma semaphore(%arg13 : memref<!tpu.dma_semaphore, #tpu.memory_space<semaphore_mem>>) src(%dma_wait3A_133 : memref<13000x128xf32, #tpu.memory_space<hbm>>) dst(%dma_wait3A_127 : memref<128x128xf32, #tpu.memory_space<vmem>>)
      %dma_wait3A_134 = arith.constant 0 : i32
      %dma_wait3A_135 = arith.constant 136 : i32
      %dma_wait3A_136 = arith.constant 0 : i32
      %dma_wait3A_137 = tpu.memref_slice %arg8[%dma_wait3A_135, %dma_wait3A_136] : memref<314x128xf32, #tpu.memory_space<vmem>> -> memref<128x128xf32, #tpu.memory_space<vmem>>
      %dma_wait3A_138 = arith.constant 128 : i32
      %dma_wait3A_139 = tpu.memref_slice %arg10[%dma_wait3A_134, %dma_wait3A_138] : memref<32x904xi32, #tpu.memory_space<vmem>> -> memref<1x128xi32, #tpu.memory_space<vmem>>
      %dma_wait3A_140 = tpu.memref_squeeze %dma_wait3A_139 : memref<1x128xi32, #tpu.memory_space<vmem>> -> memref<128xi32, #tpu.memory_space<vmem>>
      %dma_wait3A_141 = arith.constant 0 : i32
      %dma_wait3A_142 = arith.constant 0 : i32
      %dma_wait3A_143 = tpu.memref_slice %arg2[%dma_wait3A_141, %dma_wait3A_142] : memref<13000x128xf32, #tpu.memory_space<hbm>> -> memref<13000x128xf32, #tpu.memory_space<hbm>>
      tpu.wait_indirect_dma semaphore(%arg13 : memref<!tpu.dma_semaphore, #tpu.memory_space<semaphore_mem>>) src(%dma_wait3A_143 : memref<13000x128xf32, #tpu.memory_space<hbm>>) dst(%dma_wait3A_137 : memref<128x128xf32, #tpu.memory_space<vmem>>)
      %dma_wait3A_144 = arith.constant 0 : i32
      %dma_wait3A_145 = arith.constant 264 : i32
      %dma_wait3A_146 = arith.constant 0 : i32
      %dma_wait3A_147 = tpu.memref_slice %arg8[%dma_wait3A_145, %dma_wait3A_146] : memref<314x128xf32, #tpu.memory_space<vmem>> -> memref<50x128xf32, #tpu.memory_space<vmem>>
      %dma_wait3A_148 = arith.constant 256 : i32
      %dma_wait3A_149 = tpu.memref_slice %arg10[%dma_wait3A_144, %dma_wait3A_148] : memref<32x904xi32, #tpu.memory_space<vmem>> -> memref<1x50xi32, #tpu.memory_space<vmem>>
      %dma_wait3A_150 = tpu.memref_squeeze %dma_wait3A_149 : memref<1x50xi32, #tpu.memory_space<vmem>> -> memref<50xi32, #tpu.memory_space<vmem>>
      %dma_wait3A_151 = arith.constant 0 : i32
      %dma_wait3A_152 = arith.constant 0 : i32
      %dma_wait3A_153 = tpu.memref_slice %arg2[%dma_wait3A_151, %dma_wait3A_152] : memref<13000x128xf32, #tpu.memory_space<hbm>> -> memref<13000x128xf32, #tpu.memory_space<hbm>>
      tpu.wait_indirect_dma semaphore(%arg13 : memref<!tpu.dma_semaphore, #tpu.memory_space<semaphore_mem>>) src(%dma_wait3A_153 : memref<13000x128xf32, #tpu.memory_space<hbm>>) dst(%dma_wait3A_147 : memref<50x128xf32, #tpu.memory_space<vmem>>)
      %dma_wait3A_154 = arith.constant 0 : i32
      %dma_wait3A_155 = arith.constant 0 : i32
      %dma_wait3A_156 = arith.constant 0 : i32
      %dma_wait3A_157 = tpu.memref_slice %arg8[%dma_wait3A_155, %dma_wait3A_156] : memref<314x128xf32, #tpu.memory_space<vmem>> -> memref<6x128xf32, #tpu.memory_space<vmem>>
      %dma_wait3A_158 = arith.constant 384 : i32
      %dma_wait3A_159 = tpu.memref_slice %arg10[%dma_wait3A_154, %dma_wait3A_158] : memref<32x904xi32, #tpu.memory_space<vmem>> -> memref<1x6xi32, #tpu.memory_space<vmem>>
      %dma_wait3A_160 = tpu.memref_squeeze %dma_wait3A_159 : memref<1x6xi32, #tpu.memory_space<vmem>> -> memref<6xi32, #tpu.memory_space<vmem>>
      %dma_wait3A_161 = arith.constant 0 : i32
      %dma_wait3A_162 = arith.constant 0 : i32
      %dma_wait3A_163 = tpu.memref_slice %arg3[%dma_wait3A_161, %dma_wait3A_162] : memref<13000x128xf32, #tpu.memory_space<hbm>> -> memref<13000x128xf32, #tpu.memory_space<hbm>>
      tpu.wait_indirect_dma semaphore(%arg13 : memref<!tpu.dma_semaphore, #tpu.memory_space<semaphore_mem>>) src(%dma_wait3A_163 : memref<13000x128xf32, #tpu.memory_space<hbm>>) dst(%dma_wait3A_157 : memref<6x128xf32, #tpu.memory_space<vmem>>)
      %scan3A_164 = arith.constant 0 : i32
      %scan3A_165 = arith.constant 6 : i32
      %scan3A_166 = arith.addi %scan3A_164, %scan3A_165 : i32
      %scan3A_167 = arith.constant 1 : i32
      %scan3A_168:24 = scf.for %scan3A_442 = %scan3A_164 to %scan3A_166 step %scan3A_167 iter_args(%scan3A_443 = %broadcast_in_dim3A_3, %scan3A_444 = %broadcast_in_dim3A_3, %scan3A_445 = %broadcast_in_dim3A_3, %scan3A_446 = %broadcast_in_dim3A_3, %scan3A_447 = %broadcast_in_dim3A_3, %scan3A_448 = %broadcast_in_dim3A_3, %scan3A_449 = %broadcast_in_dim3A_3, %scan3A_450 = %broadcast_in_dim3A_3, %scan3A_451 = %broadcast_in_dim3A_3, %scan3A_452 = %broadcast_in_dim3A_3, %scan3A_453 = %broadcast_in_dim3A_3, %scan3A_454 = %broadcast_in_dim3A_3, %scan3A_455 = %broadcast_in_dim3A_3, %scan3A_456 = %broadcast_in_dim3A_3, %scan3A_457 = %broadcast_in_dim3A_3, %scan3A_458 = %broadcast_in_dim3A_3, %scan3A_459 = %broadcast_in_dim3A_3, %scan3A_460 = %broadcast_in_dim3A_3, %scan3A_461 = %broadcast_in_dim3A_3, %scan3A_462 = %broadcast_in_dim3A_3, %scan3A_463 = %broadcast_in_dim3A_3, %scan3A_464 = %broadcast_in_dim3A_3, %scan3A_465 = %broadcast_in_dim3A_3, %scan3A_466 = %broadcast_in_dim3A_3) -> (vector<16xf32>, vector<16xf32>, vector<16xf32>, vector<16xf32>, vector<16xf32>, vector<16xf32>, vector<16xf32>, vector<16xf32>, vector<16xf32>, vector<16xf32>, vector<16xf32>, vector<16xf32>, vector<16xf32>, vector<16xf32>, vector<16xf32>, vector<16xf32>, vector<16xf32>, vector<16xf32>, vector<16xf32>, vector<16xf32>, vector<16xf32>, vector<16xf32>, vector<16xf32>, vector<16xf32>)  : i32 {
        %scan3A_467 = arith.constant 0 : i32
        %scan3A_468 = arith.constant 10 : i32
        %scan3A_469 = arith.addi %scan3A_467, %scan3A_468 : i32
        %scan3A_470 = arith.constant 1 : i32
        %scan3A_471:8 = scf.for %scan3A_813 = %scan3A_467 to %scan3A_469 step %scan3A_470 iter_args(%scan3A_814 = %broadcast_in_dim3A_3, %scan3A_815 = %broadcast_in_dim3A_3, %scan3A_816 = %broadcast_in_dim3A_3, %scan3A_817 = %broadcast_in_dim3A_3, %scan3A_818 = %broadcast_in_dim3A_3, %scan3A_819 = %broadcast_in_dim3A_3, %scan3A_820 = %broadcast_in_dim3A_3, %scan3A_821 = %broadcast_in_dim3A_3) -> (vector<16xf32>, vector<16xf32>, vector<16xf32>, vector<16xf32>, vector<16xf32>, vector<16xf32>, vector<16xf32>, vector<16xf32>)  : i32 {
          %mul3A_822 = arith.constant 50 : i32
          %mul3A_823 = arith.muli %scan3A_442, %mul3A_822 : i32
          %add3A_824 = arith.constant 14 : i32
          %add3A_825 = arith.addi %add3A_824, %mul3A_823 : i32
          %mul3A_826 = arith.constant 5 : i32
          %mul3A_827 = arith.muli %scan3A_813, %mul3A_826 : i32
          %add3A_828 = arith.addi %add3A_825, %mul3A_827 : i32
          %add3A_829 = arith.constant 0 : i32
          %add3A_830 = arith.addi %add3A_828, %add3A_829 : i32
          %get3A_831 = arith.index_cast %add3A_830 : i32 to index
          %get3A_832 = arith.constant 0 : index
          %get3A_833 = tpu.vector_load %arg8[%get3A_831, %get3A_832] {strides = array<i32>} : memref<314x128xf32, #tpu.memory_space<vmem>>, vector<1x16xf32>,
          %get3A_834 = vector.shape_cast %get3A_833 : vector<1x16xf32> to vector<16xf32>
          %get3A_835 = arith.index_cast %add3A_830 : i32 to index
          %get3A_836 = arith.constant 16 : index
          %get3A_837 = tpu.vector_load %arg8[%get3A_835, %get3A_836] {strides = array<i32>} : memref<314x128xf32, #tpu.memory_space<vmem>>, vector<1x16xf32>,
          %get3A_838 = vector.shape_cast %get3A_837 : vector<1x16xf32> to vector<16xf32>
          %get3A_839 = arith.index_cast %add3A_830 : i32 to index
          %get3A_840 = arith.constant 32 : index
          %get3A_841 = tpu.vector_load %arg8[%get3A_839, %get3A_840] {strides = array<i32>} : memref<314x128xf32, #tpu.memory_space<vmem>>, vector<1x16xf32>,
          %get3A_842 = vector.shape_cast %get3A_841 : vector<1x16xf32> to vector<16xf32>
          %get3A_843 = arith.index_cast %add3A_830 : i32 to index
          %get3A_844 = arith.constant 48 : index
          %get3A_845 = tpu.vector_load %arg8[%get3A_843, %get3A_844] {strides = array<i32>} : memref<314x128xf32, #tpu.memory_space<vmem>>, vector<1x16xf32>,
          %get3A_846 = vector.shape_cast %get3A_845 : vector<1x16xf32> to vector<16xf32>
          %get3A_847 = arith.index_cast %add3A_830 : i32 to index
          %get3A_848 = arith.constant 64 : index
          %get3A_849 = tpu.vector_load %arg8[%get3A_847, %get3A_848] {strides = array<i32>} : memref<314x128xf32, #tpu.memory_space<vmem>>, vector<1x16xf32>,
          %get3A_850 = vector.shape_cast %get3A_849 : vector<1x16xf32> to vector<16xf32>
          %get3A_851 = arith.index_cast %add3A_830 : i32 to index
          %get3A_852 = arith.constant 80 : index
          %get3A_853 = tpu.vector_load %arg8[%get3A_851, %get3A_852] {strides = array<i32>} : memref<314x128xf32, #tpu.memory_space<vmem>>, vector<1x16xf32>,
          %get3A_854 = vector.shape_cast %get3A_853 : vector<1x16xf32> to vector<16xf32>
          %get3A_855 = arith.index_cast %add3A_830 : i32 to index
          %get3A_856 = arith.constant 96 : index
          %get3A_857 = tpu.vector_load %arg8[%get3A_855, %get3A_856] {strides = array<i32>} : memref<314x128xf32, #tpu.memory_space<vmem>>, vector<1x16xf32>,
          %get3A_858 = vector.shape_cast %get3A_857 : vector<1x16xf32> to vector<16xf32>
          %get3A_859 = arith.index_cast %add3A_830 : i32 to index
          %get3A_860 = arith.constant 112 : index
          %get3A_861 = tpu.vector_load %arg8[%get3A_859, %get3A_860] {strides = array<i32>} : memref<314x128xf32, #tpu.memory_space<vmem>>, vector<1x16xf32>,
          %get3A_862 = vector.shape_cast %get3A_861 : vector<1x16xf32> to vector<16xf32>
          %add3A_863 = arith.addf %scan3A_814, %get3A_834 : vector<16xf32>
          %add3A_864 = arith.addf %scan3A_815, %get3A_838 : vector<16xf32>
          %add3A_865 = arith.addf %scan3A_816, %get3A_842 : vector<16xf32>
          %add3A_866 = arith.addf %scan3A_817, %get3A_846 : vector<16xf32>
          %add3A_867 = arith.addf %scan3A_818, %get3A_850 : vector<16xf32>
          %add3A_868 = arith.addf %scan3A_819, %get3A_854 : vector<16xf32>
          %add3A_869 = arith.addf %scan3A_820, %get3A_858 : vector<16xf32>
          %add3A_870 = arith.addf %scan3A_821, %get3A_862 : vector<16xf32>
          %mul3A_871 = arith.constant 50 : i32
          %mul3A_872 = arith.muli %scan3A_442, %mul3A_871 : i32
          %add3A_873 = arith.constant 14 : i32
          %add3A_874 = arith.addi %add3A_873, %mul3A_872 : i32
          %mul3A_875 = arith.constant 5 : i32
          %mul3A_876 = arith.muli %scan3A_813, %mul3A_875 : i32
          %add3A_877 = arith.addi %add3A_874, %mul3A_876 : i32
          %add3A_878 = arith.constant 1 : i32
          %add3A_879 = arith.addi %add3A_877, %add3A_878 : i32
          %get3A_880 = arith.index_cast %add3A_879 : i32 to index
          %get3A_881 = arith.constant 0 : index
          %get3A_882 = tpu.vector_load %arg8[%get3A_880, %get3A_881] {strides = array<i32>} : memref<314x128xf32, #tpu.memory_space<vmem>>, vector<1x16xf32>,
          %get3A_883 = vector.shape_cast %get3A_882 : vector<1x16xf32> to vector<16xf32>
          %get3A_884 = arith.index_cast %add3A_879 : i32 to index
          %get3A_885 = arith.constant 16 : index
          %get3A_886 = tpu.vector_load %arg8[%get3A_884, %get3A_885] {strides = array<i32>} : memref<314x128xf32, #tpu.memory_space<vmem>>, vector<1x16xf32>,
          %get3A_887 = vector.shape_cast %get3A_886 : vector<1x16xf32> to vector<16xf32>
          %get3A_888 = arith.index_cast %add3A_879 : i32 to index
          %get3A_889 = arith.constant 32 : index
          %get3A_890 = tpu.vector_load %arg8[%get3A_888, %get3A_889] {strides = array<i32>} : memref<314x128xf32, #tpu.memory_space<vmem>>, vector<1x16xf32>,
          %get3A_891 = vector.shape_cast %get3A_890 : vector<1x16xf32> to vector<16xf32>
          %get3A_892 = arith.index_cast %add3A_879 : i32 to index
          %get3A_893 = arith.constant 48 : index
          %get3A_894 = tpu.vector_load %arg8[%get3A_892, %get3A_893] {strides = array<i32>} : memref<314x128xf32, #tpu.memory_space<vmem>>, vector<1x16xf32>,
          %get3A_895 = vector.shape_cast %get3A_894 : vector<1x16xf32> to vector<16xf32>
          %get3A_896 = arith.index_cast %add3A_879 : i32 to index
          %get3A_897 = arith.constant 64 : index
          %get3A_898 = tpu.vector_load %arg8[%get3A_896, %get3A_897] {strides = array<i32>} : memref<314x128xf32, #tpu.memory_space<vmem>>, vector<1x16xf32>,
          %get3A_899 = vector.shape_cast %get3A_898 : vector<1x16xf32> to vector<16xf32>
          %get3A_900 = arith.index_cast %add3A_879 : i32 to index
          %get3A_901 = arith.constant 80 : index
          %get3A_902 = tpu.vector_load %arg8[%get3A_900, %get3A_901] {strides = array<i32>} : memref<314x128xf32, #tpu.memory_space<vmem>>, vector<1x16xf32>,
          %get3A_903 = vector.shape_cast %get3A_902 : vector<1x16xf32> to vector<16xf32>
          %get3A_904 = arith.index_cast %add3A_879 : i32 to index
          %get3A_905 = arith.constant 96 : index
          %get3A_906 = tpu.vector_load %arg8[%get3A_904, %get3A_905] {strides = array<i32>} : memref<314x128xf32, #tpu.memory_space<vmem>>, vector<1x16xf32>,
          %get3A_907 = vector.shape_cast %get3A_906 : vector<1x16xf32> to vector<16xf32>
          %get3A_908 = arith.index_cast %add3A_879 : i32 to index
          %get3A_909 = arith.constant 112 : index
          %get3A_910 = tpu.vector_load %arg8[%get3A_908, %get3A_909] {strides = array<i32>} : memref<314x128xf32, #tpu.memory_space<vmem>>, vector<1x16xf32>,
          %get3A_911 = vector.shape_cast %get3A_910 : vector<1x16xf32> to vector<16xf32>
          %add3A_912 = arith.addf %add3A_863, %get3A_883 : vector<16xf32>
          %add3A_913 = arith.addf %add3A_864, %get3A_887 : vector<16xf32>
          %add3A_914 = arith.addf %add3A_865, %get3A_891 : vector<16xf32>
          %add3A_915 = arith.addf %add3A_866, %get3A_895 : vector<16xf32>
          %add3A_916 = arith.addf %add3A_867, %get3A_899 : vector<16xf32>
          %add3A_917 = arith.addf %add3A_868, %get3A_903 : vector<16xf32>
          %add3A_918 = arith.addf %add3A_869, %get3A_907 : vector<16xf32>
          %add3A_919 = arith.addf %add3A_870, %get3A_911 : vector<16xf32>
          %mul3A_920 = arith.constant 50 : i32
          %mul3A_921 = arith.muli %scan3A_442, %mul3A_920 : i32
          %add3A_922 = arith.constant 14 : i32
          %add3A_923 = arith.addi %add3A_922, %mul3A_921 : i32
          %mul3A_924 = arith.constant 5 : i32
          %mul3A_925 = arith.muli %scan3A_813, %mul3A_924 : i32
          %add3A_926 = arith.addi %add3A_923, %mul3A_925 : i32
          %add3A_927 = arith.constant 2 : i32
          %add3A_928 = arith.addi %add3A_926, %add3A_927 : i32
          %get3A_929 = arith.index_cast %add3A_928 : i32 to index
          %get3A_930 = arith.constant 0 : index
          %get3A_931 = tpu.vector_load %arg8[%get3A_929, %get3A_930] {strides = array<i32>} : memref<314x128xf32, #tpu.memory_space<vmem>>, vector<1x16xf32>,
          %get3A_932 = vector.shape_cast %get3A_931 : vector<1x16xf32> to vector<16xf32>
          %get3A_933 = arith.index_cast %add3A_928 : i32 to index
          %get3A_934 = arith.constant 16 : index
          %get3A_935 = tpu.vector_load %arg8[%get3A_933, %get3A_934] {strides = array<i32>} : memref<314x128xf32, #tpu.memory_space<vmem>>, vector<1x16xf32>,
          %get3A_936 = vector.shape_cast %get3A_935 : vector<1x16xf32> to vector<16xf32>
          %get3A_937 = arith.index_cast %add3A_928 : i32 to index
          %get3A_938 = arith.constant 32 : index
          %get3A_939 = tpu.vector_load %arg8[%get3A_937, %get3A_938] {strides = array<i32>} : memref<314x128xf32, #tpu.memory_space<vmem>>, vector<1x16xf32>,
          %get3A_940 = vector.shape_cast %get3A_939 : vector<1x16xf32> to vector<16xf32>
          %get3A_941 = arith.index_cast %add3A_928 : i32 to index
          %get3A_942 = arith.constant 48 : index
          %get3A_943 = tpu.vector_load %arg8[%get3A_941, %get3A_942] {strides = array<i32>} : memref<314x128xf32, #tpu.memory_space<vmem>>, vector<1x16xf32>,
          %get3A_944 = vector.shape_cast %get3A_943 : vector<1x16xf32> to vector<16xf32>
          %get3A_945 = arith.index_cast %add3A_928 : i32 to index
          %get3A_946 = arith.constant 64 : index
          %get3A_947 = tpu.vector_load %arg8[%get3A_945, %get3A_946] {strides = array<i32>} : memref<314x128xf32, #tpu.memory_space<vmem>>, vector<1x16xf32>,
          %get3A_948 = vector.shape_cast %get3A_947 : vector<1x16xf32> to vector<16xf32>
          %get3A_949 = arith.index_cast %add3A_928 : i32 to index
          %get3A_950 = arith.constant 80 : index
          %get3A_951 = tpu.vector_load %arg8[%get3A_949, %get3A_950] {strides = array<i32>} : memref<314x128xf32, #tpu.memory_space<vmem>>, vector<1x16xf32>,
          %get3A_952 = vector.shape_cast %get3A_951 : vector<1x16xf32> to vector<16xf32>
          %get3A_953 = arith.index_cast %add3A_928 : i32 to index
          %get3A_954 = arith.constant 96 : index
          %get3A_955 = tpu.vector_load %arg8[%get3A_953, %get3A_954] {strides = array<i32>} : memref<314x128xf32, #tpu.memory_space<vmem>>, vector<1x16xf32>,
          %get3A_956 = vector.shape_cast %get3A_955 : vector<1x16xf32> to vector<16xf32>
          %get3A_957 = arith.index_cast %add3A_928 : i32 to index
          %get3A_958 = arith.constant 112 : index
          %get3A_959 = tpu.vector_load %arg8[%get3A_957, %get3A_958] {strides = array<i32>} : memref<314x128xf32, #tpu.memory_space<vmem>>, vector<1x16xf32>,
          %get3A_960 = vector.shape_cast %get3A_959 : vector<1x16xf32> to vector<16xf32>
          %add3A_961 = arith.addf %add3A_912, %get3A_932 : vector<16xf32>
          %add3A_962 = arith.addf %add3A_913, %get3A_936 : vector<16xf32>
          %add3A_963 = arith.addf %add3A_914, %get3A_940 : vector<16xf32>
          %add3A_964 = arith.addf %add3A_915, %get3A_944 : vector<16xf32>
          %add3A_965 = arith.addf %add3A_916, %get3A_948 : vector<16xf32>
          %add3A_966 = arith.addf %add3A_917, %get3A_952 : vector<16xf32>
          %add3A_967 = arith.addf %add3A_918, %get3A_956 : vector<16xf32>
          %add3A_968 = arith.addf %add3A_919, %get3A_960 : vector<16xf32>
          %mul3A_969 = arith.constant 50 : i32
          %mul3A_970 = arith.muli %scan3A_442, %mul3A_969 : i32
          %add3A_971 = arith.constant 14 : i32
          %add3A_972 = arith.addi %add3A_971, %mul3A_970 : i32
          %mul3A_973 = arith.constant 5 : i32
          %mul3A_974 = arith.muli %scan3A_813, %mul3A_973 : i32
          %add3A_975 = arith.addi %add3A_972, %mul3A_974 : i32
          %add3A_976 = arith.constant 3 : i32
          %add3A_977 = arith.addi %add3A_975, %add3A_976 : i32
          %get3A_978 = arith.index_cast %add3A_977 : i32 to index
          %get3A_979 = arith.constant 0 : index
          %get3A_980 = tpu.vector_load %arg8[%get3A_978, %get3A_979] {strides = array<i32>} : memref<314x128xf32, #tpu.memory_space<vmem>>, vector<1x16xf32>,
          %get3A_981 = vector.shape_cast %get3A_980 : vector<1x16xf32> to vector<16xf32>
          %get3A_982 = arith.index_cast %add3A_977 : i32 to index
          %get3A_983 = arith.constant 16 : index
          %get3A_984 = tpu.vector_load %arg8[%get3A_982, %get3A_983] {strides = array<i32>} : memref<314x128xf32, #tpu.memory_space<vmem>>, vector<1x16xf32>,
          %get3A_985 = vector.shape_cast %get3A_984 : vector<1x16xf32> to vector<16xf32>
          %get3A_986 = arith.index_cast %add3A_977 : i32 to index
          %get3A_987 = arith.constant 32 : index
          %get3A_988 = tpu.vector_load %arg8[%get3A_986, %get3A_987] {strides = array<i32>} : memref<314x128xf32, #tpu.memory_space<vmem>>, vector<1x16xf32>,
          %get3A_989 = vector.shape_cast %get3A_988 : vector<1x16xf32> to vector<16xf32>
          %get3A_990 = arith.index_cast %add3A_977 : i32 to index
          %get3A_991 = arith.constant 48 : index
          %get3A_992 = tpu.vector_load %arg8[%get3A_990, %get3A_991] {strides = array<i32>} : memref<314x128xf32, #tpu.memory_space<vmem>>, vector<1x16xf32>,
          %get3A_993 = vector.shape_cast %get3A_992 : vector<1x16xf32> to vector<16xf32>
          %get3A_994 = arith.index_cast %add3A_977 : i32 to index
          %get3A_995 = arith.constant 64 : index
          %get3A_996 = tpu.vector_load %arg8[%get3A_994, %get3A_995] {strides = array<i32>} : memref<314x128xf32, #tpu.memory_space<vmem>>, vector<1x16xf32>,
          %get3A_997 = vector.shape_cast %get3A_996 : vector<1x16xf32> to vector<16xf32>
          %get3A_998 = arith.index_cast %add3A_977 : i32 to index
          %get3A_999 = arith.constant 80 : index
          %get3A_1000 = tpu.vector_load %arg8[%get3A_998, %get3A_999] {strides = array<i32>} : memref<314x128xf32, #tpu.memory_space<vmem>>, vector<1x16xf32>,
          %get3A_1001 = vector.shape_cast %get3A_1000 : vector<1x16xf32> to vector<16xf32>
          %get3A_1002 = arith.index_cast %add3A_977 : i32 to index
          %get3A_1003 = arith.constant 96 : index
          %get3A_1004 = tpu.vector_load %arg8[%get3A_1002, %get3A_1003] {strides = array<i32>} : memref<314x128xf32, #tpu.memory_space<vmem>>, vector<1x16xf32>,
          %get3A_1005 = vector.shape_cast %get3A_1004 : vector<1x16xf32> to vector<16xf32>
          %get3A_1006 = arith.index_cast %add3A_977 : i32 to index
          %get3A_1007 = arith.constant 112 : index
          %get3A_1008 = tpu.vector_load %arg8[%get3A_1006, %get3A_1007] {strides = array<i32>} : memref<314x128xf32, #tpu.memory_space<vmem>>, vector<1x16xf32>,
          %get3A_1009 = vector.shape_cast %get3A_1008 : vector<1x16xf32> to vector<16xf32>
          %add3A_1010 = arith.addf %add3A_961, %get3A_981 : vector<16xf32>
          %add3A_1011 = arith.addf %add3A_962, %get3A_985 : vector<16xf32>
          %add3A_1012 = arith.addf %add3A_963, %get3A_989 : vector<16xf32>
          %add3A_1013 = arith.addf %add3A_964, %get3A_993 : vector<16xf32>
          %add3A_1014 = arith.addf %add3A_965, %get3A_997 : vector<16xf32>
          %add3A_1015 = arith.addf %add3A_966, %get3A_1001 : vector<16xf32>
          %add3A_1016 = arith.addf %add3A_967, %get3A_1005 : vector<16xf32>
          %add3A_1017 = arith.addf %add3A_968, %get3A_1009 : vector<16xf32>
          %mul3A_1018 = arith.constant 50 : i32
          %mul3A_1019 = arith.muli %scan3A_442, %mul3A_1018 : i32
          %add3A_1020 = arith.constant 14 : i32
          %add3A_1021 = arith.addi %add3A_1020, %mul3A_1019 : i32
          %mul3A_1022 = arith.constant 5 : i32
          %mul3A_1023 = arith.muli %scan3A_813, %mul3A_1022 : i32
          %add3A_1024 = arith.addi %add3A_1021, %mul3A_1023 : i32
          %add3A_1025 = arith.constant 4 : i32
          %add3A_1026 = arith.addi %add3A_1024, %add3A_1025 : i32
          %get3A_1027 = arith.index_cast %add3A_1026 : i32 to index
          %get3A_1028 = arith.constant 0 : index
          %get3A_1029 = tpu.vector_load %arg8[%get3A_1027, %get3A_1028] {strides = array<i32>} : memref<314x128xf32, #tpu.memory_space<vmem>>, vector<1x16xf32>,
          %get3A_1030 = vector.shape_cast %get3A_1029 : vector<1x16xf32> to vector<16xf32>
          %get3A_1031 = arith.index_cast %add3A_1026 : i32 to index
          %get3A_1032 = arith.constant 16 : index
          %get3A_1033 = tpu.vector_load %arg8[%get3A_1031, %get3A_1032] {strides = array<i32>} : memref<314x128xf32, #tpu.memory_space<vmem>>, vector<1x16xf32>,
          %get3A_1034 = vector.shape_cast %get3A_1033 : vector<1x16xf32> to vector<16xf32>
          %get3A_1035 = arith.index_cast %add3A_1026 : i32 to index
          %get3A_1036 = arith.constant 32 : index
          %get3A_1037 = tpu.vector_load %arg8[%get3A_1035, %get3A_1036] {strides = array<i32>} : memref<314x128xf32, #tpu.memory_space<vmem>>, vector<1x16xf32>,
          %get3A_1038 = vector.shape_cast %get3A_1037 : vector<1x16xf32> to vector<16xf32>
          %get3A_1039 = arith.index_cast %add3A_1026 : i32 to index
          %get3A_1040 = arith.constant 48 : index
          %get3A_1041 = tpu.vector_load %arg8[%get3A_1039, %get3A_1040] {strides = array<i32>} : memref<314x128xf32, #tpu.memory_space<vmem>>, vector<1x16xf32>,
          %get3A_1042 = vector.shape_cast %get3A_1041 : vector<1x16xf32> to vector<16xf32>
          %get3A_1043 = arith.index_cast %add3A_1026 : i32 to index
          %get3A_1044 = arith.constant 64 : index
          %get3A_1045 = tpu.vector_load %arg8[%get3A_1043, %get3A_1044] {strides = array<i32>} : memref<314x128xf32, #tpu.memory_space<vmem>>, vector<1x16xf32>,
          %get3A_1046 = vector.shape_cast %get3A_1045 : vector<1x16xf32> to vector<16xf32>
          %get3A_1047 = arith.index_cast %add3A_1026 : i32 to index
          %get3A_1048 = arith.constant 80 : index
          %get3A_1049 = tpu.vector_load %arg8[%get3A_1047, %get3A_1048] {strides = array<i32>} : memref<314x128xf32, #tpu.memory_space<vmem>>, vector<1x16xf32>,
          %get3A_1050 = vector.shape_cast %get3A_1049 : vector<1x16xf32> to vector<16xf32>
          %get3A_1051 = arith.index_cast %add3A_1026 : i32 to index
          %get3A_1052 = arith.constant 96 : index
          %get3A_1053 = tpu.vector_load %arg8[%get3A_1051, %get3A_1052] {strides = array<i32>} : memref<314x128xf32, #tpu.memory_space<vmem>>, vector<1x16xf32>,
          %get3A_1054 = vector.shape_cast %get3A_1053 : vector<1x16xf32> to vector<16xf32>
          %get3A_1055 = arith.index_cast %add3A_1026 : i32 to index
          %get3A_1056 = arith.constant 112 : index
          %get3A_1057 = tpu.vector_load %arg8[%get3A_1055, %get3A_1056] {strides = array<i32>} : memref<314x128xf32, #tpu.memory_space<vmem>>, vector<1x16xf32>,
          %get3A_1058 = vector.shape_cast %get3A_1057 : vector<1x16xf32> to vector<16xf32>
          %add3A_1059 = arith.addf %add3A_1010, %get3A_1030 : vector<16xf32>
          %add3A_1060 = arith.addf %add3A_1011, %get3A_1034 : vector<16xf32>
          %add3A_1061 = arith.addf %add3A_1012, %get3A_1038 : vector<16xf32>
          %add3A_1062 = arith.addf %add3A_1013, %get3A_1042 : vector<16xf32>
          %add3A_1063 = arith.addf %add3A_1014, %get3A_1046 : vector<16xf32>
          %add3A_1064 = arith.addf %add3A_1015, %get3A_1050 : vector<16xf32>
          %add3A_1065 = arith.addf %add3A_1016, %get3A_1054 : vector<16xf32>
          %add3A_1066 = arith.addf %add3A_1017, %get3A_1058 : vector<16xf32>
          scf.yield %add3A_1059, %add3A_1060, %add3A_1061, %add3A_1062, %add3A_1063, %add3A_1064, %add3A_1065, %add3A_1066 : vector<16xf32>, vector<16xf32>, vector<16xf32>, vector<16xf32>, vector<16xf32>, vector<16xf32>, vector<16xf32>, vector<16xf32>
        }
        %scan3A_472 = arith.constant 10 : i32
        %add3A_473 = arith.constant 8 : i32
        %add3A_474 = arith.addi %add3A_473, %scan3A_442 : i32
        %get3A_475 = arith.index_cast %add3A_474 : i32 to index
        %get3A_476 = arith.constant 0 : index
        %get3A_477 = tpu.vector_load %arg8[%get3A_475, %get3A_476] {strides = array<i32>} : memref<314x128xf32, #tpu.memory_space<vmem>>, vector<1x16xf32>,
        %get3A_478 = vector.shape_cast %get3A_477 : vector<1x16xf32> to vector<16xf32>
        %get3A_479 = arith.index_cast %add3A_474 : i32 to index
        %get3A_480 = arith.constant 16 : index
        %get3A_481 = tpu.vector_load %arg8[%get3A_479, %get3A_480] {strides = array<i32>} : memref<314x128xf32, #tpu.memory_space<vmem>>, vector<1x16xf32>,
        %get3A_482 = vector.shape_cast %get3A_481 : vector<1x16xf32> to vector<16xf32>
        %get3A_483 = arith.index_cast %add3A_474 : i32 to index
        %get3A_484 = arith.constant 32 : index
        %get3A_485 = tpu.vector_load %arg8[%get3A_483, %get3A_484] {strides = array<i32>} : memref<314x128xf32, #tpu.memory_space<vmem>>, vector<1x16xf32>,
        %get3A_486 = vector.shape_cast %get3A_485 : vector<1x16xf32> to vector<16xf32>
        %get3A_487 = arith.index_cast %add3A_474 : i32 to index
        %get3A_488 = arith.constant 48 : index
        %get3A_489 = tpu.vector_load %arg8[%get3A_487, %get3A_488] {strides = array<i32>} : memref<314x128xf32, #tpu.memory_space<vmem>>, vector<1x16xf32>,
        %get3A_490 = vector.shape_cast %get3A_489 : vector<1x16xf32> to vector<16xf32>
        %get3A_491 = arith.index_cast %add3A_474 : i32 to index
        %get3A_492 = arith.constant 64 : index
        %get3A_493 = tpu.vector_load %arg8[%get3A_491, %get3A_492] {strides = array<i32>} : memref<314x128xf32, #tpu.memory_space<vmem>>, vector<1x16xf32>,
        %get3A_494 = vector.shape_cast %get3A_493 : vector<1x16xf32> to vector<16xf32>
        %get3A_495 = arith.index_cast %add3A_474 : i32 to index
        %get3A_496 = arith.constant 80 : index
        %get3A_497 = tpu.vector_load %arg8[%get3A_495, %get3A_496] {strides = array<i32>} : memref<314x128xf32, #tpu.memory_space<vmem>>, vector<1x16xf32>,
        %get3A_498 = vector.shape_cast %get3A_497 : vector<1x16xf32> to vector<16xf32>
        %get3A_499 = arith.index_cast %add3A_474 : i32 to index
        %get3A_500 = arith.constant 96 : index
        %get3A_501 = tpu.vector_load %arg8[%get3A_499, %get3A_500] {strides = array<i32>} : memref<314x128xf32, #tpu.memory_space<vmem>>, vector<1x16xf32>,
        %get3A_502 = vector.shape_cast %get3A_501 : vector<1x16xf32> to vector<16xf32>
        %get3A_503 = arith.index_cast %add3A_474 : i32 to index
        %get3A_504 = arith.constant 112 : index
        %get3A_505 = tpu.vector_load %arg8[%get3A_503, %get3A_504] {strides = array<i32>} : memref<314x128xf32, #tpu.memory_space<vmem>>, vector<1x16xf32>,
        %get3A_506 = vector.shape_cast %get3A_505 : vector<1x16xf32> to vector<16xf32>
        %get3A_507 = arith.index_cast %scan3A_442 : i32 to index
        %get3A_508 = arith.constant 0 : index
        %get3A_509 = tpu.vector_load %arg8[%get3A_507, %get3A_508] {strides = array<i32>} : memref<314x128xf32, #tpu.memory_space<vmem>>, vector<1x16xf32>,
        %get3A_510 = vector.shape_cast %get3A_509 : vector<1x16xf32> to vector<16xf32>
        %get3A_511 = arith.index_cast %scan3A_442 : i32 to index
        %get3A_512 = arith.constant 16 : index
        %get3A_513 = tpu.vector_load %arg8[%get3A_511, %get3A_512] {strides = array<i32>} : memref<314x128xf32, #tpu.memory_space<vmem>>, vector<1x16xf32>,
        %get3A_514 = vector.shape_cast %get3A_513 : vector<1x16xf32> to vector<16xf32>
        %get3A_515 = arith.index_cast %scan3A_442 : i32 to index
        %get3A_516 = arith.constant 32 : index
        %get3A_517 = tpu.vector_load %arg8[%get3A_515, %get3A_516] {strides = array<i32>} : memref<314x128xf32, #tpu.memory_space<vmem>>, vector<1x16xf32>,
        %get3A_518 = vector.shape_cast %get3A_517 : vector<1x16xf32> to vector<16xf32>
        %get3A_519 = arith.index_cast %scan3A_442 : i32 to index
        %get3A_520 = arith.constant 48 : index
        %get3A_521 = tpu.vector_load %arg8[%get3A_519, %get3A_520] {strides = array<i32>} : memref<314x128xf32, #tpu.memory_space<vmem>>, vector<1x16xf32>,
        %get3A_522 = vector.shape_cast %get3A_521 : vector<1x16xf32> to vector<16xf32>
        %get3A_523 = arith.index_cast %scan3A_442 : i32 to index
        %get3A_524 = arith.constant 64 : index
        %get3A_525 = tpu.vector_load %arg8[%get3A_523, %get3A_524] {strides = array<i32>} : memref<314x128xf32, #tpu.memory_space<vmem>>, vector<1x16xf32>,
        %get3A_526 = vector.shape_cast %get3A_525 : vector<1x16xf32> to vector<16xf32>
        %get3A_527 = arith.index_cast %scan3A_442 : i32 to index
        %get3A_528 = arith.constant 80 : index
        %get3A_529 = tpu.vector_load %arg8[%get3A_527, %get3A_528] {strides = array<i32>} : memref<314x128xf32, #tpu.memory_space<vmem>>, vector<1x16xf32>,
        %get3A_530 = vector.shape_cast %get3A_529 : vector<1x16xf32> to vector<16xf32>
        %get3A_531 = arith.index_cast %scan3A_442 : i32 to index
        %get3A_532 = arith.constant 96 : index
        %get3A_533 = tpu.vector_load %arg8[%get3A_531, %get3A_532] {strides = array<i32>} : memref<314x128xf32, #tpu.memory_space<vmem>>, vector<1x16xf32>,
        %get3A_534 = vector.shape_cast %get3A_533 : vector<1x16xf32> to vector<16xf32>
        %get3A_535 = arith.index_cast %scan3A_442 : i32 to index
        %get3A_536 = arith.constant 112 : index
        %get3A_537 = tpu.vector_load %arg8[%get3A_535, %get3A_536] {strides = array<i32>} : memref<314x128xf32, #tpu.memory_space<vmem>>, vector<1x16xf32>,
        %get3A_538 = vector.shape_cast %get3A_537 : vector<1x16xf32> to vector<16xf32>
        %add3A_539 = arith.constant 0 : i32
        %add3A_540 = arith.addi %add3A_539, %scan3A_442 : i32
        %mul3A_541 = arith.constant 2.000000e-02 : f32
        %mul3A_542 = vector.broadcast %mul3A_541 : f32 to vector<16xf32>
        %mul3A_543 = arith.mulf %scan3A_471#0, %mul3A_542 : vector<16xf32>
        %get3A_544 = arith.index_cast %add3A_540 : i32 to index
        %get3A_545 = arith.constant 0 : index
        %get3A_546 = tpu.vector_load %arg12[%get3A_544, %get3A_545] {strides = array<i32>} : memref<40x128xf32, #tpu.memory_space<vmem>>, vector<1x16xf32>,
        %get3A_547 = vector.shape_cast %get3A_546 : vector<1x16xf32> to vector<16xf32>
        %add3A_548 = arith.constant 13 : i32
        %add3A_549 = arith.addi %add3A_548, %add3A_540 : i32
        %get3A_550 = arith.index_cast %add3A_549 : i32 to index
        %get3A_551 = arith.constant 0 : index
        %get3A_552 = tpu.vector_load %arg12[%get3A_550, %get3A_551] {strides = array<i32>} : memref<40x128xf32, #tpu.memory_space<vmem>>, vector<1x16xf32>,
        %get3A_553 = vector.shape_cast %get3A_552 : vector<1x16xf32> to vector<16xf32>
        %add3A_554 = arith.constant 26 : i32
        %add3A_555 = arith.addi %add3A_554, %add3A_540 : i32
        %get3A_556 = arith.index_cast %add3A_555 : i32 to index
        %get3A_557 = arith.constant 0 : index
        %get3A_558 = tpu.vector_load %arg12[%get3A_556, %get3A_557] {strides = array<i32>} : memref<40x128xf32, #tpu.memory_space<vmem>>, vector<1x16xf32>,
        %get3A_559 = vector.shape_cast %get3A_558 : vector<1x16xf32> to vector<16xf32>
        %add3A_560 = arith.addf %scan3A_443, %get3A_478 : vector<16xf32>
        %add3A_561 = arith.addf %add3A_560, %get3A_510 : vector<16xf32>
        %add3A_562 = arith.addf %add3A_561, %mul3A_543 : vector<16xf32>
        %mul3A_563 = arith.mulf %get3A_478, %get3A_478 : vector<16xf32>
        %add3A_564 = arith.addf %scan3A_451, %mul3A_563 : vector<16xf32>
        %mul3A_565 = arith.mulf %get3A_510, %get3A_510 : vector<16xf32>
        %add3A_566 = arith.addf %add3A_564, %mul3A_565 : vector<16xf32>
        %mul3A_567 = arith.mulf %mul3A_543, %mul3A_543 : vector<16xf32>
        %add3A_568 = arith.addf %add3A_566, %mul3A_567 : vector<16xf32>
        %mul3A_569 = arith.mulf %get3A_478, %get3A_547 : vector<16xf32>
        %add3A_570 = arith.addf %scan3A_459, %mul3A_569 : vector<16xf32>
        %mul3A_571 = arith.mulf %get3A_510, %get3A_559 : vector<16xf32>
        %add3A_572 = arith.addf %add3A_570, %mul3A_571 : vector<16xf32>
        %mul3A_573 = arith.mulf %mul3A_543, %get3A_553 : vector<16xf32>
        %add3A_574 = arith.addf %add3A_572, %mul3A_573 : vector<16xf32>
        %mul3A_575 = arith.constant 2.000000e-02 : f32
        %mul3A_576 = vector.broadcast %mul3A_575 : f32 to vector<16xf32>
        %mul3A_577 = arith.mulf %scan3A_471#1, %mul3A_576 : vector<16xf32>
        %get3A_578 = arith.index_cast %add3A_540 : i32 to index
        %get3A_579 = arith.constant 16 : index
        %get3A_580 = tpu.vector_load %arg12[%get3A_578, %get3A_579] {strides = array<i32>} : memref<40x128xf32, #tpu.memory_space<vmem>>, vector<1x16xf32>,
        %get3A_581 = vector.shape_cast %get3A_580 : vector<1x16xf32> to vector<16xf32>
        %add3A_582 = arith.constant 13 : i32
        %add3A_583 = arith.addi %add3A_582, %add3A_540 : i32
        %get3A_584 = arith.index_cast %add3A_583 : i32 to index
        %get3A_585 = arith.constant 16 : index
        %get3A_586 = tpu.vector_load %arg12[%get3A_584, %get3A_585] {strides = array<i32>} : memref<40x128xf32, #tpu.memory_space<vmem>>, vector<1x16xf32>,
        %get3A_587 = vector.shape_cast %get3A_586 : vector<1x16xf32> to vector<16xf32>
        %add3A_588 = arith.constant 26 : i32
        %add3A_589 = arith.addi %add3A_588, %add3A_540 : i32
        %get3A_590 = arith.index_cast %add3A_589 : i32 to index
        %get3A_591 = arith.constant 16 : index
        %get3A_592 = tpu.vector_load %arg12[%get3A_590, %get3A_591] {strides = array<i32>} : memref<40x128xf32, #tpu.memory_space<vmem>>, vector<1x16xf32>,
        %get3A_593 = vector.shape_cast %get3A_592 : vector<1x16xf32> to vector<16xf32>
        %add3A_594 = arith.addf %scan3A_444, %get3A_482 : vector<16xf32>
        %add3A_595 = arith.addf %add3A_594, %get3A_514 : vector<16xf32>
        %add3A_596 = arith.addf %add3A_595, %mul3A_577 : vector<16xf32>
        %mul3A_597 = arith.mulf %get3A_482, %get3A_482 : vector<16xf32>
        %add3A_598 = arith.addf %scan3A_452, %mul3A_597 : vector<16xf32>
        %mul3A_599 = arith.mulf %get3A_514, %get3A_514 : vector<16xf32>
        %add3A_600 = arith.addf %add3A_598, %mul3A_599 : vector<16xf32>
        %mul3A_601 = arith.mulf %mul3A_577, %mul3A_577 : vector<16xf32>
        %add3A_602 = arith.addf %add3A_600, %mul3A_601 : vector<16xf32>
        %mul3A_603 = arith.mulf %get3A_482, %get3A_581 : vector<16xf32>
        %add3A_604 = arith.addf %scan3A_460, %mul3A_603 : vector<16xf32>
        %mul3A_605 = arith.mulf %get3A_514, %get3A_593 : vector<16xf32>
        %add3A_606 = arith.addf %add3A_604, %mul3A_605 : vector<16xf32>
        %mul3A_607 = arith.mulf %mul3A_577, %get3A_587 : vector<16xf32>
        %add3A_608 = arith.addf %add3A_606, %mul3A_607 : vector<16xf32>
        %mul3A_609 = arith.constant 2.000000e-02 : f32
        %mul3A_610 = vector.broadcast %mul3A_609 : f32 to vector<16xf32>
        %mul3A_611 = arith.mulf %scan3A_471#2, %mul3A_610 : vector<16xf32>
        %get3A_612 = arith.index_cast %add3A_540 : i32 to index
        %get3A_613 = arith.constant 32 : index
        %get3A_614 = tpu.vector_load %arg12[%get3A_612, %get3A_613] {strides = array<i32>} : memref<40x128xf32, #tpu.memory_space<vmem>>, vector<1x16xf32>,
        %get3A_615 = vector.shape_cast %get3A_614 : vector<1x16xf32> to vector<16xf32>
        %add3A_616 = arith.constant 13 : i32
        %add3A_617 = arith.addi %add3A_616, %add3A_540 : i32
        %get3A_618 = arith.index_cast %add3A_617 : i32 to index
        %get3A_619 = arith.constant 32 : index
        %get3A_620 = tpu.vector_load %arg12[%get3A_618, %get3A_619] {strides = array<i32>} : memref<40x128xf32, #tpu.memory_space<vmem>>, vector<1x16xf32>,
        %get3A_621 = vector.shape_cast %get3A_620 : vector<1x16xf32> to vector<16xf32>
        %add3A_622 = arith.constant 26 : i32
        %add3A_623 = arith.addi %add3A_622, %add3A_540 : i32
        %get3A_624 = arith.index_cast %add3A_623 : i32 to index
        %get3A_625 = arith.constant 32 : index
        %get3A_626 = tpu.vector_load %arg12[%get3A_624, %get3A_625] {strides = array<i32>} : memref<40x128xf32, #tpu.memory_space<vmem>>, vector<1x16xf32>,
        %get3A_627 = vector.shape_cast %get3A_626 : vector<1x16xf32> to vector<16xf32>
        %add3A_628 = arith.addf %scan3A_445, %get3A_486 : vector<16xf32>
        %add3A_629 = arith.addf %add3A_628, %get3A_518 : vector<16xf32>
        %add3A_630 = arith.addf %add3A_629, %mul3A_611 : vector<16xf32>
        %mul3A_631 = arith.mulf %get3A_486, %get3A_486 : vector<16xf32>
        %add3A_632 = arith.addf %scan3A_453, %mul3A_631 : vector<16xf32>
        %mul3A_633 = arith.mulf %get3A_518, %get3A_518 : vector<16xf32>
        %add3A_634 = arith.addf %add3A_632, %mul3A_633 : vector<16xf32>
        %mul3A_635 = arith.mulf %mul3A_611, %mul3A_611 : vector<16xf32>
        %add3A_636 = arith.addf %add3A_634, %mul3A_635 : vector<16xf32>
        %mul3A_637 = arith.mulf %get3A_486, %get3A_615 : vector<16xf32>
        %add3A_638 = arith.addf %scan3A_461, %mul3A_637 : vector<16xf32>
        %mul3A_639 = arith.mulf %get3A_518, %get3A_627 : vector<16xf32>
        %add3A_640 = arith.addf %add3A_638, %mul3A_639 : vector<16xf32>
        %mul3A_641 = arith.mulf %mul3A_611, %get3A_621 : vector<16xf32>
        %add3A_642 = arith.addf %add3A_640, %mul3A_641 : vector<16xf32>
        %mul3A_643 = arith.constant 2.000000e-02 : f32
        %mul3A_644 = vector.broadcast %mul3A_643 : f32 to vector<16xf32>
        %mul3A_645 = arith.mulf %scan3A_471#3, %mul3A_644 : vector<16xf32>
        %get3A_646 = arith.index_cast %add3A_540 : i32 to index
        %get3A_647 = arith.constant 48 : index
        %get3A_648 = tpu.vector_load %arg12[%get3A_646, %get3A_647] {strides = array<i32>} : memref<40x128xf32, #tpu.memory_space<vmem>>, vector<1x16xf32>,
        %get3A_649 = vector.shape_cast %get3A_648 : vector<1x16xf32> to vector<16xf32>
        %add3A_650 = arith.constant 13 : i32
        %add3A_651 = arith.addi %add3A_650, %add3A_540 : i32
        %get3A_652 = arith.index_cast %add3A_651 : i32 to index
        %get3A_653 = arith.constant 48 : index
        %get3A_654 = tpu.vector_load %arg12[%get3A_652, %get3A_653] {strides = array<i32>} : memref<40x128xf32, #tpu.memory_space<vmem>>, vector<1x16xf32>,
        %get3A_655 = vector.shape_cast %get3A_654 : vector<1x16xf32> to vector<16xf32>
        %add3A_656 = arith.constant 26 : i32
        %add3A_657 = arith.addi %add3A_656, %add3A_540 : i32
        %get3A_658 = arith.index_cast %add3A_657 : i32 to index
        %get3A_659 = arith.constant 48 : index
        %get3A_660 = tpu.vector_load %arg12[%get3A_658, %get3A_659] {strides = array<i32>} : memref<40x128xf32, #tpu.memory_space<vmem>>, vector<1x16xf32>,
        %get3A_661 = vector.shape_cast %get3A_660 : vector<1x16xf32> to vector<16xf32>
        %add3A_662 = arith.addf %scan3A_446, %get3A_490 : vector<16xf32>
        %add3A_663 = arith.addf %add3A_662, %get3A_522 : vector<16xf32>
        %add3A_664 = arith.addf %add3A_663, %mul3A_645 : vector<16xf32>
        %mul3A_665 = arith.mulf %get3A_490, %get3A_490 : vector<16xf32>
        %add3A_666 = arith.addf %scan3A_454, %mul3A_665 : vector<16xf32>
        %mul3A_667 = arith.mulf %get3A_522, %get3A_522 : vector<16xf32>
        %add3A_668 = arith.addf %add3A_666, %mul3A_667 : vector<16xf32>
        %mul3A_669 = arith.mulf %mul3A_645, %mul3A_645 : vector<16xf32>
        %add3A_670 = arith.addf %add3A_668, %mul3A_669 : vector<16xf32>
        %mul3A_671 = arith.mulf %get3A_490, %get3A_649 : vector<16xf32>
        %add3A_672 = arith.addf %scan3A_462, %mul3A_671 : vector<16xf32>
        %mul3A_673 = arith.mulf %get3A_522, %get3A_661 : vector<16xf32>
        %add3A_674 = arith.addf %add3A_672, %mul3A_673 : vector<16xf32>
        %mul3A_675 = arith.mulf %mul3A_645, %get3A_655 : vector<16xf32>
        %add3A_676 = arith.addf %add3A_674, %mul3A_675 : vector<16xf32>
        %mul3A_677 = arith.constant 2.000000e-02 : f32
        %mul3A_678 = vector.broadcast %mul3A_677 : f32 to vector<16xf32>
        %mul3A_679 = arith.mulf %scan3A_471#4, %mul3A_678 : vector<16xf32>
        %get3A_680 = arith.index_cast %add3A_540 : i32 to index
        %get3A_681 = arith.constant 64 : index
        %get3A_682 = tpu.vector_load %arg12[%get3A_680, %get3A_681] {strides = array<i32>} : memref<40x128xf32, #tpu.memory_space<vmem>>, vector<1x16xf32>,
        %get3A_683 = vector.shape_cast %get3A_682 : vector<1x16xf32> to vector<16xf32>
        %add3A_684 = arith.constant 13 : i32
        %add3A_685 = arith.addi %add3A_684, %add3A_540 : i32
        %get3A_686 = arith.index_cast %add3A_685 : i32 to index
        %get3A_687 = arith.constant 64 : index
        %get3A_688 = tpu.vector_load %arg12[%get3A_686, %get3A_687] {strides = array<i32>} : memref<40x128xf32, #tpu.memory_space<vmem>>, vector<1x16xf32>,
        %get3A_689 = vector.shape_cast %get3A_688 : vector<1x16xf32> to vector<16xf32>
        %add3A_690 = arith.constant 26 : i32
        %add3A_691 = arith.addi %add3A_690, %add3A_540 : i32
        %get3A_692 = arith.index_cast %add3A_691 : i32 to index
        %get3A_693 = arith.constant 64 : index
        %get3A_694 = tpu.vector_load %arg12[%get3A_692, %get3A_693] {strides = array<i32>} : memref<40x128xf32, #tpu.memory_space<vmem>>, vector<1x16xf32>,
        %get3A_695 = vector.shape_cast %get3A_694 : vector<1x16xf32> to vector<16xf32>
        %add3A_696 = arith.addf %scan3A_447, %get3A_494 : vector<16xf32>
        %add3A_697 = arith.addf %add3A_696, %get3A_526 : vector<16xf32>
        %add3A_698 = arith.addf %add3A_697, %mul3A_679 : vector<16xf32>
        %mul3A_699 = arith.mulf %get3A_494, %get3A_494 : vector<16xf32>
        %add3A_700 = arith.addf %scan3A_455, %mul3A_699 : vector<16xf32>
        %mul3A_701 = arith.mulf %get3A_526, %get3A_526 : vector<16xf32>
        %add3A_702 = arith.addf %add3A_700, %mul3A_701 : vector<16xf32>
        %mul3A_703 = arith.mulf %mul3A_679, %mul3A_679 : vector<16xf32>
        %add3A_704 = arith.addf %add3A_702, %mul3A_703 : vector<16xf32>
        %mul3A_705 = arith.mulf %get3A_494, %get3A_683 : vector<16xf32>
        %add3A_706 = arith.addf %scan3A_463, %mul3A_705 : vector<16xf32>
        %mul3A_707 = arith.mulf %get3A_526, %get3A_695 : vector<16xf32>
        %add3A_708 = arith.addf %add3A_706, %mul3A_707 : vector<16xf32>
        %mul3A_709 = arith.mulf %mul3A_679, %get3A_689 : vector<16xf32>
        %add3A_710 = arith.addf %add3A_708, %mul3A_709 : vector<16xf32>
        %mul3A_711 = arith.constant 2.000000e-02 : f32
        %mul3A_712 = vector.broadcast %mul3A_711 : f32 to vector<16xf32>
        %mul3A_713 = arith.mulf %scan3A_471#5, %mul3A_712 : vector<16xf32>
        %get3A_714 = arith.index_cast %add3A_540 : i32 to index
        %get3A_715 = arith.constant 80 : index
        %get3A_716 = tpu.vector_load %arg12[%get3A_714, %get3A_715] {strides = array<i32>} : memref<40x128xf32, #tpu.memory_space<vmem>>, vector<1x16xf32>,
        %get3A_717 = vector.shape_cast %get3A_716 : vector<1x16xf32> to vector<16xf32>
        %add3A_718 = arith.constant 13 : i32
        %add3A_719 = arith.addi %add3A_718, %add3A_540 : i32
        %get3A_720 = arith.index_cast %add3A_719 : i32 to index
        %get3A_721 = arith.constant 80 : index
        %get3A_722 = tpu.vector_load %arg12[%get3A_720, %get3A_721] {strides = array<i32>} : memref<40x128xf32, #tpu.memory_space<vmem>>, vector<1x16xf32>,
        %get3A_723 = vector.shape_cast %get3A_722 : vector<1x16xf32> to vector<16xf32>
        %add3A_724 = arith.constant 26 : i32
        %add3A_725 = arith.addi %add3A_724, %add3A_540 : i32
        %get3A_726 = arith.index_cast %add3A_725 : i32 to index
        %get3A_727 = arith.constant 80 : index
        %get3A_728 = tpu.vector_load %arg12[%get3A_726, %get3A_727] {strides = array<i32>} : memref<40x128xf32, #tpu.memory_space<vmem>>, vector<1x16xf32>,
        %get3A_729 = vector.shape_cast %get3A_728 : vector<1x16xf32> to vector<16xf32>
        %add3A_730 = arith.addf %scan3A_448, %get3A_498 : vector<16xf32>
        %add3A_731 = arith.addf %add3A_730, %get3A_530 : vector<16xf32>
        %add3A_732 = arith.addf %add3A_731, %mul3A_713 : vector<16xf32>
        %mul3A_733 = arith.mulf %get3A_498, %get3A_498 : vector<16xf32>
        %add3A_734 = arith.addf %scan3A_456, %mul3A_733 : vector<16xf32>
        %mul3A_735 = arith.mulf %get3A_530, %get3A_530 : vector<16xf32>
        %add3A_736 = arith.addf %add3A_734, %mul3A_735 : vector<16xf32>
        %mul3A_737 = arith.mulf %mul3A_713, %mul3A_713 : vector<16xf32>
        %add3A_738 = arith.addf %add3A_736, %mul3A_737 : vector<16xf32>
        %mul3A_739 = arith.mulf %get3A_498, %get3A_717 : vector<16xf32>
        %add3A_740 = arith.addf %scan3A_464, %mul3A_739 : vector<16xf32>
        %mul3A_741 = arith.mulf %get3A_530, %get3A_729 : vector<16xf32>
        %add3A_742 = arith.addf %add3A_740, %mul3A_741 : vector<16xf32>
        %mul3A_743 = arith.mulf %mul3A_713, %get3A_723 : vector<16xf32>
        %add3A_744 = arith.addf %add3A_742, %mul3A_743 : vector<16xf32>
        %mul3A_745 = arith.constant 2.000000e-02 : f32
        %mul3A_746 = vector.broadcast %mul3A_745 : f32 to vector<16xf32>
        %mul3A_747 = arith.mulf %scan3A_471#6, %mul3A_746 : vector<16xf32>
        %get3A_748 = arith.index_cast %add3A_540 : i32 to index
        %get3A_749 = arith.constant 96 : index
        %get3A_750 = tpu.vector_load %arg12[%get3A_748, %get3A_749] {strides = array<i32>} : memref<40x128xf32, #tpu.memory_space<vmem>>, vector<1x16xf32>,
        %get3A_751 = vector.shape_cast %get3A_750 : vector<1x16xf32> to vector<16xf32>
        %add3A_752 = arith.constant 13 : i32
        %add3A_753 = arith.addi %add3A_752, %add3A_540 : i32
        %get3A_754 = arith.index_cast %add3A_753 : i32 to index
        %get3A_755 = arith.constant 96 : index
        %get3A_756 = tpu.vector_load %arg12[%get3A_754, %get3A_755] {strides = array<i32>} : memref<40x128xf32, #tpu.memory_space<vmem>>, vector<1x16xf32>,
        %get3A_757 = vector.shape_cast %get3A_756 : vector<1x16xf32> to vector<16xf32>
        %add3A_758 = arith.constant 26 : i32
        %add3A_759 = arith.addi %add3A_758, %add3A_540 : i32
        %get3A_760 = arith.index_cast %add3A_759 : i32 to index
        %get3A_761 = arith.constant 96 : index
        %get3A_762 = tpu.vector_load %arg12[%get3A_760, %get3A_761] {strides = array<i32>} : memref<40x128xf32, #tpu.memory_space<vmem>>, vector<1x16xf32>,
        %get3A_763 = vector.shape_cast %get3A_762 : vector<1x16xf32> to vector<16xf32>
        %add3A_764 = arith.addf %scan3A_449, %get3A_502 : vector<16xf32>
        %add3A_765 = arith.addf %add3A_764, %get3A_534 : vector<16xf32>
        %add3A_766 = arith.addf %add3A_765, %mul3A_747 : vector<16xf32>
        %mul3A_767 = arith.mulf %get3A_502, %get3A_502 : vector<16xf32>
        %add3A_768 = arith.addf %scan3A_457, %mul3A_767 : vector<16xf32>
        %mul3A_769 = arith.mulf %get3A_534, %get3A_534 : vector<16xf32>
        %add3A_770 = arith.addf %add3A_768, %mul3A_769 : vector<16xf32>
        %mul3A_771 = arith.mulf %mul3A_747, %mul3A_747 : vector<16xf32>
        %add3A_772 = arith.addf %add3A_770, %mul3A_771 : vector<16xf32>
        %mul3A_773 = arith.mulf %get3A_502, %get3A_751 : vector<16xf32>
        %add3A_774 = arith.addf %scan3A_465, %mul3A_773 : vector<16xf32>
        %mul3A_775 = arith.mulf %get3A_534, %get3A_763 : vector<16xf32>
        %add3A_776 = arith.addf %add3A_774, %mul3A_775 : vector<16xf32>
        %mul3A_777 = arith.mulf %mul3A_747, %get3A_757 : vector<16xf32>
        %add3A_778 = arith.addf %add3A_776, %mul3A_777 : vector<16xf32>
        %mul3A_779 = arith.constant 2.000000e-02 : f32
        %mul3A_780 = vector.broadcast %mul3A_779 : f32 to vector<16xf32>
        %mul3A_781 = arith.mulf %scan3A_471#7, %mul3A_780 : vector<16xf32>
        %get3A_782 = arith.index_cast %add3A_540 : i32 to index
        %get3A_783 = arith.constant 112 : index
        %get3A_784 = tpu.vector_load %arg12[%get3A_782, %get3A_783] {strides = array<i32>} : memref<40x128xf32, #tpu.memory_space<vmem>>, vector<1x16xf32>,
        %get3A_785 = vector.shape_cast %get3A_784 : vector<1x16xf32> to vector<16xf32>
        %add3A_786 = arith.constant 13 : i32
        %add3A_787 = arith.addi %add3A_786, %add3A_540 : i32
        %get3A_788 = arith.index_cast %add3A_787 : i32 to index
        %get3A_789 = arith.constant 112 : index
        %get3A_790 = tpu.vector_load %arg12[%get3A_788, %get3A_789] {strides = array<i32>} : memref<40x128xf32, #tpu.memory_space<vmem>>, vector<1x16xf32>,
        %get3A_791 = vector.shape_cast %get3A_790 : vector<1x16xf32> to vector<16xf32>
        %add3A_792 = arith.constant 26 : i32
        %add3A_793 = arith.addi %add3A_792, %add3A_540 : i32
        %get3A_794 = arith.index_cast %add3A_793 : i32 to index
        %get3A_795 = arith.constant 112 : index
        %get3A_796 = tpu.vector_load %arg12[%get3A_794, %get3A_795] {strides = array<i32>} : memref<40x128xf32, #tpu.memory_space<vmem>>, vector<1x16xf32>,
        %get3A_797 = vector.shape_cast %get3A_796 : vector<1x16xf32> to vector<16xf32>
        %add3A_798 = arith.addf %scan3A_450, %get3A_506 : vector<16xf32>
        %add3A_799 = arith.addf %add3A_798, %get3A_538 : vector<16xf32>
        %add3A_800 = arith.addf %add3A_799, %mul3A_781 : vector<16xf32>
        %mul3A_801 = arith.mulf %get3A_506, %get3A_506 : vector<16xf32>
        %add3A_802 = arith.addf %scan3A_458, %mul3A_801 : vector<16xf32>
        %mul3A_803 = arith.mulf %get3A_538, %get3A_538 : vector<16xf32>
        %add3A_804 = arith.addf %add3A_802, %mul3A_803 : vector<16xf32>
        %mul3A_805 = arith.mulf %mul3A_781, %mul3A_781 : vector<16xf32>
        %add3A_806 = arith.addf %add3A_804, %mul3A_805 : vector<16xf32>
        %mul3A_807 = arith.mulf %get3A_506, %get3A_785 : vector<16xf32>
        %add3A_808 = arith.addf %scan3A_466, %mul3A_807 : vector<16xf32>
        %mul3A_809 = arith.mulf %get3A_538, %get3A_797 : vector<16xf32>
        %add3A_810 = arith.addf %add3A_808, %mul3A_809 : vector<16xf32>
        %mul3A_811 = arith.mulf %mul3A_781, %get3A_791 : vector<16xf32>
        %add3A_812 = arith.addf %add3A_810, %mul3A_811 : vector<16xf32>
        scf.yield %add3A_562, %add3A_596, %add3A_630, %add3A_664, %add3A_698, %add3A_732, %add3A_766, %add3A_800, %add3A_568, %add3A_602, %add3A_636, %add3A_670, %add3A_704, %add3A_738, %add3A_772, %add3A_806, %add3A_574, %add3A_608, %add3A_642, %add3A_676, %add3A_710, %add3A_744, %add3A_778, %add3A_812 : vector<16xf32>, vector<16xf32>, vector<16xf32>, vector<16xf32>, vector<16xf32>, vector<16xf32>, vector<16xf32>, vector<16xf32>, vector<16xf32>, vector<16xf32>, vector<16xf32>, vector<16xf32>, vector<16xf32>, vector<16xf32>, vector<16xf32>, vector<16xf32>, vector<16xf32>, vector<16xf32>, vector<16xf32>, vector<16xf32>, vector<16xf32>, vector<16xf32>, vector<16xf32>, vector<16xf32>
      }
      %scan3A_169 = arith.constant 6 : i32
      %add3A_170 = arith.constant 1 : i32
      %add3A_171 = arith.addi %scan3A_87, %add3A_170 : i32
      %min3A = arith.constant 31 : i32
      %min3A_172 = arith.minsi %add3A_171, %min3A : i32
      %dma_start3A_173 = arith.constant 8 : i32
      %dma_start3A_174 = arith.constant 0 : i32
      %dma_start3A_175 = tpu.memref_slice %arg8[%dma_start3A_173, %dma_start3A_174] : memref<314x128xf32, #tpu.memory_space<vmem>> -> memref<128x128xf32, #tpu.memory_space<vmem>>
      %dma_start3A_176 = arith.constant 0 : i32
      %dma_start3A_177 = tpu.memref_slice %arg10[%min3A_172, %dma_start3A_176] : memref<32x904xi32, #tpu.memory_space<vmem>> -> memref<1x128xi32, #tpu.memory_space<vmem>>
      %dma_start3A_178 = tpu.memref_squeeze %dma_start3A_177 : memref<1x128xi32, #tpu.memory_space<vmem>> -> memref<128xi32, #tpu.memory_space<vmem>>
      %dma_start3A_179 = arith.constant 0 : i32
      %dma_start3A_180 = arith.constant 0 : i32
      %dma_start3A_181 = tpu.memref_slice %arg2[%dma_start3A_179, %dma_start3A_180] : memref<13000x128xf32, #tpu.memory_space<hbm>> -> memref<13000x128xf32, #tpu.memory_space<hbm>>
      tpu.enqueue_indirect_dma source(%dma_start3A_181 : memref<13000x128xf32, #tpu.memory_space<hbm>>) target(%dma_start3A_175 : memref<128x128xf32, #tpu.memory_space<vmem>>) offsets(%dma_start3A_178 : memref<128xi32, #tpu.memory_space<vmem>>) semaphore(%arg13 : memref<!tpu.dma_semaphore, #tpu.memory_space<semaphore_mem>>)
      %dma_start3A_182 = arith.constant 136 : i32
      %dma_start3A_183 = arith.constant 0 : i32
      %dma_start3A_184 = tpu.memref_slice %arg8[%dma_start3A_182, %dma_start3A_183] : memref<314x128xf32, #tpu.memory_space<vmem>> -> memref<128x128xf32, #tpu.memory_space<vmem>>
      %dma_start3A_185 = arith.constant 128 : i32
      %dma_start3A_186 = tpu.memref_slice %arg10[%min3A_172, %dma_start3A_185] : memref<32x904xi32, #tpu.memory_space<vmem>> -> memref<1x128xi32, #tpu.memory_space<vmem>>
      %dma_start3A_187 = tpu.memref_squeeze %dma_start3A_186 : memref<1x128xi32, #tpu.memory_space<vmem>> -> memref<128xi32, #tpu.memory_space<vmem>>
      %dma_start3A_188 = arith.constant 0 : i32
      %dma_start3A_189 = arith.constant 0 : i32
      %dma_start3A_190 = tpu.memref_slice %arg2[%dma_start3A_188, %dma_start3A_189] : memref<13000x128xf32, #tpu.memory_space<hbm>> -> memref<13000x128xf32, #tpu.memory_space<hbm>>
      tpu.enqueue_indirect_dma source(%dma_start3A_190 : memref<13000x128xf32, #tpu.memory_space<hbm>>) target(%dma_start3A_184 : memref<128x128xf32, #tpu.memory_space<vmem>>) offsets(%dma_start3A_187 : memref<128xi32, #tpu.memory_space<vmem>>) semaphore(%arg13 : memref<!tpu.dma_semaphore, #tpu.memory_space<semaphore_mem>>)
      %dma_start3A_191 = arith.constant 264 : i32
      %dma_start3A_192 = arith.constant 0 : i32
      %dma_start3A_193 = tpu.memref_slice %arg8[%dma_start3A_191, %dma_start3A_192] : memref<314x128xf32, #tpu.memory_space<vmem>> -> memref<50x128xf32, #tpu.memory_space<vmem>>
      %dma_start3A_194 = arith.constant 256 : i32
      %dma_start3A_195 = tpu.memref_slice %arg10[%min3A_172, %dma_start3A_194] : memref<32x904xi32, #tpu.memory_space<vmem>> -> memref<1x50xi32, #tpu.memory_space<vmem>>
      %dma_start3A_196 = tpu.memref_squeeze %dma_start3A_195 : memref<1x50xi32, #tpu.memory_space<vmem>> -> memref<50xi32, #tpu.memory_space<vmem>>
      %dma_start3A_197 = arith.constant 0 : i32
      %dma_start3A_198 = arith.constant 0 : i32
      %dma_start3A_199 = tpu.memref_slice %arg2[%dma_start3A_197, %dma_start3A_198] : memref<13000x128xf32, #tpu.memory_space<hbm>> -> memref<13000x128xf32, #tpu.memory_space<hbm>>
      tpu.enqueue_indirect_dma source(%dma_start3A_199 : memref<13000x128xf32, #tpu.memory_space<hbm>>) target(%dma_start3A_193 : memref<50x128xf32, #tpu.memory_space<vmem>>) offsets(%dma_start3A_196 : memref<50xi32, #tpu.memory_space<vmem>>) semaphore(%arg13 : memref<!tpu.dma_semaphore, #tpu.memory_space<semaphore_mem>>)
      %dma_start3A_200 = arith.constant 0 : i32
      %dma_start3A_201 = arith.constant 0 : i32
      %dma_start3A_202 = tpu.memref_slice %arg8[%dma_start3A_200, %dma_start3A_201] : memref<314x128xf32, #tpu.memory_space<vmem>> -> memref<6x128xf32, #tpu.memory_space<vmem>>
      %dma_start3A_203 = arith.constant 384 : i32
      %dma_start3A_204 = tpu.memref_slice %arg10[%min3A_172, %dma_start3A_203] : memref<32x904xi32, #tpu.memory_space<vmem>> -> memref<1x6xi32, #tpu.memory_space<vmem>>
      %dma_start3A_205 = tpu.memref_squeeze %dma_start3A_204 : memref<1x6xi32, #tpu.memory_space<vmem>> -> memref<6xi32, #tpu.memory_space<vmem>>
      %dma_start3A_206 = arith.constant 0 : i32
      %dma_start3A_207 = arith.constant 0 : i32
      %dma_start3A_208 = tpu.memref_slice %arg3[%dma_start3A_206, %dma_start3A_207] : memref<13000x128xf32, #tpu.memory_space<hbm>> -> memref<13000x128xf32, #tpu.memory_space<hbm>>
      tpu.enqueue_indirect_dma source(%dma_start3A_208 : memref<13000x128xf32, #tpu.memory_space<hbm>>) target(%dma_start3A_202 : memref<6x128xf32, #tpu.memory_space<vmem>>) offsets(%dma_start3A_205 : memref<6xi32, #tpu.memory_space<vmem>>) semaphore(%arg13 : memref<!tpu.dma_semaphore, #tpu.memory_space<semaphore_mem>>)
      %dma_wait3A_209 = arith.constant 0 : i32
      %dma_wait3A_210 = arith.constant 8 : i32
      %dma_wait3A_211 = arith.constant 0 : i32
      %dma_wait3A_212 = tpu.memref_slice %arg9[%dma_wait3A_210, %dma_wait3A_211] : memref<365x128xf32, #tpu.memory_space<vmem>> -> memref<128x128xf32, #tpu.memory_space<vmem>>
      %dma_wait3A_213 = arith.constant 512 : i32
      %dma_wait3A_214 = tpu.memref_slice %arg10[%dma_wait3A_209, %dma_wait3A_213] : memref<32x904xi32, #tpu.memory_space<vmem>> -> memref<1x128xi32, #tpu.memory_space<vmem>>
      %dma_wait3A_215 = tpu.memref_squeeze %dma_wait3A_214 : memref<1x128xi32, #tpu.memory_space<vmem>> -> memref<128xi32, #tpu.memory_space<vmem>>
      %dma_wait3A_216 = arith.constant 0 : i32
      %dma_wait3A_217 = arith.constant 0 : i32
      %dma_wait3A_218 = tpu.memref_slice %arg2[%dma_wait3A_216, %dma_wait3A_217] : memref<13000x128xf32, #tpu.memory_space<hbm>> -> memref<13000x128xf32, #tpu.memory_space<hbm>>
      tpu.wait_indirect_dma semaphore(%arg14 : memref<!tpu.dma_semaphore, #tpu.memory_space<semaphore_mem>>) src(%dma_wait3A_218 : memref<13000x128xf32, #tpu.memory_space<hbm>>) dst(%dma_wait3A_212 : memref<128x128xf32, #tpu.memory_space<vmem>>)
      %dma_wait3A_219 = arith.constant 0 : i32
      %dma_wait3A_220 = arith.constant 136 : i32
      %dma_wait3A_221 = arith.constant 0 : i32
      %dma_wait3A_222 = tpu.memref_slice %arg9[%dma_wait3A_220, %dma_wait3A_221] : memref<365x128xf32, #tpu.memory_space<vmem>> -> memref<128x128xf32, #tpu.memory_space<vmem>>
      %dma_wait3A_223 = arith.constant 640 : i32
      %dma_wait3A_224 = tpu.memref_slice %arg10[%dma_wait3A_219, %dma_wait3A_223] : memref<32x904xi32, #tpu.memory_space<vmem>> -> memref<1x128xi32, #tpu.memory_space<vmem>>
      %dma_wait3A_225 = tpu.memref_squeeze %dma_wait3A_224 : memref<1x128xi32, #tpu.memory_space<vmem>> -> memref<128xi32, #tpu.memory_space<vmem>>
      %dma_wait3A_226 = arith.constant 0 : i32
      %dma_wait3A_227 = arith.constant 0 : i32
      %dma_wait3A_228 = tpu.memref_slice %arg2[%dma_wait3A_226, %dma_wait3A_227] : memref<13000x128xf32, #tpu.memory_space<hbm>> -> memref<13000x128xf32, #tpu.memory_space<hbm>>
      tpu.wait_indirect_dma semaphore(%arg14 : memref<!tpu.dma_semaphore, #tpu.memory_space<semaphore_mem>>) src(%dma_wait3A_228 : memref<13000x128xf32, #tpu.memory_space<hbm>>) dst(%dma_wait3A_222 : memref<128x128xf32, #tpu.memory_space<vmem>>)
      %dma_wait3A_229 = arith.constant 0 : i32
      %dma_wait3A_230 = arith.constant 264 : i32
      %dma_wait3A_231 = arith.constant 0 : i32
      %dma_wait3A_232 = tpu.memref_slice %arg9[%dma_wait3A_230, %dma_wait3A_231] : memref<365x128xf32, #tpu.memory_space<vmem>> -> memref<101x128xf32, #tpu.memory_space<vmem>>
      %dma_wait3A_233 = arith.constant 768 : i32
      %dma_wait3A_234 = tpu.memref_slice %arg10[%dma_wait3A_229, %dma_wait3A_233] : memref<32x904xi32, #tpu.memory_space<vmem>> -> memref<1x101xi32, #tpu.memory_space<vmem>>
      %dma_wait3A_235 = tpu.memref_squeeze %dma_wait3A_234 : memref<1x101xi32, #tpu.memory_space<vmem>> -> memref<101xi32, #tpu.memory_space<vmem>>
      %dma_wait3A_236 = arith.constant 0 : i32
      %dma_wait3A_237 = arith.constant 0 : i32
      %dma_wait3A_238 = tpu.memref_slice %arg2[%dma_wait3A_236, %dma_wait3A_237] : memref<13000x128xf32, #tpu.memory_space<hbm>> -> memref<13000x128xf32, #tpu.memory_space<hbm>>
      tpu.wait_indirect_dma semaphore(%arg14 : memref<!tpu.dma_semaphore, #tpu.memory_space<semaphore_mem>>) src(%dma_wait3A_238 : memref<13000x128xf32, #tpu.memory_space<hbm>>) dst(%dma_wait3A_232 : memref<101x128xf32, #tpu.memory_space<vmem>>)
      %dma_wait3A_239 = arith.constant 0 : i32
      %dma_wait3A_240 = arith.constant 0 : i32
      %dma_wait3A_241 = arith.constant 0 : i32
      %dma_wait3A_242 = tpu.memref_slice %arg9[%dma_wait3A_240, %dma_wait3A_241] : memref<365x128xf32, #tpu.memory_space<vmem>> -> memref<7x128xf32, #tpu.memory_space<vmem>>
      %dma_wait3A_243 = arith.constant 896 : i32
      %dma_wait3A_244 = tpu.memref_slice %arg10[%dma_wait3A_239, %dma_wait3A_243] : memref<32x904xi32, #tpu.memory_space<vmem>> -> memref<1x7xi32, #tpu.memory_space<vmem>>
      %dma_wait3A_245 = tpu.memref_squeeze %dma_wait3A_244 : memref<1x7xi32, #tpu.memory_space<vmem>> -> memref<7xi32, #tpu.memory_space<vmem>>
      %dma_wait3A_246 = arith.constant 0 : i32
      %dma_wait3A_247 = arith.constant 0 : i32
      %dma_wait3A_248 = tpu.memref_slice %arg3[%dma_wait3A_246, %dma_wait3A_247] : memref<13000x128xf32, #tpu.memory_space<hbm>> -> memref<13000x128xf32, #tpu.memory_space<hbm>>
      tpu.wait_indirect_dma semaphore(%arg14 : memref<!tpu.dma_semaphore, #tpu.memory_space<semaphore_mem>>) src(%dma_wait3A_248 : memref<13000x128xf32, #tpu.memory_space<hbm>>) dst(%dma_wait3A_242 : memref<7x128xf32, #tpu.memory_space<vmem>>)
      %scan3A_249 = arith.constant 0 : i32
      %scan3A_250 = arith.constant 7 : i32
      %scan3A_251 = arith.addi %scan3A_249, %scan3A_250 : i32
      %scan3A_252 = arith.constant 1 : i32
      %scan3A_253:24 = scf.for %scan3A_442 = %scan3A_249 to %scan3A_251 step %scan3A_252 iter_args(%scan3A_443 = %scan3A_168#0, %scan3A_444 = %scan3A_168#1, %scan3A_445 = %scan3A_168#2, %scan3A_446 = %scan3A_168#3, %scan3A_447 = %scan3A_168#4, %scan3A_448 = %scan3A_168#5, %scan3A_449 = %scan3A_168#6, %scan3A_450 = %scan3A_168#7, %scan3A_451 = %scan3A_168#8, %scan3A_452 = %scan3A_168#9, %scan3A_453 = %scan3A_168#10, %scan3A_454 = %scan3A_168#11, %scan3A_455 = %scan3A_168#12, %scan3A_456 = %scan3A_168#13, %scan3A_457 = %scan3A_168#14, %scan3A_458 = %scan3A_168#15, %scan3A_459 = %scan3A_168#16, %scan3A_460 = %scan3A_168#17, %scan3A_461 = %scan3A_168#18, %scan3A_462 = %scan3A_168#19, %scan3A_463 = %scan3A_168#20, %scan3A_464 = %scan3A_168#21, %scan3A_465 = %scan3A_168#22, %scan3A_466 = %scan3A_168#23) -> (vector<16xf32>, vector<16xf32>, vector<16xf32>, vector<16xf32>, vector<16xf32>, vector<16xf32>, vector<16xf32>, vector<16xf32>, vector<16xf32>, vector<16xf32>, vector<16xf32>, vector<16xf32>, vector<16xf32>, vector<16xf32>, vector<16xf32>, vector<16xf32>, vector<16xf32>, vector<16xf32>, vector<16xf32>, vector<16xf32>, vector<16xf32>, vector<16xf32>, vector<16xf32>, vector<16xf32>)  : i32 {
        %scan3A_467 = arith.constant 0 : i32
        %scan3A_468 = arith.constant 10 : i32
        %scan3A_469 = arith.addi %scan3A_467, %scan3A_468 : i32
        %scan3A_470 = arith.constant 1 : i32
        %scan3A_471:8 = scf.for %scan3A_813 = %scan3A_467 to %scan3A_469 step %scan3A_470 iter_args(%scan3A_814 = %broadcast_in_dim3A_3, %scan3A_815 = %broadcast_in_dim3A_3, %scan3A_816 = %broadcast_in_dim3A_3, %scan3A_817 = %broadcast_in_dim3A_3, %scan3A_818 = %broadcast_in_dim3A_3, %scan3A_819 = %broadcast_in_dim3A_3, %scan3A_820 = %broadcast_in_dim3A_3, %scan3A_821 = %broadcast_in_dim3A_3) -> (vector<16xf32>, vector<16xf32>, vector<16xf32>, vector<16xf32>, vector<16xf32>, vector<16xf32>, vector<16xf32>, vector<16xf32>)  : i32 {
          %mul3A_822 = arith.constant 50 : i32
          %mul3A_823 = arith.muli %scan3A_442, %mul3A_822 : i32
          %add3A_824 = arith.constant 15 : i32
          %add3A_825 = arith.addi %add3A_824, %mul3A_823 : i32
          %mul3A_826 = arith.constant 5 : i32
          %mul3A_827 = arith.muli %scan3A_813, %mul3A_826 : i32
          %add3A_828 = arith.addi %add3A_825, %mul3A_827 : i32
          %add3A_829 = arith.constant 0 : i32
          %add3A_830 = arith.addi %add3A_828, %add3A_829 : i32
          %get3A_831 = arith.index_cast %add3A_830 : i32 to index
          %get3A_832 = arith.constant 0 : index
          %get3A_833 = tpu.vector_load %arg9[%get3A_831, %get3A_832] {strides = array<i32>} : memref<365x128xf32, #tpu.memory_space<vmem>>, vector<1x16xf32>,
          %get3A_834 = vector.shape_cast %get3A_833 : vector<1x16xf32> to vector<16xf32>
          %get3A_835 = arith.index_cast %add3A_830 : i32 to index
          %get3A_836 = arith.constant 16 : index
          %get3A_837 = tpu.vector_load %arg9[%get3A_835, %get3A_836] {strides = array<i32>} : memref<365x128xf32, #tpu.memory_space<vmem>>, vector<1x16xf32>,
          %get3A_838 = vector.shape_cast %get3A_837 : vector<1x16xf32> to vector<16xf32>
          %get3A_839 = arith.index_cast %add3A_830 : i32 to index
          %get3A_840 = arith.constant 32 : index
          %get3A_841 = tpu.vector_load %arg9[%get3A_839, %get3A_840] {strides = array<i32>} : memref<365x128xf32, #tpu.memory_space<vmem>>, vector<1x16xf32>,
          %get3A_842 = vector.shape_cast %get3A_841 : vector<1x16xf32> to vector<16xf32>
          %get3A_843 = arith.index_cast %add3A_830 : i32 to index
          %get3A_844 = arith.constant 48 : index
          %get3A_845 = tpu.vector_load %arg9[%get3A_843, %get3A_844] {strides = array<i32>} : memref<365x128xf32, #tpu.memory_space<vmem>>, vector<1x16xf32>,
          %get3A_846 = vector.shape_cast %get3A_845 : vector<1x16xf32> to vector<16xf32>
          %get3A_847 = arith.index_cast %add3A_830 : i32 to index
          %get3A_848 = arith.constant 64 : index
          %get3A_849 = tpu.vector_load %arg9[%get3A_847, %get3A_848] {strides = array<i32>} : memref<365x128xf32, #tpu.memory_space<vmem>>, vector<1x16xf32>,
          %get3A_850 = vector.shape_cast %get3A_849 : vector<1x16xf32> to vector<16xf32>
          %get3A_851 = arith.index_cast %add3A_830 : i32 to index
          %get3A_852 = arith.constant 80 : index
          %get3A_853 = tpu.vector_load %arg9[%get3A_851, %get3A_852] {strides = array<i32>} : memref<365x128xf32, #tpu.memory_space<vmem>>, vector<1x16xf32>,
          %get3A_854 = vector.shape_cast %get3A_853 : vector<1x16xf32> to vector<16xf32>
          %get3A_855 = arith.index_cast %add3A_830 : i32 to index
          %get3A_856 = arith.constant 96 : index
          %get3A_857 = tpu.vector_load %arg9[%get3A_855, %get3A_856] {strides = array<i32>} : memref<365x128xf32, #tpu.memory_space<vmem>>, vector<1x16xf32>,
          %get3A_858 = vector.shape_cast %get3A_857 : vector<1x16xf32> to vector<16xf32>
          %get3A_859 = arith.index_cast %add3A_830 : i32 to index
          %get3A_860 = arith.constant 112 : index
          %get3A_861 = tpu.vector_load %arg9[%get3A_859, %get3A_860] {strides = array<i32>} : memref<365x128xf32, #tpu.memory_space<vmem>>, vector<1x16xf32>,
          %get3A_862 = vector.shape_cast %get3A_861 : vector<1x16xf32> to vector<16xf32>
          %add3A_863 = arith.addf %scan3A_814, %get3A_834 : vector<16xf32>
          %add3A_864 = arith.addf %scan3A_815, %get3A_838 : vector<16xf32>
          %add3A_865 = arith.addf %scan3A_816, %get3A_842 : vector<16xf32>
          %add3A_866 = arith.addf %scan3A_817, %get3A_846 : vector<16xf32>
          %add3A_867 = arith.addf %scan3A_818, %get3A_850 : vector<16xf32>
          %add3A_868 = arith.addf %scan3A_819, %get3A_854 : vector<16xf32>
          %add3A_869 = arith.addf %scan3A_820, %get3A_858 : vector<16xf32>
          %add3A_870 = arith.addf %scan3A_821, %get3A_862 : vector<16xf32>
          %mul3A_871 = arith.constant 50 : i32
          %mul3A_872 = arith.muli %scan3A_442, %mul3A_871 : i32
          %add3A_873 = arith.constant 15 : i32
          %add3A_874 = arith.addi %add3A_873, %mul3A_872 : i32
          %mul3A_875 = arith.constant 5 : i32
          %mul3A_876 = arith.muli %scan3A_813, %mul3A_875 : i32
          %add3A_877 = arith.addi %add3A_874, %mul3A_876 : i32
          %add3A_878 = arith.constant 1 : i32
          %add3A_879 = arith.addi %add3A_877, %add3A_878 : i32
          %get3A_880 = arith.index_cast %add3A_879 : i32 to index
          %get3A_881 = arith.constant 0 : index
          %get3A_882 = tpu.vector_load %arg9[%get3A_880, %get3A_881] {strides = array<i32>} : memref<365x128xf32, #tpu.memory_space<vmem>>, vector<1x16xf32>,
          %get3A_883 = vector.shape_cast %get3A_882 : vector<1x16xf32> to vector<16xf32>
          %get3A_884 = arith.index_cast %add3A_879 : i32 to index
          %get3A_885 = arith.constant 16 : index
          %get3A_886 = tpu.vector_load %arg9[%get3A_884, %get3A_885] {strides = array<i32>} : memref<365x128xf32, #tpu.memory_space<vmem>>, vector<1x16xf32>,
          %get3A_887 = vector.shape_cast %get3A_886 : vector<1x16xf32> to vector<16xf32>
          %get3A_888 = arith.index_cast %add3A_879 : i32 to index
          %get3A_889 = arith.constant 32 : index
          %get3A_890 = tpu.vector_load %arg9[%get3A_888, %get3A_889] {strides = array<i32>} : memref<365x128xf32, #tpu.memory_space<vmem>>, vector<1x16xf32>,
          %get3A_891 = vector.shape_cast %get3A_890 : vector<1x16xf32> to vector<16xf32>
          %get3A_892 = arith.index_cast %add3A_879 : i32 to index
          %get3A_893 = arith.constant 48 : index
          %get3A_894 = tpu.vector_load %arg9[%get3A_892, %get3A_893] {strides = array<i32>} : memref<365x128xf32, #tpu.memory_space<vmem>>, vector<1x16xf32>,
          %get3A_895 = vector.shape_cast %get3A_894 : vector<1x16xf32> to vector<16xf32>
          %get3A_896 = arith.index_cast %add3A_879 : i32 to index
          %get3A_897 = arith.constant 64 : index
          %get3A_898 = tpu.vector_load %arg9[%get3A_896, %get3A_897] {strides = array<i32>} : memref<365x128xf32, #tpu.memory_space<vmem>>, vector<1x16xf32>,
          %get3A_899 = vector.shape_cast %get3A_898 : vector<1x16xf32> to vector<16xf32>
          %get3A_900 = arith.index_cast %add3A_879 : i32 to index
          %get3A_901 = arith.constant 80 : index
          %get3A_902 = tpu.vector_load %arg9[%get3A_900, %get3A_901] {strides = array<i32>} : memref<365x128xf32, #tpu.memory_space<vmem>>, vector<1x16xf32>,
          %get3A_903 = vector.shape_cast %get3A_902 : vector<1x16xf32> to vector<16xf32>
          %get3A_904 = arith.index_cast %add3A_879 : i32 to index
          %get3A_905 = arith.constant 96 : index
          %get3A_906 = tpu.vector_load %arg9[%get3A_904, %get3A_905] {strides = array<i32>} : memref<365x128xf32, #tpu.memory_space<vmem>>, vector<1x16xf32>,
          %get3A_907 = vector.shape_cast %get3A_906 : vector<1x16xf32> to vector<16xf32>
          %get3A_908 = arith.index_cast %add3A_879 : i32 to index
          %get3A_909 = arith.constant 112 : index
          %get3A_910 = tpu.vector_load %arg9[%get3A_908, %get3A_909] {strides = array<i32>} : memref<365x128xf32, #tpu.memory_space<vmem>>, vector<1x16xf32>,
          %get3A_911 = vector.shape_cast %get3A_910 : vector<1x16xf32> to vector<16xf32>
          %add3A_912 = arith.addf %add3A_863, %get3A_883 : vector<16xf32>
          %add3A_913 = arith.addf %add3A_864, %get3A_887 : vector<16xf32>
          %add3A_914 = arith.addf %add3A_865, %get3A_891 : vector<16xf32>
          %add3A_915 = arith.addf %add3A_866, %get3A_895 : vector<16xf32>
          %add3A_916 = arith.addf %add3A_867, %get3A_899 : vector<16xf32>
          %add3A_917 = arith.addf %add3A_868, %get3A_903 : vector<16xf32>
          %add3A_918 = arith.addf %add3A_869, %get3A_907 : vector<16xf32>
          %add3A_919 = arith.addf %add3A_870, %get3A_911 : vector<16xf32>
          %mul3A_920 = arith.constant 50 : i32
          %mul3A_921 = arith.muli %scan3A_442, %mul3A_920 : i32
          %add3A_922 = arith.constant 15 : i32
          %add3A_923 = arith.addi %add3A_922, %mul3A_921 : i32
          %mul3A_924 = arith.constant 5 : i32
          %mul3A_925 = arith.muli %scan3A_813, %mul3A_924 : i32
          %add3A_926 = arith.addi %add3A_923, %mul3A_925 : i32
          %add3A_927 = arith.constant 2 : i32
          %add3A_928 = arith.addi %add3A_926, %add3A_927 : i32
          %get3A_929 = arith.index_cast %add3A_928 : i32 to index
          %get3A_930 = arith.constant 0 : index
          %get3A_931 = tpu.vector_load %arg9[%get3A_929, %get3A_930] {strides = array<i32>} : memref<365x128xf32, #tpu.memory_space<vmem>>, vector<1x16xf32>,
          %get3A_932 = vector.shape_cast %get3A_931 : vector<1x16xf32> to vector<16xf32>
          %get3A_933 = arith.index_cast %add3A_928 : i32 to index
          %get3A_934 = arith.constant 16 : index
          %get3A_935 = tpu.vector_load %arg9[%get3A_933, %get3A_934] {strides = array<i32>} : memref<365x128xf32, #tpu.memory_space<vmem>>, vector<1x16xf32>,
          %get3A_936 = vector.shape_cast %get3A_935 : vector<1x16xf32> to vector<16xf32>
          %get3A_937 = arith.index_cast %add3A_928 : i32 to index
          %get3A_938 = arith.constant 32 : index
          %get3A_939 = tpu.vector_load %arg9[%get3A_937, %get3A_938] {strides = array<i32>} : memref<365x128xf32, #tpu.memory_space<vmem>>, vector<1x16xf32>,
          %get3A_940 = vector.shape_cast %get3A_939 : vector<1x16xf32> to vector<16xf32>
          %get3A_941 = arith.index_cast %add3A_928 : i32 to index
          %get3A_942 = arith.constant 48 : index
          %get3A_943 = tpu.vector_load %arg9[%get3A_941, %get3A_942] {strides = array<i32>} : memref<365x128xf32, #tpu.memory_space<vmem>>, vector<1x16xf32>,
          %get3A_944 = vector.shape_cast %get3A_943 : vector<1x16xf32> to vector<16xf32>
          %get3A_945 = arith.index_cast %add3A_928 : i32 to index
          %get3A_946 = arith.constant 64 : index
          %get3A_947 = tpu.vector_load %arg9[%get3A_945, %get3A_946] {strides = array<i32>} : memref<365x128xf32, #tpu.memory_space<vmem>>, vector<1x16xf32>,
          %get3A_948 = vector.shape_cast %get3A_947 : vector<1x16xf32> to vector<16xf32>
          %get3A_949 = arith.index_cast %add3A_928 : i32 to index
          %get3A_950 = arith.constant 80 : index
          %get3A_951 = tpu.vector_load %arg9[%get3A_949, %get3A_950] {strides = array<i32>} : memref<365x128xf32, #tpu.memory_space<vmem>>, vector<1x16xf32>,
          %get3A_952 = vector.shape_cast %get3A_951 : vector<1x16xf32> to vector<16xf32>
          %get3A_953 = arith.index_cast %add3A_928 : i32 to index
          %get3A_954 = arith.constant 96 : index
          %get3A_955 = tpu.vector_load %arg9[%get3A_953, %get3A_954] {strides = array<i32>} : memref<365x128xf32, #tpu.memory_space<vmem>>, vector<1x16xf32>,
          %get3A_956 = vector.shape_cast %get3A_955 : vector<1x16xf32> to vector<16xf32>
          %get3A_957 = arith.index_cast %add3A_928 : i32 to index
          %get3A_958 = arith.constant 112 : index
          %get3A_959 = tpu.vector_load %arg9[%get3A_957, %get3A_958] {strides = array<i32>} : memref<365x128xf32, #tpu.memory_space<vmem>>, vector<1x16xf32>,
          %get3A_960 = vector.shape_cast %get3A_959 : vector<1x16xf32> to vector<16xf32>
          %add3A_961 = arith.addf %add3A_912, %get3A_932 : vector<16xf32>
          %add3A_962 = arith.addf %add3A_913, %get3A_936 : vector<16xf32>
          %add3A_963 = arith.addf %add3A_914, %get3A_940 : vector<16xf32>
          %add3A_964 = arith.addf %add3A_915, %get3A_944 : vector<16xf32>
          %add3A_965 = arith.addf %add3A_916, %get3A_948 : vector<16xf32>
          %add3A_966 = arith.addf %add3A_917, %get3A_952 : vector<16xf32>
          %add3A_967 = arith.addf %add3A_918, %get3A_956 : vector<16xf32>
          %add3A_968 = arith.addf %add3A_919, %get3A_960 : vector<16xf32>
          %mul3A_969 = arith.constant 50 : i32
          %mul3A_970 = arith.muli %scan3A_442, %mul3A_969 : i32
          %add3A_971 = arith.constant 15 : i32
          %add3A_972 = arith.addi %add3A_971, %mul3A_970 : i32
          %mul3A_973 = arith.constant 5 : i32
          %mul3A_974 = arith.muli %scan3A_813, %mul3A_973 : i32
          %add3A_975 = arith.addi %add3A_972, %mul3A_974 : i32
          %add3A_976 = arith.constant 3 : i32
          %add3A_977 = arith.addi %add3A_975, %add3A_976 : i32
          %get3A_978 = arith.index_cast %add3A_977 : i32 to index
          %get3A_979 = arith.constant 0 : index
          %get3A_980 = tpu.vector_load %arg9[%get3A_978, %get3A_979] {strides = array<i32>} : memref<365x128xf32, #tpu.memory_space<vmem>>, vector<1x16xf32>,
          %get3A_981 = vector.shape_cast %get3A_980 : vector<1x16xf32> to vector<16xf32>
          %get3A_982 = arith.index_cast %add3A_977 : i32 to index
          %get3A_983 = arith.constant 16 : index
          %get3A_984 = tpu.vector_load %arg9[%get3A_982, %get3A_983] {strides = array<i32>} : memref<365x128xf32, #tpu.memory_space<vmem>>, vector<1x16xf32>,
          %get3A_985 = vector.shape_cast %get3A_984 : vector<1x16xf32> to vector<16xf32>
          %get3A_986 = arith.index_cast %add3A_977 : i32 to index
          %get3A_987 = arith.constant 32 : index
          %get3A_988 = tpu.vector_load %arg9[%get3A_986, %get3A_987] {strides = array<i32>} : memref<365x128xf32, #tpu.memory_space<vmem>>, vector<1x16xf32>,
          %get3A_989 = vector.shape_cast %get3A_988 : vector<1x16xf32> to vector<16xf32>
          %get3A_990 = arith.index_cast %add3A_977 : i32 to index
          %get3A_991 = arith.constant 48 : index
          %get3A_992 = tpu.vector_load %arg9[%get3A_990, %get3A_991] {strides = array<i32>} : memref<365x128xf32, #tpu.memory_space<vmem>>, vector<1x16xf32>,
          %get3A_993 = vector.shape_cast %get3A_992 : vector<1x16xf32> to vector<16xf32>
          %get3A_994 = arith.index_cast %add3A_977 : i32 to index
          %get3A_995 = arith.constant 64 : index
          %get3A_996 = tpu.vector_load %arg9[%get3A_994, %get3A_995] {strides = array<i32>} : memref<365x128xf32, #tpu.memory_space<vmem>>, vector<1x16xf32>,
          %get3A_997 = vector.shape_cast %get3A_996 : vector<1x16xf32> to vector<16xf32>
          %get3A_998 = arith.index_cast %add3A_977 : i32 to index
          %get3A_999 = arith.constant 80 : index
          %get3A_1000 = tpu.vector_load %arg9[%get3A_998, %get3A_999] {strides = array<i32>} : memref<365x128xf32, #tpu.memory_space<vmem>>, vector<1x16xf32>,
          %get3A_1001 = vector.shape_cast %get3A_1000 : vector<1x16xf32> to vector<16xf32>
          %get3A_1002 = arith.index_cast %add3A_977 : i32 to index
          %get3A_1003 = arith.constant 96 : index
          %get3A_1004 = tpu.vector_load %arg9[%get3A_1002, %get3A_1003] {strides = array<i32>} : memref<365x128xf32, #tpu.memory_space<vmem>>, vector<1x16xf32>,
          %get3A_1005 = vector.shape_cast %get3A_1004 : vector<1x16xf32> to vector<16xf32>
          %get3A_1006 = arith.index_cast %add3A_977 : i32 to index
          %get3A_1007 = arith.constant 112 : index
          %get3A_1008 = tpu.vector_load %arg9[%get3A_1006, %get3A_1007] {strides = array<i32>} : memref<365x128xf32, #tpu.memory_space<vmem>>, vector<1x16xf32>,
          %get3A_1009 = vector.shape_cast %get3A_1008 : vector<1x16xf32> to vector<16xf32>
          %add3A_1010 = arith.addf %add3A_961, %get3A_981 : vector<16xf32>
          %add3A_1011 = arith.addf %add3A_962, %get3A_985 : vector<16xf32>
          %add3A_1012 = arith.addf %add3A_963, %get3A_989 : vector<16xf32>
          %add3A_1013 = arith.addf %add3A_964, %get3A_993 : vector<16xf32>
          %add3A_1014 = arith.addf %add3A_965, %get3A_997 : vector<16xf32>
          %add3A_1015 = arith.addf %add3A_966, %get3A_1001 : vector<16xf32>
          %add3A_1016 = arith.addf %add3A_967, %get3A_1005 : vector<16xf32>
          %add3A_1017 = arith.addf %add3A_968, %get3A_1009 : vector<16xf32>
          %mul3A_1018 = arith.constant 50 : i32
          %mul3A_1019 = arith.muli %scan3A_442, %mul3A_1018 : i32
          %add3A_1020 = arith.constant 15 : i32
          %add3A_1021 = arith.addi %add3A_1020, %mul3A_1019 : i32
          %mul3A_1022 = arith.constant 5 : i32
          %mul3A_1023 = arith.muli %scan3A_813, %mul3A_1022 : i32
          %add3A_1024 = arith.addi %add3A_1021, %mul3A_1023 : i32
          %add3A_1025 = arith.constant 4 : i32
          %add3A_1026 = arith.addi %add3A_1024, %add3A_1025 : i32
          %get3A_1027 = arith.index_cast %add3A_1026 : i32 to index
          %get3A_1028 = arith.constant 0 : index
          %get3A_1029 = tpu.vector_load %arg9[%get3A_1027, %get3A_1028] {strides = array<i32>} : memref<365x128xf32, #tpu.memory_space<vmem>>, vector<1x16xf32>,
          %get3A_1030 = vector.shape_cast %get3A_1029 : vector<1x16xf32> to vector<16xf32>
          %get3A_1031 = arith.index_cast %add3A_1026 : i32 to index
          %get3A_1032 = arith.constant 16 : index
          %get3A_1033 = tpu.vector_load %arg9[%get3A_1031, %get3A_1032] {strides = array<i32>} : memref<365x128xf32, #tpu.memory_space<vmem>>, vector<1x16xf32>,
          %get3A_1034 = vector.shape_cast %get3A_1033 : vector<1x16xf32> to vector<16xf32>
          %get3A_1035 = arith.index_cast %add3A_1026 : i32 to index
          %get3A_1036 = arith.constant 32 : index
          %get3A_1037 = tpu.vector_load %arg9[%get3A_1035, %get3A_1036] {strides = array<i32>} : memref<365x128xf32, #tpu.memory_space<vmem>>, vector<1x16xf32>,
          %get3A_1038 = vector.shape_cast %get3A_1037 : vector<1x16xf32> to vector<16xf32>
          %get3A_1039 = arith.index_cast %add3A_1026 : i32 to index
          %get3A_1040 = arith.constant 48 : index
          %get3A_1041 = tpu.vector_load %arg9[%get3A_1039, %get3A_1040] {strides = array<i32>} : memref<365x128xf32, #tpu.memory_space<vmem>>, vector<1x16xf32>,
          %get3A_1042 = vector.shape_cast %get3A_1041 : vector<1x16xf32> to vector<16xf32>
          %get3A_1043 = arith.index_cast %add3A_1026 : i32 to index
          %get3A_1044 = arith.constant 64 : index
          %get3A_1045 = tpu.vector_load %arg9[%get3A_1043, %get3A_1044] {strides = array<i32>} : memref<365x128xf32, #tpu.memory_space<vmem>>, vector<1x16xf32>,
          %get3A_1046 = vector.shape_cast %get3A_1045 : vector<1x16xf32> to vector<16xf32>
          %get3A_1047 = arith.index_cast %add3A_1026 : i32 to index
          %get3A_1048 = arith.constant 80 : index
          %get3A_1049 = tpu.vector_load %arg9[%get3A_1047, %get3A_1048] {strides = array<i32>} : memref<365x128xf32, #tpu.memory_space<vmem>>, vector<1x16xf32>,
          %get3A_1050 = vector.shape_cast %get3A_1049 : vector<1x16xf32> to vector<16xf32>
          %get3A_1051 = arith.index_cast %add3A_1026 : i32 to index
          %get3A_1052 = arith.constant 96 : index
          %get3A_1053 = tpu.vector_load %arg9[%get3A_1051, %get3A_1052] {strides = array<i32>} : memref<365x128xf32, #tpu.memory_space<vmem>>, vector<1x16xf32>,
          %get3A_1054 = vector.shape_cast %get3A_1053 : vector<1x16xf32> to vector<16xf32>
          %get3A_1055 = arith.index_cast %add3A_1026 : i32 to index
          %get3A_1056 = arith.constant 112 : index
          %get3A_1057 = tpu.vector_load %arg9[%get3A_1055, %get3A_1056] {strides = array<i32>} : memref<365x128xf32, #tpu.memory_space<vmem>>, vector<1x16xf32>,
          %get3A_1058 = vector.shape_cast %get3A_1057 : vector<1x16xf32> to vector<16xf32>
          %add3A_1059 = arith.addf %add3A_1010, %get3A_1030 : vector<16xf32>
          %add3A_1060 = arith.addf %add3A_1011, %get3A_1034 : vector<16xf32>
          %add3A_1061 = arith.addf %add3A_1012, %get3A_1038 : vector<16xf32>
          %add3A_1062 = arith.addf %add3A_1013, %get3A_1042 : vector<16xf32>
          %add3A_1063 = arith.addf %add3A_1014, %get3A_1046 : vector<16xf32>
          %add3A_1064 = arith.addf %add3A_1015, %get3A_1050 : vector<16xf32>
          %add3A_1065 = arith.addf %add3A_1016, %get3A_1054 : vector<16xf32>
          %add3A_1066 = arith.addf %add3A_1017, %get3A_1058 : vector<16xf32>
          scf.yield %add3A_1059, %add3A_1060, %add3A_1061, %add3A_1062, %add3A_1063, %add3A_1064, %add3A_1065, %add3A_1066 : vector<16xf32>, vector<16xf32>, vector<16xf32>, vector<16xf32>, vector<16xf32>, vector<16xf32>, vector<16xf32>, vector<16xf32>
        }
        %scan3A_472 = arith.constant 10 : i32
        %add3A_473 = arith.constant 8 : i32
        %add3A_474 = arith.addi %add3A_473, %scan3A_442 : i32
        %get3A_475 = arith.index_cast %add3A_474 : i32 to index
        %get3A_476 = arith.constant 0 : index
        %get3A_477 = tpu.vector_load %arg9[%get3A_475, %get3A_476] {strides = array<i32>} : memref<365x128xf32, #tpu.memory_space<vmem>>, vector<1x16xf32>,
        %get3A_478 = vector.shape_cast %get3A_477 : vector<1x16xf32> to vector<16xf32>
        %get3A_479 = arith.index_cast %add3A_474 : i32 to index
        %get3A_480 = arith.constant 16 : index
        %get3A_481 = tpu.vector_load %arg9[%get3A_479, %get3A_480] {strides = array<i32>} : memref<365x128xf32, #tpu.memory_space<vmem>>, vector<1x16xf32>,
        %get3A_482 = vector.shape_cast %get3A_481 : vector<1x16xf32> to vector<16xf32>
        %get3A_483 = arith.index_cast %add3A_474 : i32 to index
        %get3A_484 = arith.constant 32 : index
        %get3A_485 = tpu.vector_load %arg9[%get3A_483, %get3A_484] {strides = array<i32>} : memref<365x128xf32, #tpu.memory_space<vmem>>, vector<1x16xf32>,
        %get3A_486 = vector.shape_cast %get3A_485 : vector<1x16xf32> to vector<16xf32>
        %get3A_487 = arith.index_cast %add3A_474 : i32 to index
        %get3A_488 = arith.constant 48 : index
        %get3A_489 = tpu.vector_load %arg9[%get3A_487, %get3A_488] {strides = array<i32>} : memref<365x128xf32, #tpu.memory_space<vmem>>, vector<1x16xf32>,
        %get3A_490 = vector.shape_cast %get3A_489 : vector<1x16xf32> to vector<16xf32>
        %get3A_491 = arith.index_cast %add3A_474 : i32 to index
        %get3A_492 = arith.constant 64 : index
        %get3A_493 = tpu.vector_load %arg9[%get3A_491, %get3A_492] {strides = array<i32>} : memref<365x128xf32, #tpu.memory_space<vmem>>, vector<1x16xf32>,
        %get3A_494 = vector.shape_cast %get3A_493 : vector<1x16xf32> to vector<16xf32>
        %get3A_495 = arith.index_cast %add3A_474 : i32 to index
        %get3A_496 = arith.constant 80 : index
        %get3A_497 = tpu.vector_load %arg9[%get3A_495, %get3A_496] {strides = array<i32>} : memref<365x128xf32, #tpu.memory_space<vmem>>, vector<1x16xf32>,
        %get3A_498 = vector.shape_cast %get3A_497 : vector<1x16xf32> to vector<16xf32>
        %get3A_499 = arith.index_cast %add3A_474 : i32 to index
        %get3A_500 = arith.constant 96 : index
        %get3A_501 = tpu.vector_load %arg9[%get3A_499, %get3A_500] {strides = array<i32>} : memref<365x128xf32, #tpu.memory_space<vmem>>, vector<1x16xf32>,
        %get3A_502 = vector.shape_cast %get3A_501 : vector<1x16xf32> to vector<16xf32>
        %get3A_503 = arith.index_cast %add3A_474 : i32 to index
        %get3A_504 = arith.constant 112 : index
        %get3A_505 = tpu.vector_load %arg9[%get3A_503, %get3A_504] {strides = array<i32>} : memref<365x128xf32, #tpu.memory_space<vmem>>, vector<1x16xf32>,
        %get3A_506 = vector.shape_cast %get3A_505 : vector<1x16xf32> to vector<16xf32>
        %get3A_507 = arith.index_cast %scan3A_442 : i32 to index
        %get3A_508 = arith.constant 0 : index
        %get3A_509 = tpu.vector_load %arg9[%get3A_507, %get3A_508] {strides = array<i32>} : memref<365x128xf32, #tpu.memory_space<vmem>>, vector<1x16xf32>,
        %get3A_510 = vector.shape_cast %get3A_509 : vector<1x16xf32> to vector<16xf32>
        %get3A_511 = arith.index_cast %scan3A_442 : i32 to index
        %get3A_512 = arith.constant 16 : index
        %get3A_513 = tpu.vector_load %arg9[%get3A_511, %get3A_512] {strides = array<i32>} : memref<365x128xf32, #tpu.memory_space<vmem>>, vector<1x16xf32>,
        %get3A_514 = vector.shape_cast %get3A_513 : vector<1x16xf32> to vector<16xf32>
        %get3A_515 = arith.index_cast %scan3A_442 : i32 to index
        %get3A_516 = arith.constant 32 : index
        %get3A_517 = tpu.vector_load %arg9[%get3A_515, %get3A_516] {strides = array<i32>} : memref<365x128xf32, #tpu.memory_space<vmem>>, vector<1x16xf32>,
        %get3A_518 = vector.shape_cast %get3A_517 : vector<1x16xf32> to vector<16xf32>
        %get3A_519 = arith.index_cast %scan3A_442 : i32 to index
        %get3A_520 = arith.constant 48 : index
        %get3A_521 = tpu.vector_load %arg9[%get3A_519, %get3A_520] {strides = array<i32>} : memref<365x128xf32, #tpu.memory_space<vmem>>, vector<1x16xf32>,
        %get3A_522 = vector.shape_cast %get3A_521 : vector<1x16xf32> to vector<16xf32>
        %get3A_523 = arith.index_cast %scan3A_442 : i32 to index
        %get3A_524 = arith.constant 64 : index
        %get3A_525 = tpu.vector_load %arg9[%get3A_523, %get3A_524] {strides = array<i32>} : memref<365x128xf32, #tpu.memory_space<vmem>>, vector<1x16xf32>,
        %get3A_526 = vector.shape_cast %get3A_525 : vector<1x16xf32> to vector<16xf32>
        %get3A_527 = arith.index_cast %scan3A_442 : i32 to index
        %get3A_528 = arith.constant 80 : index
        %get3A_529 = tpu.vector_load %arg9[%get3A_527, %get3A_528] {strides = array<i32>} : memref<365x128xf32, #tpu.memory_space<vmem>>, vector<1x16xf32>,
        %get3A_530 = vector.shape_cast %get3A_529 : vector<1x16xf32> to vector<16xf32>
        %get3A_531 = arith.index_cast %scan3A_442 : i32 to index
        %get3A_532 = arith.constant 96 : index
        %get3A_533 = tpu.vector_load %arg9[%get3A_531, %get3A_532] {strides = array<i32>} : memref<365x128xf32, #tpu.memory_space<vmem>>, vector<1x16xf32>,
        %get3A_534 = vector.shape_cast %get3A_533 : vector<1x16xf32> to vector<16xf32>
        %get3A_535 = arith.index_cast %scan3A_442 : i32 to index
        %get3A_536 = arith.constant 112 : index
        %get3A_537 = tpu.vector_load %arg9[%get3A_535, %get3A_536] {strides = array<i32>} : memref<365x128xf32, #tpu.memory_space<vmem>>, vector<1x16xf32>,
        %get3A_538 = vector.shape_cast %get3A_537 : vector<1x16xf32> to vector<16xf32>
        %add3A_539 = arith.constant 6 : i32
        %add3A_540 = arith.addi %add3A_539, %scan3A_442 : i32
        %mul3A_541 = arith.constant 2.000000e-02 : f32
        %mul3A_542 = vector.broadcast %mul3A_541 : f32 to vector<16xf32>
        %mul3A_543 = arith.mulf %scan3A_471#0, %mul3A_542 : vector<16xf32>
        %get3A_544 = arith.index_cast %add3A_540 : i32 to index
        %get3A_545 = arith.constant 0 : index
        %get3A_546 = tpu.vector_load %arg12[%get3A_544, %get3A_545] {strides = array<i32>} : memref<40x128xf32, #tpu.memory_space<vmem>>, vector<1x16xf32>,
        %get3A_547 = vector.shape_cast %get3A_546 : vector<1x16xf32> to vector<16xf32>
        %add3A_548 = arith.constant 13 : i32
        %add3A_549 = arith.addi %add3A_548, %add3A_540 : i32
        %get3A_550 = arith.index_cast %add3A_549 : i32 to index
        %get3A_551 = arith.constant 0 : index
        %get3A_552 = tpu.vector_load %arg12[%get3A_550, %get3A_551] {strides = array<i32>} : memref<40x128xf32, #tpu.memory_space<vmem>>, vector<1x16xf32>,
        %get3A_553 = vector.shape_cast %get3A_552 : vector<1x16xf32> to vector<16xf32>
        %add3A_554 = arith.constant 26 : i32
        %add3A_555 = arith.addi %add3A_554, %add3A_540 : i32
        %get3A_556 = arith.index_cast %add3A_555 : i32 to index
        %get3A_557 = arith.constant 0 : index
        %get3A_558 = tpu.vector_load %arg12[%get3A_556, %get3A_557] {strides = array<i32>} : memref<40x128xf32, #tpu.memory_space<vmem>>, vector<1x16xf32>,
        %get3A_559 = vector.shape_cast %get3A_558 : vector<1x16xf32> to vector<16xf32>
        %add3A_560 = arith.addf %scan3A_443, %get3A_478 : vector<16xf32>
        %add3A_561 = arith.addf %add3A_560, %get3A_510 : vector<16xf32>
        %add3A_562 = arith.addf %add3A_561, %mul3A_543 : vector<16xf32>
        %mul3A_563 = arith.mulf %get3A_478, %get3A_478 : vector<16xf32>
        %add3A_564 = arith.addf %scan3A_451, %mul3A_563 : vector<16xf32>
        %mul3A_565 = arith.mulf %get3A_510, %get3A_510 : vector<16xf32>
        %add3A_566 = arith.addf %add3A_564, %mul3A_565 : vector<16xf32>
        %mul3A_567 = arith.mulf %mul3A_543, %mul3A_543 : vector<16xf32>
        %add3A_568 = arith.addf %add3A_566, %mul3A_567 : vector<16xf32>
        %mul3A_569 = arith.mulf %get3A_478, %get3A_547 : vector<16xf32>
        %add3A_570 = arith.addf %scan3A_459, %mul3A_569 : vector<16xf32>
        %mul3A_571 = arith.mulf %get3A_510, %get3A_559 : vector<16xf32>
        %add3A_572 = arith.addf %add3A_570, %mul3A_571 : vector<16xf32>
        %mul3A_573 = arith.mulf %mul3A_543, %get3A_553 : vector<16xf32>
        %add3A_574 = arith.addf %add3A_572, %mul3A_573 : vector<16xf32>
        %mul3A_575 = arith.constant 2.000000e-02 : f32
        %mul3A_576 = vector.broadcast %mul3A_575 : f32 to vector<16xf32>
        %mul3A_577 = arith.mulf %scan3A_471#1, %mul3A_576 : vector<16xf32>
        %get3A_578 = arith.index_cast %add3A_540 : i32 to index
        %get3A_579 = arith.constant 16 : index
        %get3A_580 = tpu.vector_load %arg12[%get3A_578, %get3A_579] {strides = array<i32>} : memref<40x128xf32, #tpu.memory_space<vmem>>, vector<1x16xf32>,
        %get3A_581 = vector.shape_cast %get3A_580 : vector<1x16xf32> to vector<16xf32>
        %add3A_582 = arith.constant 13 : i32
        %add3A_583 = arith.addi %add3A_582, %add3A_540 : i32
        %get3A_584 = arith.index_cast %add3A_583 : i32 to index
        %get3A_585 = arith.constant 16 : index
        %get3A_586 = tpu.vector_load %arg12[%get3A_584, %get3A_585] {strides = array<i32>} : memref<40x128xf32, #tpu.memory_space<vmem>>, vector<1x16xf32>,
        %get3A_587 = vector.shape_cast %get3A_586 : vector<1x16xf32> to vector<16xf32>
        %add3A_588 = arith.constant 26 : i32
        %add3A_589 = arith.addi %add3A_588, %add3A_540 : i32
        %get3A_590 = arith.index_cast %add3A_589 : i32 to index
        %get3A_591 = arith.constant 16 : index
        %get3A_592 = tpu.vector_load %arg12[%get3A_590, %get3A_591] {strides = array<i32>} : memref<40x128xf32, #tpu.memory_space<vmem>>, vector<1x16xf32>,
        %get3A_593 = vector.shape_cast %get3A_592 : vector<1x16xf32> to vector<16xf32>
        %add3A_594 = arith.addf %scan3A_444, %get3A_482 : vector<16xf32>
        %add3A_595 = arith.addf %add3A_594, %get3A_514 : vector<16xf32>
        %add3A_596 = arith.addf %add3A_595, %mul3A_577 : vector<16xf32>
        %mul3A_597 = arith.mulf %get3A_482, %get3A_482 : vector<16xf32>
        %add3A_598 = arith.addf %scan3A_452, %mul3A_597 : vector<16xf32>
        %mul3A_599 = arith.mulf %get3A_514, %get3A_514 : vector<16xf32>
        %add3A_600 = arith.addf %add3A_598, %mul3A_599 : vector<16xf32>
        %mul3A_601 = arith.mulf %mul3A_577, %mul3A_577 : vector<16xf32>
        %add3A_602 = arith.addf %add3A_600, %mul3A_601 : vector<16xf32>
        %mul3A_603 = arith.mulf %get3A_482, %get3A_581 : vector<16xf32>
        %add3A_604 = arith.addf %scan3A_460, %mul3A_603 : vector<16xf32>
        %mul3A_605 = arith.mulf %get3A_514, %get3A_593 : vector<16xf32>
        %add3A_606 = arith.addf %add3A_604, %mul3A_605 : vector<16xf32>
        %mul3A_607 = arith.mulf %mul3A_577, %get3A_587 : vector<16xf32>
        %add3A_608 = arith.addf %add3A_606, %mul3A_607 : vector<16xf32>
        %mul3A_609 = arith.constant 2.000000e-02 : f32
        %mul3A_610 = vector.broadcast %mul3A_609 : f32 to vector<16xf32>
        %mul3A_611 = arith.mulf %scan3A_471#2, %mul3A_610 : vector<16xf32>
        %get3A_612 = arith.index_cast %add3A_540 : i32 to index
        %get3A_613 = arith.constant 32 : index
        %get3A_614 = tpu.vector_load %arg12[%get3A_612, %get3A_613] {strides = array<i32>} : memref<40x128xf32, #tpu.memory_space<vmem>>, vector<1x16xf32>,
        %get3A_615 = vector.shape_cast %get3A_614 : vector<1x16xf32> to vector<16xf32>
        %add3A_616 = arith.constant 13 : i32
        %add3A_617 = arith.addi %add3A_616, %add3A_540 : i32
        %get3A_618 = arith.index_cast %add3A_617 : i32 to index
        %get3A_619 = arith.constant 32 : index
        %get3A_620 = tpu.vector_load %arg12[%get3A_618, %get3A_619] {strides = array<i32>} : memref<40x128xf32, #tpu.memory_space<vmem>>, vector<1x16xf32>,
        %get3A_621 = vector.shape_cast %get3A_620 : vector<1x16xf32> to vector<16xf32>
        %add3A_622 = arith.constant 26 : i32
        %add3A_623 = arith.addi %add3A_622, %add3A_540 : i32
        %get3A_624 = arith.index_cast %add3A_623 : i32 to index
        %get3A_625 = arith.constant 32 : index
        %get3A_626 = tpu.vector_load %arg12[%get3A_624, %get3A_625] {strides = array<i32>} : memref<40x128xf32, #tpu.memory_space<vmem>>, vector<1x16xf32>,
        %get3A_627 = vector.shape_cast %get3A_626 : vector<1x16xf32> to vector<16xf32>
        %add3A_628 = arith.addf %scan3A_445, %get3A_486 : vector<16xf32>
        %add3A_629 = arith.addf %add3A_628, %get3A_518 : vector<16xf32>
        %add3A_630 = arith.addf %add3A_629, %mul3A_611 : vector<16xf32>
        %mul3A_631 = arith.mulf %get3A_486, %get3A_486 : vector<16xf32>
        %add3A_632 = arith.addf %scan3A_453, %mul3A_631 : vector<16xf32>
        %mul3A_633 = arith.mulf %get3A_518, %get3A_518 : vector<16xf32>
        %add3A_634 = arith.addf %add3A_632, %mul3A_633 : vector<16xf32>
        %mul3A_635 = arith.mulf %mul3A_611, %mul3A_611 : vector<16xf32>
        %add3A_636 = arith.addf %add3A_634, %mul3A_635 : vector<16xf32>
        %mul3A_637 = arith.mulf %get3A_486, %get3A_615 : vector<16xf32>
        %add3A_638 = arith.addf %scan3A_461, %mul3A_637 : vector<16xf32>
        %mul3A_639 = arith.mulf %get3A_518, %get3A_627 : vector<16xf32>
        %add3A_640 = arith.addf %add3A_638, %mul3A_639 : vector<16xf32>
        %mul3A_641 = arith.mulf %mul3A_611, %get3A_621 : vector<16xf32>
        %add3A_642 = arith.addf %add3A_640, %mul3A_641 : vector<16xf32>
        %mul3A_643 = arith.constant 2.000000e-02 : f32
        %mul3A_644 = vector.broadcast %mul3A_643 : f32 to vector<16xf32>
        %mul3A_645 = arith.mulf %scan3A_471#3, %mul3A_644 : vector<16xf32>
        %get3A_646 = arith.index_cast %add3A_540 : i32 to index
        %get3A_647 = arith.constant 48 : index
        %get3A_648 = tpu.vector_load %arg12[%get3A_646, %get3A_647] {strides = array<i32>} : memref<40x128xf32, #tpu.memory_space<vmem>>, vector<1x16xf32>,
        %get3A_649 = vector.shape_cast %get3A_648 : vector<1x16xf32> to vector<16xf32>
        %add3A_650 = arith.constant 13 : i32
        %add3A_651 = arith.addi %add3A_650, %add3A_540 : i32
        %get3A_652 = arith.index_cast %add3A_651 : i32 to index
        %get3A_653 = arith.constant 48 : index
        %get3A_654 = tpu.vector_load %arg12[%get3A_652, %get3A_653] {strides = array<i32>} : memref<40x128xf32, #tpu.memory_space<vmem>>, vector<1x16xf32>,
        %get3A_655 = vector.shape_cast %get3A_654 : vector<1x16xf32> to vector<16xf32>
        %add3A_656 = arith.constant 26 : i32
        %add3A_657 = arith.addi %add3A_656, %add3A_540 : i32
        %get3A_658 = arith.index_cast %add3A_657 : i32 to index
        %get3A_659 = arith.constant 48 : index
        %get3A_660 = tpu.vector_load %arg12[%get3A_658, %get3A_659] {strides = array<i32>} : memref<40x128xf32, #tpu.memory_space<vmem>>, vector<1x16xf32>,
        %get3A_661 = vector.shape_cast %get3A_660 : vector<1x16xf32> to vector<16xf32>
        %add3A_662 = arith.addf %scan3A_446, %get3A_490 : vector<16xf32>
        %add3A_663 = arith.addf %add3A_662, %get3A_522 : vector<16xf32>
        %add3A_664 = arith.addf %add3A_663, %mul3A_645 : vector<16xf32>
        %mul3A_665 = arith.mulf %get3A_490, %get3A_490 : vector<16xf32>
        %add3A_666 = arith.addf %scan3A_454, %mul3A_665 : vector<16xf32>
        %mul3A_667 = arith.mulf %get3A_522, %get3A_522 : vector<16xf32>
        %add3A_668 = arith.addf %add3A_666, %mul3A_667 : vector<16xf32>
        %mul3A_669 = arith.mulf %mul3A_645, %mul3A_645 : vector<16xf32>
        %add3A_670 = arith.addf %add3A_668, %mul3A_669 : vector<16xf32>
        %mul3A_671 = arith.mulf %get3A_490, %get3A_649 : vector<16xf32>
        %add3A_672 = arith.addf %scan3A_462, %mul3A_671 : vector<16xf32>
        %mul3A_673 = arith.mulf %get3A_522, %get3A_661 : vector<16xf32>
        %add3A_674 = arith.addf %add3A_672, %mul3A_673 : vector<16xf32>
        %mul3A_675 = arith.mulf %mul3A_645, %get3A_655 : vector<16xf32>
        %add3A_676 = arith.addf %add3A_674, %mul3A_675 : vector<16xf32>
        %mul3A_677 = arith.constant 2.000000e-02 : f32
        %mul3A_678 = vector.broadcast %mul3A_677 : f32 to vector<16xf32>
        %mul3A_679 = arith.mulf %scan3A_471#4, %mul3A_678 : vector<16xf32>
        %get3A_680 = arith.index_cast %add3A_540 : i32 to index
        %get3A_681 = arith.constant 64 : index
        %get3A_682 = tpu.vector_load %arg12[%get3A_680, %get3A_681] {strides = array<i32>} : memref<40x128xf32, #tpu.memory_space<vmem>>, vector<1x16xf32>,
        %get3A_683 = vector.shape_cast %get3A_682 : vector<1x16xf32> to vector<16xf32>
        %add3A_684 = arith.constant 13 : i32
        %add3A_685 = arith.addi %add3A_684, %add3A_540 : i32
        %get3A_686 = arith.index_cast %add3A_685 : i32 to index
        %get3A_687 = arith.constant 64 : index
        %get3A_688 = tpu.vector_load %arg12[%get3A_686, %get3A_687] {strides = array<i32>} : memref<40x128xf32, #tpu.memory_space<vmem>>, vector<1x16xf32>,
        %get3A_689 = vector.shape_cast %get3A_688 : vector<1x16xf32> to vector<16xf32>
        %add3A_690 = arith.constant 26 : i32
        %add3A_691 = arith.addi %add3A_690, %add3A_540 : i32
        %get3A_692 = arith.index_cast %add3A_691 : i32 to index
        %get3A_693 = arith.constant 64 : index
        %get3A_694 = tpu.vector_load %arg12[%get3A_692, %get3A_693] {strides = array<i32>} : memref<40x128xf32, #tpu.memory_space<vmem>>, vector<1x16xf32>,
        %get3A_695 = vector.shape_cast %get3A_694 : vector<1x16xf32> to vector<16xf32>
        %add3A_696 = arith.addf %scan3A_447, %get3A_494 : vector<16xf32>
        %add3A_697 = arith.addf %add3A_696, %get3A_526 : vector<16xf32>
        %add3A_698 = arith.addf %add3A_697, %mul3A_679 : vector<16xf32>
        %mul3A_699 = arith.mulf %get3A_494, %get3A_494 : vector<16xf32>
        %add3A_700 = arith.addf %scan3A_455, %mul3A_699 : vector<16xf32>
        %mul3A_701 = arith.mulf %get3A_526, %get3A_526 : vector<16xf32>
        %add3A_702 = arith.addf %add3A_700, %mul3A_701 : vector<16xf32>
        %mul3A_703 = arith.mulf %mul3A_679, %mul3A_679 : vector<16xf32>
        %add3A_704 = arith.addf %add3A_702, %mul3A_703 : vector<16xf32>
        %mul3A_705 = arith.mulf %get3A_494, %get3A_683 : vector<16xf32>
        %add3A_706 = arith.addf %scan3A_463, %mul3A_705 : vector<16xf32>
        %mul3A_707 = arith.mulf %get3A_526, %get3A_695 : vector<16xf32>
        %add3A_708 = arith.addf %add3A_706, %mul3A_707 : vector<16xf32>
        %mul3A_709 = arith.mulf %mul3A_679, %get3A_689 : vector<16xf32>
        %add3A_710 = arith.addf %add3A_708, %mul3A_709 : vector<16xf32>
        %mul3A_711 = arith.constant 2.000000e-02 : f32
        %mul3A_712 = vector.broadcast %mul3A_711 : f32 to vector<16xf32>
        %mul3A_713 = arith.mulf %scan3A_471#5, %mul3A_712 : vector<16xf32>
        %get3A_714 = arith.index_cast %add3A_540 : i32 to index
        %get3A_715 = arith.constant 80 : index
        %get3A_716 = tpu.vector_load %arg12[%get3A_714, %get3A_715] {strides = array<i32>} : memref<40x128xf32, #tpu.memory_space<vmem>>, vector<1x16xf32>,
        %get3A_717 = vector.shape_cast %get3A_716 : vector<1x16xf32> to vector<16xf32>
        %add3A_718 = arith.constant 13 : i32
        %add3A_719 = arith.addi %add3A_718, %add3A_540 : i32
        %get3A_720 = arith.index_cast %add3A_719 : i32 to index
        %get3A_721 = arith.constant 80 : index
        %get3A_722 = tpu.vector_load %arg12[%get3A_720, %get3A_721] {strides = array<i32>} : memref<40x128xf32, #tpu.memory_space<vmem>>, vector<1x16xf32>,
        %get3A_723 = vector.shape_cast %get3A_722 : vector<1x16xf32> to vector<16xf32>
        %add3A_724 = arith.constant 26 : i32
        %add3A_725 = arith.addi %add3A_724, %add3A_540 : i32
        %get3A_726 = arith.index_cast %add3A_725 : i32 to index
        %get3A_727 = arith.constant 80 : index
        %get3A_728 = tpu.vector_load %arg12[%get3A_726, %get3A_727] {strides = array<i32>} : memref<40x128xf32, #tpu.memory_space<vmem>>, vector<1x16xf32>,
        %get3A_729 = vector.shape_cast %get3A_728 : vector<1x16xf32> to vector<16xf32>
        %add3A_730 = arith.addf %scan3A_448, %get3A_498 : vector<16xf32>
        %add3A_731 = arith.addf %add3A_730, %get3A_530 : vector<16xf32>
        %add3A_732 = arith.addf %add3A_731, %mul3A_713 : vector<16xf32>
        %mul3A_733 = arith.mulf %get3A_498, %get3A_498 : vector<16xf32>
        %add3A_734 = arith.addf %scan3A_456, %mul3A_733 : vector<16xf32>
        %mul3A_735 = arith.mulf %get3A_530, %get3A_530 : vector<16xf32>
        %add3A_736 = arith.addf %add3A_734, %mul3A_735 : vector<16xf32>
        %mul3A_737 = arith.mulf %mul3A_713, %mul3A_713 : vector<16xf32>
        %add3A_738 = arith.addf %add3A_736, %mul3A_737 : vector<16xf32>
        %mul3A_739 = arith.mulf %get3A_498, %get3A_717 : vector<16xf32>
        %add3A_740 = arith.addf %scan3A_464, %mul3A_739 : vector<16xf32>
        %mul3A_741 = arith.mulf %get3A_530, %get3A_729 : vector<16xf32>
        %add3A_742 = arith.addf %add3A_740, %mul3A_741 : vector<16xf32>
        %mul3A_743 = arith.mulf %mul3A_713, %get3A_723 : vector<16xf32>
        %add3A_744 = arith.addf %add3A_742, %mul3A_743 : vector<16xf32>
        %mul3A_745 = arith.constant 2.000000e-02 : f32
        %mul3A_746 = vector.broadcast %mul3A_745 : f32 to vector<16xf32>
        %mul3A_747 = arith.mulf %scan3A_471#6, %mul3A_746 : vector<16xf32>
        %get3A_748 = arith.index_cast %add3A_540 : i32 to index
        %get3A_749 = arith.constant 96 : index
        %get3A_750 = tpu.vector_load %arg12[%get3A_748, %get3A_749] {strides = array<i32>} : memref<40x128xf32, #tpu.memory_space<vmem>>, vector<1x16xf32>,
        %get3A_751 = vector.shape_cast %get3A_750 : vector<1x16xf32> to vector<16xf32>
        %add3A_752 = arith.constant 13 : i32
        %add3A_753 = arith.addi %add3A_752, %add3A_540 : i32
        %get3A_754 = arith.index_cast %add3A_753 : i32 to index
        %get3A_755 = arith.constant 96 : index
        %get3A_756 = tpu.vector_load %arg12[%get3A_754, %get3A_755] {strides = array<i32>} : memref<40x128xf32, #tpu.memory_space<vmem>>, vector<1x16xf32>,
        %get3A_757 = vector.shape_cast %get3A_756 : vector<1x16xf32> to vector<16xf32>
        %add3A_758 = arith.constant 26 : i32
        %add3A_759 = arith.addi %add3A_758, %add3A_540 : i32
        %get3A_760 = arith.index_cast %add3A_759 : i32 to index
        %get3A_761 = arith.constant 96 : index
        %get3A_762 = tpu.vector_load %arg12[%get3A_760, %get3A_761] {strides = array<i32>} : memref<40x128xf32, #tpu.memory_space<vmem>>, vector<1x16xf32>,
        %get3A_763 = vector.shape_cast %get3A_762 : vector<1x16xf32> to vector<16xf32>
        %add3A_764 = arith.addf %scan3A_449, %get3A_502 : vector<16xf32>
        %add3A_765 = arith.addf %add3A_764, %get3A_534 : vector<16xf32>
        %add3A_766 = arith.addf %add3A_765, %mul3A_747 : vector<16xf32>
        %mul3A_767 = arith.mulf %get3A_502, %get3A_502 : vector<16xf32>
        %add3A_768 = arith.addf %scan3A_457, %mul3A_767 : vector<16xf32>
        %mul3A_769 = arith.mulf %get3A_534, %get3A_534 : vector<16xf32>
        %add3A_770 = arith.addf %add3A_768, %mul3A_769 : vector<16xf32>
        %mul3A_771 = arith.mulf %mul3A_747, %mul3A_747 : vector<16xf32>
        %add3A_772 = arith.addf %add3A_770, %mul3A_771 : vector<16xf32>
        %mul3A_773 = arith.mulf %get3A_502, %get3A_751 : vector<16xf32>
        %add3A_774 = arith.addf %scan3A_465, %mul3A_773 : vector<16xf32>
        %mul3A_775 = arith.mulf %get3A_534, %get3A_763 : vector<16xf32>
        %add3A_776 = arith.addf %add3A_774, %mul3A_775 : vector<16xf32>
        %mul3A_777 = arith.mulf %mul3A_747, %get3A_757 : vector<16xf32>
        %add3A_778 = arith.addf %add3A_776, %mul3A_777 : vector<16xf32>
        %mul3A_779 = arith.constant 2.000000e-02 : f32
        %mul3A_780 = vector.broadcast %mul3A_779 : f32 to vector<16xf32>
        %mul3A_781 = arith.mulf %scan3A_471#7, %mul3A_780 : vector<16xf32>
        %get3A_782 = arith.index_cast %add3A_540 : i32 to index
        %get3A_783 = arith.constant 112 : index
        %get3A_784 = tpu.vector_load %arg12[%get3A_782, %get3A_783] {strides = array<i32>} : memref<40x128xf32, #tpu.memory_space<vmem>>, vector<1x16xf32>,
        %get3A_785 = vector.shape_cast %get3A_784 : vector<1x16xf32> to vector<16xf32>
        %add3A_786 = arith.constant 13 : i32
        %add3A_787 = arith.addi %add3A_786, %add3A_540 : i32
        %get3A_788 = arith.index_cast %add3A_787 : i32 to index
        %get3A_789 = arith.constant 112 : index
        %get3A_790 = tpu.vector_load %arg12[%get3A_788, %get3A_789] {strides = array<i32>} : memref<40x128xf32, #tpu.memory_space<vmem>>, vector<1x16xf32>,
        %get3A_791 = vector.shape_cast %get3A_790 : vector<1x16xf32> to vector<16xf32>
        %add3A_792 = arith.constant 26 : i32
        %add3A_793 = arith.addi %add3A_792, %add3A_540 : i32
        %get3A_794 = arith.index_cast %add3A_793 : i32 to index
        %get3A_795 = arith.constant 112 : index
        %get3A_796 = tpu.vector_load %arg12[%get3A_794, %get3A_795] {strides = array<i32>} : memref<40x128xf32, #tpu.memory_space<vmem>>, vector<1x16xf32>,
        %get3A_797 = vector.shape_cast %get3A_796 : vector<1x16xf32> to vector<16xf32>
        %add3A_798 = arith.addf %scan3A_450, %get3A_506 : vector<16xf32>
        %add3A_799 = arith.addf %add3A_798, %get3A_538 : vector<16xf32>
        %add3A_800 = arith.addf %add3A_799, %mul3A_781 : vector<16xf32>
        %mul3A_801 = arith.mulf %get3A_506, %get3A_506 : vector<16xf32>
        %add3A_802 = arith.addf %scan3A_458, %mul3A_801 : vector<16xf32>
        %mul3A_803 = arith.mulf %get3A_538, %get3A_538 : vector<16xf32>
        %add3A_804 = arith.addf %add3A_802, %mul3A_803 : vector<16xf32>
        %mul3A_805 = arith.mulf %mul3A_781, %mul3A_781 : vector<16xf32>
        %add3A_806 = arith.addf %add3A_804, %mul3A_805 : vector<16xf32>
        %mul3A_807 = arith.mulf %get3A_506, %get3A_785 : vector<16xf32>
        %add3A_808 = arith.addf %scan3A_466, %mul3A_807 : vector<16xf32>
        %mul3A_809 = arith.mulf %get3A_538, %get3A_797 : vector<16xf32>
        %add3A_810 = arith.addf %add3A_808, %mul3A_809 : vector<16xf32>
        %mul3A_811 = arith.mulf %mul3A_781, %get3A_791 : vector<16xf32>
        %add3A_812 = arith.addf %add3A_810, %mul3A_811 : vector<16xf32>
        scf.yield %add3A_562, %add3A_596, %add3A_630, %add3A_664, %add3A_698, %add3A_732, %add3A_766, %add3A_800, %add3A_568, %add3A_602, %add3A_636, %add3A_670, %add3A_704, %add3A_738, %add3A_772, %add3A_806, %add3A_574, %add3A_608, %add3A_642, %add3A_676, %add3A_710, %add3A_744, %add3A_778, %add3A_812 : vector<16xf32>, vector<16xf32>, vector<16xf32>, vector<16xf32>, vector<16xf32>, vector<16xf32>, vector<16xf32>, vector<16xf32>, vector<16xf32>, vector<16xf32>, vector<16xf32>, vector<16xf32>, vector<16xf32>, vector<16xf32>, vector<16xf32>, vector<16xf32>, vector<16xf32>, vector<16xf32>, vector<16xf32>, vector<16xf32>, vector<16xf32>, vector<16xf32>, vector<16xf32>, vector<16xf32>
      }
      %scan3A_254 = arith.constant 7 : i32
      %get3A = arith.index_cast %scan3A_87 : i32 to index
      %get3A_255 = arith.constant 0 : index
      %get3A_256 = tpu.vector_load %arg11[%get3A, %get3A_255] {strides = array<i32>} : memref<32x128xf32, #tpu.memory_space<vmem>>, vector<1x16xf32>,
      %get3A_257 = vector.shape_cast %get3A_256 : vector<1x16xf32> to vector<16xf32>
      %get3A_258 = arith.constant 39 : i32
      %get3A_259 = arith.index_cast %get3A_258 : i32 to index
      %get3A_260 = arith.constant 0 : index
      %get3A_261 = tpu.vector_load %arg12[%get3A_259, %get3A_260] {strides = array<i32>} : memref<40x128xf32, #tpu.memory_space<vmem>>, vector<1x16xf32>,
      %get3A_262 = vector.shape_cast %get3A_261 : vector<1x16xf32> to vector<16xf32>
      %mul3A_263 = arith.mulf %get3A_257, %get3A_262 : vector<16xf32>
      %add3A_264 = arith.addf %scan3A_253#16, %mul3A_263 : vector<16xf32>
      %get3A_265 = arith.index_cast %scan3A_87 : i32 to index
      %get3A_266 = arith.constant 16 : index
      %get3A_267 = tpu.vector_load %arg11[%get3A_265, %get3A_266] {strides = array<i32>} : memref<32x128xf32, #tpu.memory_space<vmem>>, vector<1x16xf32>,
      %get3A_268 = vector.shape_cast %get3A_267 : vector<1x16xf32> to vector<16xf32>
      %get3A_269 = arith.constant 39 : i32
      %get3A_270 = arith.index_cast %get3A_269 : i32 to index
      %get3A_271 = arith.constant 16 : index
      %get3A_272 = tpu.vector_load %arg12[%get3A_270, %get3A_271] {strides = array<i32>} : memref<40x128xf32, #tpu.memory_space<vmem>>, vector<1x16xf32>,
      %get3A_273 = vector.shape_cast %get3A_272 : vector<1x16xf32> to vector<16xf32>
      %mul3A_274 = arith.mulf %get3A_268, %get3A_273 : vector<16xf32>
      %add3A_275 = arith.addf %scan3A_253#17, %mul3A_274 : vector<16xf32>
      %get3A_276 = arith.index_cast %scan3A_87 : i32 to index
      %get3A_277 = arith.constant 32 : index
      %get3A_278 = tpu.vector_load %arg11[%get3A_276, %get3A_277] {strides = array<i32>} : memref<32x128xf32, #tpu.memory_space<vmem>>, vector<1x16xf32>,
      %get3A_279 = vector.shape_cast %get3A_278 : vector<1x16xf32> to vector<16xf32>
      %get3A_280 = arith.constant 39 : i32
      %get3A_281 = arith.index_cast %get3A_280 : i32 to index
      %get3A_282 = arith.constant 32 : index
      %get3A_283 = tpu.vector_load %arg12[%get3A_281, %get3A_282] {strides = array<i32>} : memref<40x128xf32, #tpu.memory_space<vmem>>, vector<1x16xf32>,
      %get3A_284 = vector.shape_cast %get3A_283 : vector<1x16xf32> to vector<16xf32>
      %mul3A_285 = arith.mulf %get3A_279, %get3A_284 : vector<16xf32>
      %add3A_286 = arith.addf %scan3A_253#18, %mul3A_285 : vector<16xf32>
      %get3A_287 = arith.index_cast %scan3A_87 : i32 to index
      %get3A_288 = arith.constant 48 : index
      %get3A_289 = tpu.vector_load %arg11[%get3A_287, %get3A_288] {strides = array<i32>} : memref<32x128xf32, #tpu.memory_space<vmem>>, vector<1x16xf32>,
      %get3A_290 = vector.shape_cast %get3A_289 : vector<1x16xf32> to vector<16xf32>
      %get3A_291 = arith.constant 39 : i32
      %get3A_292 = arith.index_cast %get3A_291 : i32 to index
      %get3A_293 = arith.constant 48 : index
      %get3A_294 = tpu.vector_load %arg12[%get3A_292, %get3A_293] {strides = array<i32>} : memref<40x128xf32, #tpu.memory_space<vmem>>, vector<1x16xf32>,
      %get3A_295 = vector.shape_cast %get3A_294 : vector<1x16xf32> to vector<16xf32>
      %mul3A_296 = arith.mulf %get3A_290, %get3A_295 : vector<16xf32>
      %add3A_297 = arith.addf %scan3A_253#19, %mul3A_296 : vector<16xf32>
      %mul3A_298 = arith.mulf %scan3A_253#0, %scan3A_253#0 : vector<16xf32>
      %mul3A_299 = arith.mulf %scan3A_253#1, %scan3A_253#1 : vector<16xf32>
      %mul3A_300 = arith.mulf %scan3A_253#2, %scan3A_253#2 : vector<16xf32>
      %mul3A_301 = arith.mulf %scan3A_253#3, %scan3A_253#3 : vector<16xf32>
      %mul3A_302 = arith.mulf %scan3A_253#4, %scan3A_253#4 : vector<16xf32>
      %mul3A_303 = arith.mulf %scan3A_253#5, %scan3A_253#5 : vector<16xf32>
      %mul3A_304 = arith.mulf %scan3A_253#6, %scan3A_253#6 : vector<16xf32>
      %mul3A_305 = arith.mulf %scan3A_253#7, %scan3A_253#7 : vector<16xf32>
      %add3A_306 = arith.addf %mul3A_298, %mul3A_299 : vector<16xf32>
      %add3A_307 = arith.addf %add3A_306, %mul3A_300 : vector<16xf32>
      %add3A_308 = arith.addf %add3A_307, %mul3A_301 : vector<16xf32>
      %add3A_309 = arith.addf %add3A_308, %mul3A_302 : vector<16xf32>
      %add3A_310 = arith.addf %add3A_309, %mul3A_303 : vector<16xf32>
      %add3A_311 = arith.addf %add3A_310, %mul3A_304 : vector<16xf32>
      %add3A_312 = arith.addf %add3A_311, %mul3A_305 : vector<16xf32>
      %iota3A = tpu.iota {dimensions = array<i32: 0>} : vector<16xi32>
      %xor3A = arith.constant 1 : i32
      %xor3A_313 = vector.broadcast %xor3A : i32 to vector<16xi32>
      %xor3A_314 = arith.xori %iota3A, %xor3A_313 : vector<16xi32>
      %broadcast_in_dim3A_315 = vector.shape_cast %xor3A_314 : vector<16xi32> to vector<16x1xi32>
      %gather3A = vector.shape_cast %broadcast_in_dim3A_315 : vector<16x1xi32> to vector<16xi32>
      %gather3A_316 = tpu.dynamic_gather %add3A_312[%gather3A] in [0] : vector<16xf32>, vector<16xi32> -> vector<16xf32>
      %add3A_317 = arith.addf %add3A_312, %gather3A_316 : vector<16xf32>
      %xor3A_318 = arith.constant 2 : i32
      %xor3A_319 = vector.broadcast %xor3A_318 : i32 to vector<16xi32>
      %xor3A_320 = arith.xori %iota3A, %xor3A_319 : vector<16xi32>
      %broadcast_in_dim3A_321 = vector.shape_cast %xor3A_320 : vector<16xi32> to vector<16x1xi32>
      %gather3A_322 = vector.shape_cast %broadcast_in_dim3A_321 : vector<16x1xi32> to vector<16xi32>
      %gather3A_323 = tpu.dynamic_gather %add3A_317[%gather3A_322] in [0] : vector<16xf32>, vector<16xi32> -> vector<16xf32>
      %add3A_324 = arith.addf %add3A_317, %gather3A_323 : vector<16xf32>
      %xor3A_325 = arith.constant 4 : i32
      %xor3A_326 = vector.broadcast %xor3A_325 : i32 to vector<16xi32>
      %xor3A_327 = arith.xori %iota3A, %xor3A_326 : vector<16xi32>
      %broadcast_in_dim3A_328 = vector.shape_cast %xor3A_327 : vector<16xi32> to vector<16x1xi32>
      %gather3A_329 = vector.shape_cast %broadcast_in_dim3A_328 : vector<16x1xi32> to vector<16xi32>
      %gather3A_330 = tpu.dynamic_gather %add3A_324[%gather3A_329] in [0] : vector<16xf32>, vector<16xi32> -> vector<16xf32>
      %add3A_331 = arith.addf %add3A_324, %gather3A_330 : vector<16xf32>
      %xor3A_332 = arith.constant 8 : i32
      %xor3A_333 = vector.broadcast %xor3A_332 : i32 to vector<16xi32>
      %xor3A_334 = arith.xori %iota3A, %xor3A_333 : vector<16xi32>
      %broadcast_in_dim3A_335 = vector.shape_cast %xor3A_334 : vector<16xi32> to vector<16x1xi32>
      %gather3A_336 = vector.shape_cast %broadcast_in_dim3A_335 : vector<16x1xi32> to vector<16xi32>
      %gather3A_337 = tpu.dynamic_gather %add3A_331[%gather3A_336] in [0] : vector<16xf32>, vector<16xi32> -> vector<16xf32>
      %add3A_338 = arith.addf %add3A_331, %gather3A_337 : vector<16xf32>
      %add3A_339 = arith.addf %scan3A_253#8, %scan3A_253#9 : vector<16xf32>
      %add3A_340 = arith.addf %add3A_339, %scan3A_253#10 : vector<16xf32>
      %add3A_341 = arith.addf %add3A_340, %scan3A_253#11 : vector<16xf32>
      %add3A_342 = arith.addf %add3A_341, %scan3A_253#12 : vector<16xf32>
      %add3A_343 = arith.addf %add3A_342, %scan3A_253#13 : vector<16xf32>
      %add3A_344 = arith.addf %add3A_343, %scan3A_253#14 : vector<16xf32>
      %add3A_345 = arith.addf %add3A_344, %scan3A_253#15 : vector<16xf32>
      %iota3A_346 = tpu.iota {dimensions = array<i32: 0>} : vector<16xi32>
      %xor3A_347 = arith.constant 1 : i32
      %xor3A_348 = vector.broadcast %xor3A_347 : i32 to vector<16xi32>
      %xor3A_349 = arith.xori %iota3A_346, %xor3A_348 : vector<16xi32>
      %broadcast_in_dim3A_350 = vector.shape_cast %xor3A_349 : vector<16xi32> to vector<16x1xi32>
      %gather3A_351 = vector.shape_cast %broadcast_in_dim3A_350 : vector<16x1xi32> to vector<16xi32>
      %gather3A_352 = tpu.dynamic_gather %add3A_345[%gather3A_351] in [0] : vector<16xf32>, vector<16xi32> -> vector<16xf32>
      %add3A_353 = arith.addf %add3A_345, %gather3A_352 : vector<16xf32>
      %xor3A_354 = arith.constant 2 : i32
      %xor3A_355 = vector.broadcast %xor3A_354 : i32 to vector<16xi32>
      %xor3A_356 = arith.xori %iota3A_346, %xor3A_355 : vector<16xi32>
      %broadcast_in_dim3A_357 = vector.shape_cast %xor3A_356 : vector<16xi32> to vector<16x1xi32>
      %gather3A_358 = vector.shape_cast %broadcast_in_dim3A_357 : vector<16x1xi32> to vector<16xi32>
      %gather3A_359 = tpu.dynamic_gather %add3A_353[%gather3A_358] in [0] : vector<16xf32>, vector<16xi32> -> vector<16xf32>
      %add3A_360 = arith.addf %add3A_353, %gather3A_359 : vector<16xf32>
      %xor3A_361 = arith.constant 4 : i32
      %xor3A_362 = vector.broadcast %xor3A_361 : i32 to vector<16xi32>
      %xor3A_363 = arith.xori %iota3A_346, %xor3A_362 : vector<16xi32>
      %broadcast_in_dim3A_364 = vector.shape_cast %xor3A_363 : vector<16xi32> to vector<16x1xi32>
      %gather3A_365 = vector.shape_cast %broadcast_in_dim3A_364 : vector<16x1xi32> to vector<16xi32>
      %gather3A_366 = tpu.dynamic_gather %add3A_360[%gather3A_365] in [0] : vector<16xf32>, vector<16xi32> -> vector<16xf32>
      %add3A_367 = arith.addf %add3A_360, %gather3A_366 : vector<16xf32>
      %xor3A_368 = arith.constant 8 : i32
      %xor3A_369 = vector.broadcast %xor3A_368 : i32 to vector<16xi32>
      %xor3A_370 = arith.xori %iota3A_346, %xor3A_369 : vector<16xi32>
      %broadcast_in_dim3A_371 = vector.shape_cast %xor3A_370 : vector<16xi32> to vector<16x1xi32>
      %gather3A_372 = vector.shape_cast %broadcast_in_dim3A_371 : vector<16x1xi32> to vector<16xi32>
      %gather3A_373 = tpu.dynamic_gather %add3A_367[%gather3A_372] in [0] : vector<16xf32>, vector<16xi32> -> vector<16xf32>
      %add3A_374 = arith.addf %add3A_367, %gather3A_373 : vector<16xf32>
      %add3A_375 = arith.addf %add3A_264, %add3A_275 : vector<16xf32>
      %add3A_376 = arith.addf %add3A_375, %add3A_286 : vector<16xf32>
      %add3A_377 = arith.addf %add3A_376, %add3A_297 : vector<16xf32>
      %add3A_378 = arith.addf %add3A_377, %scan3A_253#20 : vector<16xf32>
      %add3A_379 = arith.addf %add3A_378, %scan3A_253#21 : vector<16xf32>
      %add3A_380 = arith.addf %add3A_379, %scan3A_253#22 : vector<16xf32>
      %add3A_381 = arith.addf %add3A_380, %scan3A_253#23 : vector<16xf32>
      %iota3A_382 = tpu.iota {dimensions = array<i32: 0>} : vector<16xi32>
      %xor3A_383 = arith.constant 1 : i32
      %xor3A_384 = vector.broadcast %xor3A_383 : i32 to vector<16xi32>
      %xor3A_385 = arith.xori %iota3A_382, %xor3A_384 : vector<16xi32>
      %broadcast_in_dim3A_386 = vector.shape_cast %xor3A_385 : vector<16xi32> to vector<16x1xi32>
      %gather3A_387 = vector.shape_cast %broadcast_in_dim3A_386 : vector<16x1xi32> to vector<16xi32>
      %gather3A_388 = tpu.dynamic_gather %add3A_381[%gather3A_387] in [0] : vector<16xf32>, vector<16xi32> -> vector<16xf32>
      %add3A_389 = arith.addf %add3A_381, %gather3A_388 : vector<16xf32>
      %xor3A_390 = arith.constant 2 : i32
      %xor3A_391 = vector.broadcast %xor3A_390 : i32 to vector<16xi32>
      %xor3A_392 = arith.xori %iota3A_382, %xor3A_391 : vector<16xi32>
      %broadcast_in_dim3A_393 = vector.shape_cast %xor3A_392 : vector<16xi32> to vector<16x1xi32>
      %gather3A_394 = vector.shape_cast %broadcast_in_dim3A_393 : vector<16x1xi32> to vector<16xi32>
      %gather3A_395 = tpu.dynamic_gather %add3A_389[%gather3A_394] in [0] : vector<16xf32>, vector<16xi32> -> vector<16xf32>
      %add3A_396 = arith.addf %add3A_389, %gather3A_395 : vector<16xf32>
      %xor3A_397 = arith.constant 4 : i32
      %xor3A_398 = vector.broadcast %xor3A_397 : i32 to vector<16xi32>
      %xor3A_399 = arith.xori %iota3A_382, %xor3A_398 : vector<16xi32>
      %broadcast_in_dim3A_400 = vector.shape_cast %xor3A_399 : vector<16xi32> to vector<16x1xi32>
      %gather3A_401 = vector.shape_cast %broadcast_in_dim3A_400 : vector<16x1xi32> to vector<16xi32>
      %gather3A_402 = tpu.dynamic_gather %add3A_396[%gather3A_401] in [0] : vector<16xf32>, vector<16xi32> -> vector<16xf32>
      %add3A_403 = arith.addf %add3A_396, %gather3A_402 : vector<16xf32>
      %xor3A_404 = arith.constant 8 : i32
      %xor3A_405 = vector.broadcast %xor3A_404 : i32 to vector<16xi32>
      %xor3A_406 = arith.xori %iota3A_382, %xor3A_405 : vector<16xi32>
      %broadcast_in_dim3A_407 = vector.shape_cast %xor3A_406 : vector<16xi32> to vector<16x1xi32>
      %gather3A_408 = vector.shape_cast %broadcast_in_dim3A_407 : vector<16x1xi32> to vector<16xi32>
      %gather3A_409 = tpu.dynamic_gather %add3A_403[%gather3A_408] in [0] : vector<16xf32>, vector<16xi32> -> vector<16xf32>
      %add3A_410 = arith.addf %add3A_403, %gather3A_409 : vector<16xf32>
      %get3A_411 = arith.constant 39 : i32
      %get3A_412 = arith.index_cast %get3A_411 : i32 to index
      %get3A_413 = arith.constant 64 : index
      %get3A_414 = tpu.vector_load %arg12[%get3A_412, %get3A_413] {strides = array<i32>} : memref<40x128xf32, #tpu.memory_space<vmem>>, vector<1x16xf32>,
      %get3A_415 = vector.shape_cast %get3A_414 : vector<1x16xf32> to vector<16xf32>
      %add3A_416 = arith.addf %add3A_410, %get3A_415 : vector<16xf32>
      %sub3A = arith.subf %add3A_374, %add3A_338 : vector<16xf32>
      %mul3A_417 = arith.constant 5.000000e-01 : f32
      %mul3A_418 = vector.broadcast %mul3A_417 : f32 to vector<16xf32>
      %mul3A_419 = arith.mulf %sub3A, %mul3A_418 : vector<16xf32>
      %exp3A = math.exp %mul3A_419 : vector<16xf32>
      %add3A_420 = arith.constant 1.000000e+00 : f32
      %add3A_421 = vector.broadcast %add3A_420 : f32 to vector<16xf32>
      %add3A_422 = arith.addf %add3A_421, %exp3A : vector<16xf32>
      %div3A = arith.constant 1.000000e+00 : f32
      %div3A_423 = vector.broadcast %div3A : f32 to vector<16xf32>
      %div3A_424 = arith.divf %div3A_423, %add3A_422 : vector<16xf32>
      %neg3A = arith.constant 0.000000e+00 : f32
      %neg3A_425 = vector.broadcast %neg3A : f32 to vector<16xf32>
      %neg3A_426 = arith.subf %neg3A_425, %add3A_416 : vector<16xf32>
      %exp3A_427 = math.exp %neg3A_426 : vector<16xf32>
      %add3A_428 = arith.constant 1.000000e+00 : f32
      %add3A_429 = vector.broadcast %add3A_428 : f32 to vector<16xf32>
      %add3A_430 = arith.addf %add3A_429, %exp3A_427 : vector<16xf32>
      %div3A_431 = arith.constant 1.000000e+00 : f32
      %div3A_432 = vector.broadcast %div3A_431 : f32 to vector<16xf32>
      %div3A_433 = arith.divf %div3A_432, %add3A_430 : vector<16xf32>
      %add3A_434 = arith.addf %div3A_424, %div3A_433 : vector<16xf32>
      %mul3A_435 = arith.constant 5.000000e-01 : f32
      %mul3A_436 = vector.broadcast %mul3A_435 : f32 to vector<16xf32>
      %mul3A_437 = arith.mulf %add3A_434, %mul3A_436 : vector<16xf32>
      %swap3A = arith.index_cast %scan3A_87 : i32 to index
      %swap3A_438 = arith.constant 64 : index
      %swap3A_439 = tpu.vector_load %arg11[%swap3A, %swap3A_438] {strides = array<i32>} : memref<32x128xf32, #tpu.memory_space<vmem>>, vector<1x16xf32>,
      %swap3A_440 = vector.shape_cast %swap3A_439 : vector<1x16xf32> to vector<16xf32>
      %swap3A_441 = vector.shape_cast %mul3A_437 : vector<16xf32> to vector<1x16xf32>
      tpu.vector_store %arg11[%swap3A, %swap3A_438], %swap3A_441 {strides = array<i32>} : memref<32x128xf32, #tpu.memory_space<vmem>>, vector<1x16xf32>,
    }
    %scan3A_47 = arith.constant 32 : i32
    %dma_wait3A = arith.constant 0 : i32
    %dma_wait3A_48 = arith.constant 8 : i32
    %dma_wait3A_49 = arith.constant 0 : i32
    %dma_wait3A_50 = tpu.memref_slice %arg8[%dma_wait3A_48, %dma_wait3A_49] : memref<314x128xf32, #tpu.memory_space<vmem>> -> memref<128x128xf32, #tpu.memory_space<vmem>>
    %dma_wait3A_51 = arith.constant 0 : i32
    %dma_wait3A_52 = tpu.memref_slice %arg10[%dma_wait3A, %dma_wait3A_51] : memref<32x904xi32, #tpu.memory_space<vmem>> -> memref<1x128xi32, #tpu.memory_space<vmem>>
    %dma_wait3A_53 = tpu.memref_squeeze %dma_wait3A_52 : memref<1x128xi32, #tpu.memory_space<vmem>> -> memref<128xi32, #tpu.memory_space<vmem>>
    %dma_wait3A_54 = arith.constant 0 : i32
    %dma_wait3A_55 = arith.constant 0 : i32
    %dma_wait3A_56 = tpu.memref_slice %arg2[%dma_wait3A_54, %dma_wait3A_55] : memref<13000x128xf32, #tpu.memory_space<hbm>> -> memref<13000x128xf32, #tpu.memory_space<hbm>>
    tpu.wait_indirect_dma semaphore(%arg13 : memref<!tpu.dma_semaphore, #tpu.memory_space<semaphore_mem>>) src(%dma_wait3A_56 : memref<13000x128xf32, #tpu.memory_space<hbm>>) dst(%dma_wait3A_50 : memref<128x128xf32, #tpu.memory_space<vmem>>)
    %dma_wait3A_57 = arith.constant 0 : i32
    %dma_wait3A_58 = arith.constant 136 : i32
    %dma_wait3A_59 = arith.constant 0 : i32
    %dma_wait3A_60 = tpu.memref_slice %arg8[%dma_wait3A_58, %dma_wait3A_59] : memref<314x128xf32, #tpu.memory_space<vmem>> -> memref<128x128xf32, #tpu.memory_space<vmem>>
    %dma_wait3A_61 = arith.constant 128 : i32
    %dma_wait3A_62 = tpu.memref_slice %arg10[%dma_wait3A_57, %dma_wait3A_61] : memref<32x904xi32, #tpu.memory_space<vmem>> -> memref<1x128xi32, #tpu.memory_space<vmem>>
    %dma_wait3A_63 = tpu.memref_squeeze %dma_wait3A_62 : memref<1x128xi32, #tpu.memory_space<vmem>> -> memref<128xi32, #tpu.memory_space<vmem>>
    %dma_wait3A_64 = arith.constant 0 : i32
    %dma_wait3A_65 = arith.constant 0 : i32
    %dma_wait3A_66 = tpu.memref_slice %arg2[%dma_wait3A_64, %dma_wait3A_65] : memref<13000x128xf32, #tpu.memory_space<hbm>> -> memref<13000x128xf32, #tpu.memory_space<hbm>>
    tpu.wait_indirect_dma semaphore(%arg13 : memref<!tpu.dma_semaphore, #tpu.memory_space<semaphore_mem>>) src(%dma_wait3A_66 : memref<13000x128xf32, #tpu.memory_space<hbm>>) dst(%dma_wait3A_60 : memref<128x128xf32, #tpu.memory_space<vmem>>)
    %dma_wait3A_67 = arith.constant 0 : i32
    %dma_wait3A_68 = arith.constant 264 : i32
    %dma_wait3A_69 = arith.constant 0 : i32
    %dma_wait3A_70 = tpu.memref_slice %arg8[%dma_wait3A_68, %dma_wait3A_69] : memref<314x128xf32, #tpu.memory_space<vmem>> -> memref<50x128xf32, #tpu.memory_space<vmem>>
    %dma_wait3A_71 = arith.constant 256 : i32
    %dma_wait3A_72 = tpu.memref_slice %arg10[%dma_wait3A_67, %dma_wait3A_71] : memref<32x904xi32, #tpu.memory_space<vmem>> -> memref<1x50xi32, #tpu.memory_space<vmem>>
    %dma_wait3A_73 = tpu.memref_squeeze %dma_wait3A_72 : memref<1x50xi32, #tpu.memory_space<vmem>> -> memref<50xi32, #tpu.memory_space<vmem>>
    %dma_wait3A_74 = arith.constant 0 : i32
    %dma_wait3A_75 = arith.constant 0 : i32
    %dma_wait3A_76 = tpu.memref_slice %arg2[%dma_wait3A_74, %dma_wait3A_75] : memref<13000x128xf32, #tpu.memory_space<hbm>> -> memref<13000x128xf32, #tpu.memory_space<hbm>>
    tpu.wait_indirect_dma semaphore(%arg13 : memref<!tpu.dma_semaphore, #tpu.memory_space<semaphore_mem>>) src(%dma_wait3A_76 : memref<13000x128xf32, #tpu.memory_space<hbm>>) dst(%dma_wait3A_70 : memref<50x128xf32, #tpu.memory_space<vmem>>)
    %dma_wait3A_77 = arith.constant 0 : i32
    %dma_wait3A_78 = arith.constant 0 : i32
    %dma_wait3A_79 = arith.constant 0 : i32
    %dma_wait3A_80 = tpu.memref_slice %arg8[%dma_wait3A_78, %dma_wait3A_79] : memref<314x128xf32, #tpu.memory_space<vmem>> -> memref<6x128xf32, #tpu.memory_space<vmem>>
    %dma_wait3A_81 = arith.constant 384 : i32
    %dma_wait3A_82 = tpu.memref_slice %arg10[%dma_wait3A_77, %dma_wait3A_81] : memref<32x904xi32, #tpu.memory_space<vmem>> -> memref<1x6xi32, #tpu.memory_space<vmem>>
    %dma_wait3A_83 = tpu.memref_squeeze %dma_wait3A_82 : memref<1x6xi32, #tpu.memory_space<vmem>> -> memref<6xi32, #tpu.memory_space<vmem>>
    %dma_wait3A_84 = arith.constant 0 : i32
    %dma_wait3A_85 = arith.constant 0 : i32
    %dma_wait3A_86 = tpu.memref_slice %arg3[%dma_wait3A_84, %dma_wait3A_85] : memref<13000x128xf32, #tpu.memory_space<hbm>> -> memref<13000x128xf32, #tpu.memory_space<hbm>>
    tpu.wait_indirect_dma semaphore(%arg13 : memref<!tpu.dma_semaphore, #tpu.memory_space<semaphore_mem>>) src(%dma_wait3A_86 : memref<13000x128xf32, #tpu.memory_space<hbm>>) dst(%dma_wait3A_80 : memref<6x128xf32, #tpu.memory_space<vmem>>)
    "tpu.region"() ({
      %run_scoped3A = tpu.sem_alloc : memref<!tpu.dma_semaphore, #tpu.memory_space<semaphore_mem>>
      %dma_start3A_87 = arith.constant 0 : i32
      %dma_start3A_88 = tpu.memref_slice %arg7[%mul3A_2, %dma_start3A_87] : memref<1024x128xf32, #tpu.memory_space<hbm>> -> memref<32x128xf32, #tpu.memory_space<hbm>>
      %dma_start3A_89 = arith.constant 0 : i32
      %dma_start3A_90 = tpu.memref_slice %arg7[%mul3A_2, %dma_start3A_89] : memref<1024x128xf32, #tpu.memory_space<hbm>> -> memref<32x128xf32, #tpu.memory_space<hbm>>
      tpu.enqueue_dma source(%arg11 : memref<32x128xf32, #tpu.memory_space<vmem>>) target(%dma_start3A_90 : memref<32x128xf32, #tpu.memory_space<hbm>>) target_semaphore(%run_scoped3A : memref<!tpu.dma_semaphore, #tpu.memory_space<semaphore_mem>>)
      %dma_wait3A_91 = arith.constant 0 : i32
      %dma_wait3A_92 = tpu.memref_slice %arg7[%mul3A_2, %dma_wait3A_91] : memref<1024x128xf32, #tpu.memory_space<hbm>> -> memref<32x128xf32, #tpu.memory_space<hbm>>
      %dma_wait3A_93 = arith.constant 0 : i32
      %dma_wait3A_94 = tpu.memref_slice %arg7[%mul3A_2, %dma_wait3A_93] : memref<1024x128xf32, #tpu.memory_space<hbm>> -> memref<32x128xf32, #tpu.memory_space<hbm>>
      tpu.wait_dma2 semaphore(%run_scoped3A : memref<!tpu.dma_semaphore, #tpu.memory_space<semaphore_mem>>) src(%arg11 : memref<32x128xf32, #tpu.memory_space<vmem>>) dst(%dma_wait3A_94 : memref<32x128xf32, #tpu.memory_space<hbm>>)
      tpu.yield
    }) : () -> ()
    return
  }
}

</mosaic_0001>

<sc_bundles>
// kernel: kernel.3.cloned.1.call-start
scs
__scs_entry_jumppad:
0x0: {  	(pc) =	sbr.rel $0x88, $3  }
0x1: {  	(tag) =	ssettag $0x0;
	lr =	simm.s32 $0x1  }
0x2: {  	[smem:$0x3F99] =	sst lr;
	_ =	strace $0xD0000000  }
0x3: {  	_ = 	snop  }
0x4: {  	_ = 	snop  }
0x5: {  	_ = 	snop  }
0x6: {  	_ = 	snop  }
0x7: {  	_ = 	snop  }
__scs_overlays_trampoline_lowered:
0x8: {  	[smem:$0x3FA8] =	sst s0  }
0x9: {  	[smem:$0x3FA9] =	sst s1  }
0xa: {  	[smem:$0x3FAA] =	sst s2  }
0xb: {  	[smem:$0x3FAB] =	sst s3  }
0xc: {  	[smem:$0x3FAC] =	sst s4  }
0xd: {  	[smem:$0x3FAD] =	sst s5  }
0xe: {  	[smem:$0x3FAE] =	sst s6  }
0xf: {  	[smem:$0x3FAF] =	sst s7  }
0x10: {  	[smem:$0x3FB0] =	sst s8  }
0x11: {  	[smem:$0x3FB1] =	sst s9;
	s0 =	simm.s32 @!p0 $0x0  }
0x12: {  	s1 =	sld [smem:$0x3F97];
	s0 =	simm.s32 @p0 $0x1  }
0x13: {  	[smem:$0x3FB2] =	sst s0;
	s0 =	simm.s32 @!p1 $0x0  }
0x14: {  	s2 =	sld [smem:$0x3F96];
	s0 =	simm.s32 @p1 $0x1  }
0x15: {  	[smem:$0x3FB3] =	sst s0;
	s0 =	simm.s32 @!p2 $0x0  }
0x16: {  	s3 =	sld [smem:$0x3FDB];
	s0 =	simm.s32 @p2 $0x1  }
0x17: {  	s4 =	simm.s32 $0x1BF5;
	[smem:$0x3FB5] =	sst s0  }
0x18: {  	s0 =	sld [smem:$0x3F98];
	_ =	swait.ge [sflag:s4], $0x0  }
0x19: {  	s7 =	sld [smem:$0x3F99]  }
0x1a: {  	s8 =	sadd.s32 $0xFFFFE003, lr  }
0x1b: {  	s9 =	sadd.s32 $0xFFFFFEF7, lr;
	s5 =	simm.s32 $0xFFFFFFFF;
	p2 =	slt.u32 s8, $0xFFFFF086  }
0x1c: {  	p1 =	slt.u32 s9, $0xF7A;
	s5 =	simm.s32 @!p2 $0x0  }
0x1d: {  	s5 =	simm.s32 @p1 $0x1;
	p0 =	seq.s32 s7, s2  }
0x1e: {  	s7 =	smul.u32 @!p0 $0xF7A, s2;
	p2 =	seq.s32 @!p0 s5, $0x0  }
0x1f: {  	s9 =	smul.u32 $0xF7A, s1;
	s8 =	simm.s32 @!p0 $0x1BF5;
	p2 =	por !p2, p0  }
0x20: {  	[sflag:s8] =	ssyncset.s32 @!p0 $0xFFFFF086;
	s6 =	sadd.s32 @!p0 s3, s7;
	s7 =	simm.s32 @!p0 $0x108  }
0x21: {  	s3 =	sadd.s32 s3, s9;
	s6 =	sadd.s32 @!p0 $0x88, s6;
	s7 =	simm.s32 @p2 $0x1082  }
0x22: {  	[simem:s7], [sflag:s8] =	dma.local @!p0 [hbm:s6], $0xF7A  }
0x23: {  	s9 =	sor.u32 $0xD0000000, s2;
	s6 =	simm.s32 $0x108;
	_ =	swait.ge @!p0 [sflag:s8], $0x0  }
0x24: {  	s3 =	sadd.s32 $0x88, s3;
	s6 =	simm.s32 @!p1 $0x1082;
	[sflag:s4] =	ssyncset.s32 $0xFFFFF086  }
0x25: {  	[simem:s6], [sflag:s4] =	dma.local [hbm:s3], $0xF7A  }
0x26: {  	[smem:$0x3F99] =	sst s1;
	(tag) =	ssettag s2;
	_ =	strace s9  }
0x27: {  	s1 =	sld [smem:$0x3FA9]  }
0x28: {  	s2 =	sld [smem:$0x3FAA]  }
0x29: {  	s4 =	sld [smem:$0x3FAC]  }
0x2a: {  	p0 =	seq.s32 s5, $0x0;
	s5 =	sld [smem:$0x3FAD]  }
0x2b: {  	s6 =	sld [smem:$0x3FAE]  }
0x2c: {  	s7 =	sld [smem:$0x3FAF]  }
0x2d: {  	s3 =	simm.s32 $0x108;
	s8 =	sld [smem:$0x3FB0]  }
0x2e: {  	s3 =	simm.s32 @!p0 $0x1082;
	s9 =	sld [smem:$0x3FB1]  }
0x2f: {  	lr =	sadd.s32 s0, s3;
	s0 =	sld [smem:$0x3FA8]  }
0x30: {  	s3 =	sld [smem:$0x3FAB]  }
0x31: {  	[smem:$0x3FB4] =	sst s10  }
0x32: {  	s10 =	sld [smem:$0x3FB2];
	_ =	sdelay $0x3  }
0x33: {  	p0 =	seq.s32 s10, $0x1;
	s10 =	sld [smem:$0x3FB4];
	_ =	sdelay $0x3  }
0x34: {  	[smem:$0x3FB4] =	sst s10  }
0x35: {  	s10 =	sld [smem:$0x3FB3];
	_ =	sdelay $0x3  }
0x36: {  	p1 =	seq.s32 s10, $0x1;
	s10 =	sld [smem:$0x3FB4];
	_ =	sdelay $0x3  }
0x37: {  	[smem:$0x3FB4] =	sst s10  }
0x38: {  	s10 =	sld [smem:$0x3FB5]  }
0x39: {  	_ = 	snop;
	(pc) =	sbr.ind lr, $3  }
0x3a: {  	_ = 	snop  }
0x3b: {  	_ = 	snop  }
0x3c: {  	p2 =	seq.s32 s10, $0x1;
	s10 =	sld [smem:$0x3FB4]  }
0x3d: {  	_ =	shalt  }
0x3e: {  	_ =	shalt  }
0x3f: {  	_ =	shalt  }
0x40: {  	_ =	shalt  }
0x41: {  	_ =	shalt  }
0x42: {  	_ =	shalt  }
0x43: {  	_ =	shalt  }
0x44: {  	_ =	shalt  }
0x45: {  	_ =	shalt  }
0x46: {  	_ =	shalt  }
0x47: {  	_ =	shalt  }
0x48: {  	_ =	shalt  }
0x49: {  	_ =	shalt  }
0x4a: {  	_ =	shalt  }
0x4b: {  	_ =	shalt  }
0x4c: {  	_ =	shalt  }
0x4d: {  	_ =	shalt  }
0x4e: {  	_ =	shalt  }
0x4f: {  	_ =	shalt  }
0x50: {  	_ =	shalt  }
0x51: {  	_ =	shalt  }
0x52: {  	_ =	shalt  }
0x53: {  	_ =	shalt  }
0x54: {  	_ =	shalt  }
0x55: {  	_ =	shalt  }
0x56: {  	_ =	shalt  }
0x57: {  	_ =	shalt  }
0x58: {  	_ =	shalt  }
0x59: {  	_ =	shalt  }
0x5a: {  	_ =	shalt  }
0x5b: {  	_ =	shalt  }
0x5c: {  	_ =	shalt  }
0x5d: {  	_ =	shalt  }
0x5e: {  	_ =	shalt  }
0x5f: {  	_ =	shalt  }
0x60: {  	_ =	shalt  }
0x61: {  	_ =	shalt  }
0x62: {  	_ =	shalt  }
0x63: {  	_ =	shalt  }
0x64: {  	_ =	shalt  }
0x65: {  	_ =	shalt  }
0x66: {  	_ =	shalt  }
0x67: {  	_ =	shalt  }
0x68: {  	_ =	shalt  }
0x69: {  	_ =	shalt  }
0x6a: {  	_ =	shalt  }
0x6b: {  	_ =	shalt  }
0x6c: {  	_ =	shalt  }
0x6d: {  	_ =	shalt  }
0x6e: {  	_ =	shalt  }
0x6f: {  	_ =	shalt  }
0x70: {  	_ =	shalt  }
0x71: {  	_ =	shalt  }
0x72: {  	_ =	shalt  }
0x73: {  	_ =	shalt  }
0x74: {  	_ =	shalt  }
0x75: {  	_ =	shalt  }
0x76: {  	_ =	shalt  }
0x77: {  	_ =	shalt  }
0x78: {  	_ =	shalt  }
0x79: {  	_ =	shalt  }
0x7a: {  	_ =	shalt  }
0x7b: {  	_ =	shalt  }
0x7c: {  	_ =	shalt  }
0x7d: {  	_ =	shalt  }
0x7e: {  	_ =	shalt  }
0x7f: {  	_ =	shalt  }
0x80: {  	_ =	shalt  }
0x81: {  	_ =	shalt  }
0x82: {  	_ =	shalt  }
0x83: {  	_ =	shalt  }
0x84: {  	_ =	shalt  }
0x85: {  	_ =	shalt  }
0x86: {  	_ =	shalt  }
0x87: {  	_ =	shalt  }
.Lfunc_end0:
.L_simem_size_0:
called_computation_lowered:
.L_overlay_start_0:
0x88: {  	s2 =	sld [smem:$0x3FD9]  }
0x89: {  	s3 =	sld [smem:$0x3FFE];
	_ =	sdelay $0x1  }
0x8a: {  	s1 =	srdreg.scid  }
0x8b: {  	s0 =	sand.u32 $0x1, s1  }
0x8c: {  	s17 =	sshll.u32 s0, $0xA;
	s2 =	sadd.s32 s3, s2  }
0x8d: {  	s2 =	sadd.s32 s2, s17  }
0x8e: {  	[smem:$0x3FC0] =	sst s2  }
0x8f: {  	_ = 	snop  }
0x90: {  	s2 =	sld [smem:$0x3FC5]  }
0x91: {  	s18 =	sld [smem:$0x3FC4];
	(tm) =	ssettm $0x1  }
0x92: {  	s4 =	sld [smem:$0x3FFB];
	_ =	sdelay $0x3  }
0x93: {  	_ =	strace s4  }
0x94: {  	s4 =	sld [smem:$0x3FFC];
	_ =	sdelay $0x3  }
0x95: {  	_ =	strace s4  }
0x96: {  	s4 =	sld [smem:$0x3FFD];
	_ =	sdelay $0x3  }
0x97: {  	_ =	strace s4  }
0x98: {  	_ =	strace $0x8FFFFFFF  }
0x99: {  	s19 =	sld [smem:$0x3FDB];
	_ =	sdelay $0x1  }
0x9a: {  	s5 =	simm.s32 $_scs_section_size  }
0x9b: {  	s6 =	simm.s32 $_size__tile_overlayer_lowered;
	s7 =	simm.s32 $_tile_overlayer_lowered  }
0x9c: {  	s22 =	simm.s32 $0x1BFF;
	s21 =	sshll.u32 s7, $0x1;
	s4 =	sadd.s32 s5, s19  }
0x9d: {  	s8 =	simm.s32 $0x0;
	s20 =	sshll.u32 s6, $0x1;
	s6 =	sadd.s32 s21, s4  }
0x9e: {  	[timem:s8], [sflag:s22] =	dma.local [hbm:s6], s20  }
0x9f: {  	_ =	swait.ge [sflag:s22], s20  }
0xa0: {  	s5 =	ssub.s32 $0x0, s20;
	[sflag:s22] =	ssyncset.done $0x0  }
0xa1: {  	[sflag:s22] =	ssyncadd.s32 s5;
	_ =	sdelay $0x1  }
0xa2: {  	s23 =	simm.s32 $0x1B8B  }
0xa3: {  	_ =	swait.ge [sflag:s23], $0x1  }
0xa4: {  	[sflag:s23] =	ssyncset.done $0x0  }
0xa5: {  	s25 =	simm.s32 $0x1B8E;
	s24 =	sld [smem:$0x3FFE];
	[sflag:s23] =	ssyncadd.s32 $0xFFFFFFFF  }
0xa6: {  	s26 =	simm.s32 $execute0_lowered;
	[smem:$0x3FD2] =	sst s25  }
0xa7: {  	s6 =	sshll.u32 s26, $0x1;
	_ =	strace $0x80000046;
	[dreg:$0x1] =	wrdreg $0xFFFFFFFF  }
0xa8: {  	s28 =	simm.s32 $_size_execute0_lowered;
	s4 =	sadd.s32 s4, s6;
	[dreg:$0x0] =	wrdreg $0x0  }
0xa9: {  	s6 =	sshll.u32 s28, $0x1;
	[dreg:$0x2] =	wrdreg s4  }
0xaa: {  	[dreg:$0x3] =	wrdreg s6  }
0xab: {  	[dreg:$0x4] =	wrdreg $0xC0  }
0xac: {  	_ =	task [dreg:s8], $0x5FFFF  }
0xad: {  	[dreg:$0x1] =	wrdreg $0xFFFFFFFF  }
0xae: {  	[dreg:$0x0] =	wrdreg $0x60  }
0xaf: {  	[dreg:$0x2] =	wrdreg s2  }
0xb0: {  	[dreg:$0x3] =	wrdreg s18  }
0xb1: {  	[dreg:$0x4] =	wrdreg s24  }
0xb2: {  	[dreg:$0x5] =	wrdreg $0x9  }
0xb3: {  	_ =	task.clear_ibuf [dreg:s8], $0x6FFFF;
	_ =	strace $0x90000046  }
0xb4: {  	s29 =	simm.s32 $0x9;
	_ =	strace $0x80000048  }
0xb5: {  	_ =	swait.ge [sflag:s29], $0x1  }
0xb6: {  	[sflag:s29] =	ssyncadd.s32 $0xFFFFFFFF  }
0xb7: {  	_ =	strace $0x90000048  }
0xb8: {  	_ =	sfence  }
0xb9: {  	s30 =	sld [smem:$0x0];
	_ =	sdelay $0x2  }
0xba: {  	s31 =	sshll.u32 s1, $0xD;
	s1 =	sshrl.u32 s1, $0x2  }
0xbb: {  	s3 =	sand.u32 $0x4000, s31;
	s1 =	sadd.s32 s1, s30  }
0xbc: {  	s0 =	sor.u32 s3, s0;
	s1 =	sshll.u32 s1, $0x11  }
0xbd: {  	s0 =	sor.u32 s1, s0  }
0xbe: {  	s0 =	sadd.s32 $0x8F2B, s0  }
0xbf: {  	[sflag:s0] =	ssyncadd.remote.s32 $0x1  }
0xc0: {  	_ =	sfence.sel $0xFFFF  }
0xc1: {  	[dreg:$0x0] =	wrdreg $0xFFFFFFFF;
	(pc) =	sbr.abs _section_cstart, $3  }
0xc2: {  	[dreg:$0x1] =	wrdreg $0xFFFFFFFF  }
0xc3: {  	_ =	task.clear_ibuf [dreg:s8], $0x2FFFF;
	_ =	strace $0x9FFFFFFF  }
0xc4: {  	(tm) =	ssettm $0x7FFFFFFF  }
0xc5: {  	_ =	shalt  }
tec
execute0_lowered:
.L_overlay_start_1:
0x0: {  	(tag) =	ssettag $0x1  }
0x1: {  	s1 =	rddreg [dreg:$0x0]  }
0x2: {  	s3 =	rddreg [dreg:$0x1]  }
0x3: {  	s0 =	rddreg [dreg:$0x2]  }
0x4: {  	s2 =	srdreg.scid;
	s5 =	stileid.u32;
	v0 =	vimm.s32 $0xEFCDAB89  }
0x5: {  	s4 =	simm.s32 $0x0;
	v1 =	vimm.s32 $0x67452301;
	v2 =	vimm.s32 $0xDCFE98BA;
	s11 =	simm.s32 $0x3;
	s12 =	simm.s32 $0x1D800  }
0x6: {  	v3 =	vimm.s32 $0x54761032;
	v4 =	vimm.s32 $0xBA98FEDC;
	s14 =	simm.s32 $0x80;
	s15 =	simm.s32 $0x400;
	s17 =	simm.s32 $0x4400  }
0x7: {  	v5 =	vimm.s32 $0x32107654;
	v6 =	vimm.s32 $0xFEDCBA98;
	s18 =	simm.s32 $0x32;
	s20 =	simm.s32 $0x8400;
	s21 =	simm.s32 $0x6  }
0x8: {  	v7 =	vimm.s32 $0x76543210;
	s23 =	simm.s32 $0xA400;
	s24 =	simm.s32 $0xE400;
	s25 =	simm.s32 $0x65;
	v0 =	vunpack.c.l.s4.s8 v0;
	v1 =	vunpack.c.l.s4.s8 v1  }
0x9: {  	s28 =	simm.s32 $0x7;
	s29 =	simm.s32 $0xA000;
	s30 =	simm.s32 $0x1;
	v2 =	vunpack.c.l.s4.s8 v2;
	v3 =	vunpack.c.l.s4.s8 v3;
	v4 =	vunpack.c.l.s4.s8 v4  }
0xa: {  	s31 =	simm.s32 $0x2;
	s2 =	sand.u32 $0x1, s2;
	s5 =	sshll.u32 s5, $0x6;
	v5 =	vunpack.c.l.s4.s8 v5;
	v6 =	vunpack.c.l.s4.s8 v6;
	v7 =	vunpack.c.l.s4.s8 v7  }
0xb: {  	[smem:$0x7FF] =	sst s4;
	s6 =	sshll.u32 s2, $0x5;
	s2 =	ssub.s32 $0x2, s2;
	v0 =	vunpack.c.0.s8.s32 v0;
	v1 =	vunpack.c.0.s8.s32 v1;
	v2 =	vunpack.c.0.s8.s32 v2  }
0xc: {  	_ =	strace $0x80000047;
	s5 =	sor.u32 s6, s5;
	s26 =	sshrl.u32 s2, $0x1;
	v3 =	vunpack.c.0.s8.s32 v3;
	v4 =	vunpack.c.0.s8.s32 v4;
	v5 =	vunpack.c.0.s8.s32 v5  }
0xd: {  	s6 =	sshll.u32 s5, $0x7;
	s7 =	sshll.u32 s5, $0x4;
	s5 =	sadd.s32 $0x5000, s0;
	v0 =	vcombine.low v1, v0;
	v1 =	vunpack.c.0.s8.s32 v6  }
0xe: {  	s2 =	ssub.s32 s2, s26;
	s26 =	simm.s32 $0x12400;
	s6 =	sadd.s32 s6, s0;
	v2 =	vcombine.low v3, v2;
	v3 =	vcombine.low v5, v4;
	v4 =	vunpack.c.0.s8.s32 v7  }
0xf: {  	s0 =	sadd.s32 s7, s0;
	s9 =	smax.u32 s2, $0x1;
	s6 =	sadd.s32 $0x5400, s6;
	v0 =	vand.u32 $0xF, v0;
	v5 =	vand.u32 $0xF, v1  }
0x10: {  	s7 =	sadd.s32 $0x1000, s0;
	s8 =	sadd.s32 $0x25400, s0;
	s0 =	simm.s32 $0x0;
	v1 =	vand.u32 $0xF, v2;
	v2 =	vand.u32 $0xF, v3;
	v3 =	vcombine.low v5, v4  }
.LBB2_1:
0x11: {  	s2 =	simm.s32 $0x15800  }
0x12: {  	[tilespmem:s2], [sflag:$0x3] =	stream.linear.gather [hbm4b:s6+s4], $0x8000, $0x38;
	[tilespmem:$0x1FC00] =	vst v63  }
0x13: {  	_ =	swait.ge [sflag:s11], $0x8000  }
0x14: {  	[sflag:s11] =	ssyncset.done $0x0  }
0x15: {  	[sflag:s11] =	ssyncadd.s32 $0xFFFF8000  }
0x16: {  	[tilespmem:s12], [sflag:$0x3] =	stream.linear.gather [hbm4b:s7+s4], $0x1000, $0x38;
	[tilespmem:$0x1FC00] =	vst v63  }
0x17: {  	_ =	swait.ge [sflag:s11], $0x1000  }
0x18: {  	[sflag:s11] =	ssyncset.done $0x0  }
0x19: {  	s10 =	simm.s32 $0x1E800;
	[sflag:s11] =	ssyncadd.s32 $0xFFFFF000  }
0x1a: {  	[tilespmem:s10], [sflag:$0x3] =	stream.linear.gather [hbm4b:s5+s4], $0x1400, $0x38;
	[tilespmem:$0x1FC00] =	vst v63  }
0x1b: {  	_ =	swait.ge [sflag:s11], $0x1400  }
0x1c: {  	[sflag:s11] =	ssyncset.done $0x0  }
0x1d: {  	[sflag:s11] =	ssyncadd.s32 $0xFFFFEC00  }
0x1e: {  	[tilespmem:s15], [sflag:$0x1] =	stream.indirect.gather [hbm4b:s1+s14], $0x80, s2, s14, $0xb8;
	[tilespmem:$0x1FC00] =	vst v63  }
0x1f: {  	s16 =	simm.s32 $0x15C00  }
0x20: {  	[tilespmem:s17], [sflag:$0x1] =	stream.indirect.gather [hbm4b:s1+s14], $0x80, s16, s14, $0xb8;
	[tilespmem:$0x1FC00] =	vst v63  }
0x21: {  	s19 =	simm.s32 $0x16000  }
0x22: {  	[tilespmem:s20], [sflag:$0x1] =	stream.indirect.gather [hbm4b:s1+s18], $0x80, s19, s18, $0xb8;
	[tilespmem:$0x1FC00] =	vst v63  }
0x23: {  	s22 =	simm.s32 $0x16400;
	s2 =	simm.s32 $0x0  }
0x24: {  	[tilespmem:s4], [sflag:$0x1] =	stream.indirect.gather [hbm4b:s3+s21], $0x80, s22, s21, $0xb8;
	[tilespmem:$0x1FC00] =	vst v63  }
.LBB2_2:
0x25: {  	s10 =	sshll.u32 s2, $0xA;
	s13 =	sshll.u32 s2, $0x7  }
0x26: {  	s16 =	sand.u32 $0x6000, s10;
	s19 =	sand.u32 $0x380, s13  }
0x27: {  	s16 =	sor.u32 s19, s16  }
0x28: {  	s16 =	sadd.s32 $0x15800, s16  }
0x29: {  	s22 =	sadd.s32 $0x1000, s16  }
0x2a: {  	[tilespmem:s23], [sflag:$0x2] =	stream.indirect.gather [hbm4b:s1+s14], $0x80, s22, s14, $0xb8;
	[tilespmem:$0x1FC00] =	vst v63  }
0x2b: {  	s10 =	sor.u32 s10, s13;
	s22 =	sadd.s32 $0x1400, s16  }
0x2c: {  	[tilespmem:s24], [sflag:$0x2] =	stream.indirect.gather [hbm4b:s1+s14], $0x80, s22, s14, $0xb8;
	[tilespmem:$0x1FC00] =	vst v63  }
0x2d: {  	s10 =	sor.u32 $0x1C00, s10;
	s16 =	sadd.s32 $0x1800, s16  }
0x2e: {  	[tilespmem:s26], [sflag:$0x2] =	stream.indirect.gather [hbm4b:s1+s25], $0x80, s16, s25, $0xb8;
	[tilespmem:$0x1FC00] =	vst v63  }
0x2f: {  	s10 =	sadd.s32 $0x15800, s10  }
0x30: {  	[tilespmem:s29], [sflag:$0x2] =	stream.indirect.gather [hbm4b:s3+s28], $0x80, s10, s28, $0xb8;
	[tilespmem:$0x1FC00] =	vst v63  }
0x31: {  	_ =	swait.ge [sflag:s30], $0x4000  }
0x32: {  	[sflag:s30] =	ssyncset.done $0x0  }
0x33: {  	[sflag:s30] =	ssyncadd.s32 $0xFFFFC000  }
0x34: {  	v28 =	vimm.f32 $0.0e+00;
	_ =	swait.ge [sflag:s30], $0x4000  }
0x35: {  	v4 =	vimm.f32 $0.0e+00;
	v7 =	vimm.f32 $0.0e+00;
	v5 =	vimm.f32 $0.0e+00;
	[sflag:s30] =	ssyncset.done $0x0  }
0x36: {  	v6 =	vimm.f32 $0.0e+00;
	v8 =	vimm.f32 $0.0e+00;
	v9 =	vimm.f32 $0.0e+00;
	[sflag:s30] =	ssyncadd.s32 $0xFFFFC000  }
0x37: {  	v12 =	vimm.f32 $0.0e+00;
	v11 =	vimm.f32 $0.0e+00;
	v10 =	vimm.f32 $0.0e+00;
	_ =	swait.ge [sflag:s30], $0x1900  }
0x38: {  	v14 =	vimm.f32 $0.0e+00;
	v13 =	vimm.f32 $0.0e+00;
	v16 =	vimm.f32 $0.0e+00;
	[sflag:s30] =	ssyncset.done $0x0  }
0x39: {  	v23 =	vimm.f32 $0.0e+00;
	v24 =	vimm.f32 $0.0e+00;
	v21 =	vimm.f32 $0.0e+00;
	[sflag:s30] =	ssyncadd.s32 $0xFFFFE700  }
0x3a: {  	v22 =	vimm.f32 $0.0e+00;
	v15 =	vimm.f32 $0.0e+00;
	v17 =	vimm.f32 $0.0e+00;
	_ =	swait.ge [sflag:s30], $0x300  }
0x3b: {  	v18 =	vimm.f32 $0.0e+00;
	v19 =	vimm.f32 $0.0e+00;
	v20 =	vimm.f32 $0.0e+00;
	[sflag:s30] =	ssyncset.done $0x0  }
0x3c: {  	v25 =	vimm.f32 $0.0e+00;
	v26 =	vimm.f32 $0.0e+00;
	v27 =	vimm.f32 $0.0e+00;
	s19 =	simm.s32 $0x970;
	s16 =	simm.s32 $0x0;
	[sflag:s30] =	ssyncadd.s32 $0xFFFFFD00  }
.LBB2_3:
0x3d: {  	v29 =	vmov s19;
	_ =	sdelay $0x3  }
0x3e: {  	s22 =	simm.s32 $0x0  }
0x3f: {  	v34 =	vld.idx.msk [tilespmem:v29+s22+$0xFFFFFF90 ss:$0x1], $0xffff  }
0x40: {  	v35 =	vld.idx.msk [tilespmem:v29+s22+$0xFFFFFFA0 ss:$0x1], $0xffff  }
0x41: {  	v36 =	vld.idx.msk [tilespmem:v29+s22+$0xFFFFFFB0 ss:$0x1], $0xffff  }
0x42: {  	v37 =	vld.idx.msk [tilespmem:v29+s22+$0xFFFFFFC0 ss:$0x1], $0xffff  }
0x43: {  	v30 =	vld.idx.msk [tilespmem:v29+s22+$0xFFFFFFD0 ss:$0x1], $0xffff  }
0x44: {  	v31 =	vld.idx.msk [tilespmem:v29+s22+$0xFFFFFFE0 ss:$0x1], $0xffff  }
0x45: {  	v41 =	vld.idx.msk [tilespmem:v29+s22+$0xFFFFFF10 ss:$0x1], $0xffff  }
0x46: {  	v44 =	vld.idx.msk [tilespmem:v29+s22+$0xFFFFFF20 ss:$0x1], $0xffff  }
0x47: {  	v40 =	vld.idx.msk [tilespmem:v29+s22+$0xFFFFFF30 ss:$0x1], $0xffff  }
0x48: {  	v42 =	vld.idx.msk [tilespmem:v29+s22+$0xFFFFFF40 ss:$0x1], $0xffff  }
0x49: {  	v32 =	vld.idx.msk [tilespmem:v29+s22+$0xFFFFFF50 ss:$0x1], $0xffff  }
0x4a: {  	v33 =	vld.idx.msk [tilespmem:v29+s22+$0xFFFFFF60 ss:$0x1], $0xffff  }
0x4b: {  	v43 =	vld.idx.msk [tilespmem:v29+s22+$0xFFFFFE90 ss:$0x1], $0xffff  }
0x4c: {  	v45 =	vld.idx.msk [tilespmem:v29+s22+$0xFFFFFEA0 ss:$0x1], $0xffff  }
0x4d: {  	v50 =	vld.idx.msk [tilespmem:v29+s22+$0xFFFFFEB0 ss:$0x1], $0xffff  }
0x4e: {  	v51 =	vld.idx.msk [tilespmem:v29+s22+$0xFFFFFEC0 ss:$0x1], $0xffff  }
0x4f: {  	v46 =	vld.idx.msk [tilespmem:v29+s22+$0xFFFFFE10 ss:$0x1], $0xffff  }
0x50: {  	v47 =	vld.idx.msk [tilespmem:v29+s22+$0xFFFFFE20 ss:$0x1], $0xffff  }
0x51: {  	v48 =	vld.idx.msk [tilespmem:v29+s22+$0xFFFFFD90 ss:$0x1], $0xffff  }
0x52: {  	v49 =	vld.idx.msk [tilespmem:v29+s22+$0xFFFFFDA0 ss:$0x1], $0xffff  }
0x53: {  	v52 =	vld.idx.msk [tilespmem:v29+s22+$0xFFFFFDB0 ss:$0x1], $0xffff  }
0x54: {  	v53 =	vld.idx.msk [tilespmem:v29+s22+$0xFFFFFDC0 ss:$0x1], $0xffff  }
0x55: {  	v54 =	vld.idx.msk [tilespmem:v29+s22+$0xFFFFFE30 ss:$0x1], $0xffff  }
0x56: {  	v56 =	vld.idx.msk [tilespmem:v29+s22+$0xFFFFFE40 ss:$0x1], $0xffff  }
0x57: {  	v38 =	vld.idx.msk [tilespmem:v29+s22+$0xFFFFFED0 ss:$0x1], $0xffff  }
0x58: {  	v39 =	vld.idx.msk [tilespmem:v29+s22+$0xFFFFFEE0 ss:$0x1], $0xffff;
	v55 =	vadd.f32 v48, v28;
	v57 =	vadd.f32 v49, v28  }
0x59: {  	v48 =	vld.idx.msk [tilespmem:v29+s22+$0xFFFFFE50 ss:$0x1], $0xffff;
	v58 =	vadd.f32 v52, v28;
	v53 =	vadd.f32 v53, v28  }
0x5a: {  	v49 =	vld.idx.msk [tilespmem:v29+s22+$0xFFFFFE60 ss:$0x1], $0xffff;
	v46 =	vadd.f32 v46, v55;
	v47 =	vadd.f32 v47, v57  }
0x5b: {  	v52 =	vld.idx.msk [tilespmem:v29+s22+$0xFFFFFDD0 ss:$0x1], $0xffff;
	v55 =	vadd.f32 v54, v58;
	v56 =	vadd.f32 v56, v53  }
0x5c: {  	v53 =	vld.idx.msk [tilespmem:v29+s22+$0xFFFFFDE0 ss:$0x1], $0xffff;
	v57 =	vadd.f32 v43, v46;
	v58 =	vadd.f32 v45, v47;
	v43 =	vimm.f32 $0.0e+00  }
0x5d: {  	s10 =	simm.s32 $0xA00;
	v54 =	vld.idx.msk [tilespmem:v29+s22+$0xFFFFFDF0 ss:$0x1], $0xffff;
	v47 =	vimm.f32 $0.0e+00;
	v45 =	vimm.f32 $0.0e+00;
	v46 =	vimm.f32 $0.0e+00  }
.LBB2_4:
0x5e: {  	p0 =	sne.s32 s10, $0x5A00;
	v59 =	vld.idx.msk [tilespmem:v29+s22+$0xFFFFFE00 ss:$0x1], $0xffff;
	v50 =	vadd.f32 v50, v55;
	v51 =	vadd.f32 v51, v56  }
0x5f: {  	v55 =	vld.idx.msk [tilespmem:v29+s22+$0xFFFFFE70 ss:$0x1], $0xffff;
	v41 =	vadd.f32 v41, v57;
	v44 =	vadd.f32 v44, v58  }
0x60: {  	v56 =	vld.idx.msk [tilespmem:v29+s22+$0xFFFFFE80 ss:$0x1], $0xffff;
	v40 =	vadd.f32 v40, v50;
	v42 =	vadd.f32 v42, v51  }
0x61: {  	v50 =	vld.idx.msk [tilespmem:v29+s22+$0xFFFFFEF0 ss:$0x1], $0xffff;
	v57 =	vadd.f32 v34, v41;
	v58 =	vadd.f32 v35, v44  }
0x62: {  	v41 =	vld.idx.msk [tilespmem:v29+s22+$0xFFFFFF00 ss:$0x1], $0xffff;
	v60 =	vadd.f32 v36, v40;
	v61 =	vadd.f32 v37, v42  }
0x63: {  	v34 =	vadd.f32 v52, v43;
	v35 =	vadd.f32 v53, v47;
	v40 =	vld.idx.msk [tilespmem:v29+s22+$0xFFFFFF70 ss:$0x1], $0xffff  }
0x64: {  	v36 =	vadd.f32 v54, v45;
	v37 =	vadd.f32 v59, v46;
	v42 =	vld.idx.msk [tilespmem:v29+s22+$0xFFFFFF80 ss:$0x1], $0xffff  }
0x65: {  	v43 =	vadd.f32 v48, v34;
	v35 =	vadd.f32 v49, v35;
	v44 =	vld.idx.msk [tilespmem:v29+s22+$0xFFFFFFF0 ss:$0x1], $0xffff  }
0x66: {  	v36 =	vadd.f32 v55, v36;
	v37 =	vadd.f32 v56, v37;
	v46 =	vld.idx.msk [tilespmem:v29+s22+$0x0 ss:$0x1], $0xffff;
	s22 =	sshra.s32 s10, $0x2  }
0x67: {  	v38 =	vadd.f32 v38, v43;
	v39 =	vadd.f32 v39, v35;
	v34 =	vld.idx.msk [tilespmem:v29+s22+$0xFFFFFF90 ss:$0x1], $0xffff  }
0x68: {  	v43 =	vadd.f32 v50, v36;
	v41 =	vadd.f32 v41, v37;
	v35 =	vld.idx.msk [tilespmem:v29+s22+$0xFFFFFFA0 ss:$0x1], $0xffff  }
0x69: {  	v32 =	vadd.f32 v32, v38;
	v33 =	vadd.f32 v33, v39;
	v36 =	vld.idx.msk [tilespmem:v29+s22+$0xFFFFFFB0 ss:$0x1], $0xffff  }
0x6a: {  	v38 =	vadd.f32 v40, v43;
	v39 =	vadd.f32 v42, v41;
	v37 =	vld.idx.msk [tilespmem:v29+s22+$0xFFFFFFC0 ss:$0x1], $0xffff  }
0x6b: {  	v43 =	vadd.f32 v30, v32;
	v47 =	vadd.f32 v31, v33;
	v30 =	vld.idx.msk [tilespmem:v29+s22+$0xFFFFFFD0 ss:$0x1], $0xffff  }
0x6c: {  	v45 =	vadd.f32 v44, v38;
	v46 =	vadd.f32 v46, v39;
	v31 =	vld.idx.msk [tilespmem:v29+s22+$0xFFFFFFE0 ss:$0x1], $0xffff  }
0x6d: {  	v41 =	vld.idx.msk [tilespmem:v29+s22+$0xFFFFFF10 ss:$0x1], $0xffff  }
0x6e: {  	v44 =	vld.idx.msk [tilespmem:v29+s22+$0xFFFFFF20 ss:$0x1], $0xffff  }
0x6f: {  	v40 =	vld.idx.msk [tilespmem:v29+s22+$0xFFFFFF30 ss:$0x1], $0xffff  }
0x70: {  	v42 =	vld.idx.msk [tilespmem:v29+s22+$0xFFFFFF40 ss:$0x1], $0xffff  }
0x71: {  	v32 =	vld.idx.msk [tilespmem:v29+s22+$0xFFFFFF50 ss:$0x1], $0xffff  }
0x72: {  	v33 =	vld.idx.msk [tilespmem:v29+s22+$0xFFFFFF60 ss:$0x1], $0xffff  }
0x73: {  	v59 =	vld.idx.msk [tilespmem:v29+s22+$0xFFFFFE90 ss:$0x1], $0xffff  }
0x74: {  	v62 =	vld.idx.msk [tilespmem:v29+s22+$0xFFFFFEA0 ss:$0x1], $0xffff  }
0x75: {  	v50 =	vld.idx.msk [tilespmem:v29+s22+$0xFFFFFEB0 ss:$0x1], $0xffff  }
0x76: {  	v51 =	vld.idx.msk [tilespmem:v29+s22+$0xFFFFFEC0 ss:$0x1], $0xffff  }
0x77: {  	v53 =	vld.idx.msk [tilespmem:v29+s22+$0xFFFFFE10 ss:$0x1], $0xffff  }
0x78: {  	v54 =	vld.idx.msk [tilespmem:v29+s22+$0xFFFFFE20 ss:$0x1], $0xffff  }
0x79: {  	v48 =	vld.idx.msk [tilespmem:v29+s22+$0xFFFFFD90 ss:$0x1], $0xffff  }
0x7a: {  	v49 =	vld.idx.msk [tilespmem:v29+s22+$0xFFFFFDA0 ss:$0x1], $0xffff  }
0x7b: {  	v52 =	vld.idx.msk [tilespmem:v29+s22+$0xFFFFFDB0 ss:$0x1], $0xffff  }
0x7c: {  	v55 =	vld.idx.msk [tilespmem:v29+s22+$0xFFFFFDC0 ss:$0x1], $0xffff  }
0x7d: {  	v56 =	vld.idx.msk [tilespmem:v29+s22+$0xFFFFFE30 ss:$0x1], $0xffff  }
0x7e: {  	v63 =	vld.idx.msk [tilespmem:v29+s22+$0xFFFFFE40 ss:$0x1], $0xffff  }
0x7f: {  	v38 =	vld.idx.msk [tilespmem:v29+s22+$0xFFFFFED0 ss:$0x1], $0xffff  }
0x80: {  	v39 =	vld.idx.msk [tilespmem:v29+s22+$0xFFFFFEE0 ss:$0x1], $0xffff  }
.Ltmp0:
0x81: {  	v57 =	vadd.f32 v48, v57;
	v58 =	vadd.f32 v49, v58;
	v48 =	vld.idx.msk [tilespmem:v29+s22+$0xFFFFFE50 ss:$0x1], $0xffff;
	(pc) =	sbr.rel @p0 .LBB2_4-.Ltmp0, $4  }
0x82: {  	v60 =	vadd.f32 v52, v60;
	v61 =	vadd.f32 v55, v61;
	v49 =	vld.idx.msk [tilespmem:v29+s22+$0xFFFFFE60 ss:$0x1], $0xffff  }
0x83: {  	v57 =	vadd.f32 v53, v57;
	v58 =	vadd.f32 v54, v58;
	v52 =	vld.idx.msk [tilespmem:v29+s22+$0xFFFFFDD0 ss:$0x1], $0xffff  }
0x84: {  	v55 =	vadd.f32 v56, v60;
	v56 =	vadd.f32 v63, v61;
	v53 =	vld.idx.msk [tilespmem:v29+s22+$0xFFFFFDE0 ss:$0x1], $0xffff  }
0x85: {  	s10 =	sadd.s32 $0xA00, s10;
	v57 =	vadd.f32 v59, v57;
	v58 =	vadd.f32 v62, v58;
	v54 =	vld.idx.msk [tilespmem:v29+s22+$0xFFFFFDF0 ss:$0x1], $0xffff  }
0x86: {  	_ =	sdelay $0x3  }
0x87: {  	v59 =	vld.idx.msk [tilespmem:v29+s22+$0xFFFFFE00 ss:$0x1], $0xffff  }
0x88: {  	v50 =	vadd.f32 v50, v55;
	v55 =	vld.idx.msk [tilespmem:v29+s22+$0xFFFFFE70 ss:$0x1], $0xffff  }
0x89: {  	v51 =	vadd.f32 v51, v56;
	v62 =	vld.idx.msk [tilespmem:v29+s22+$0xFFFFFE80 ss:$0x1], $0xffff  }
0x8a: {  	v63 =	vld.idx.msk [tilespmem:v29+s22+$0xFFFFFEF0 ss:$0x1], $0xffff;
	v41 =	vadd.f32 v41, v57;
	v44 =	vadd.f32 v44, v58  }
0x8b: {  	s10 =	sshll.u32 s16, $0x7;
	v61 =	vld.idx.msk [tilespmem:v29+s22+$0xFFFFFFF0 ss:$0x1], $0xffff;
	v40 =	vadd.f32 v40, v50;
	v42 =	vadd.f32 v42, v51  }
0x8c: {  	v60 =	vld [tilespmem:s10+$0x400];
	v51 =	vadd.f32 v52, v43;
	v34 =	vadd.f32 v34, v41  }
0x8d: {  	v43 =	vld [tilespmem:s10+$0x440];
	v35 =	vadd.f32 v35, v44;
	v52 =	vadd.f32 v53, v47  }
0x8e: {  	v41 =	vld.idx.msk [tilespmem:v29+s22+$0xFFFFFF00 ss:$0x1], $0xffff;
	v36 =	vadd.f32 v36, v40;
	v37 =	vadd.f32 v37, v42  }
0x8f: {  	v53 =	vld.idx.msk [tilespmem:v29+s22+$0xFFFFFF70 ss:$0x1], $0xffff;
	v57 =	vadd.f32 v54, v45;
	v40 =	vadd.f32 v48, v51  }
0x90: {  	v54 =	vld [tilespmem:s10+$0x410];
	v58 =	vadd.f32 v59, v46;
	v42 =	vadd.f32 v49, v52  }
0x91: {  	v59 =	vld.idx.msk [tilespmem:v29+s22+$0xFFFFFF80 ss:$0x1], $0xffff;
	v44 =	vadd.f32 v55, v57;
	v38 =	vadd.f32 v38, v40  }
0x92: {  	v49 =	vld [tilespmem:s10+$0x1E800];
	v27 =	vadd.f32 v60, v27;
	v45 =	vadd.f32 v62, v58  }
0x93: {  	v55 =	vld [tilespmem:s10+$0x1EE80];
	v39 =	vadd.f32 v39, v42;
	v19 =	vadd.f32 v43, v19  }
0x94: {  	v34 =	vmul.f32 $1.999999960e-02, v34;
	v57 =	vld [tilespmem:s10+$0x10];
	v63 =	vadd.f32 v63, v44;
	v32 =	vadd.f32 v32, v38  }
0x95: {  	v46 =	vmul.f32 $1.999999960e-02, v35;
	v62 =	vld [tilespmem:s10+$0x0];
	v41 =	vadd.f32 v41, v45;
	v33 =	vadd.f32 v33, v39  }
0x96: {  	v52 =	vld [tilespmem:s10+$0x1F500];
	v26 =	vadd.f32 v54, v26;
	v50 =	vadd.f32 v53, v63;
	v53 =	vmul.f32 v60, v60  }
0x97: {  	v58 =	vld [tilespmem:s10+$0x1E810];
	v30 =	vadd.f32 v30, v32;
	v44 =	vmul.f32 v49, v60;
	v49 =	vmul.f32 v46, v46  }
0x98: {  	v29 =	vld.idx.msk [tilespmem:v29+s22+$0x0 ss:$0x1], $0xffff;
	v51 =	vadd.f32 v59, v41;
	v31 =	vadd.f32 v31, v33;
	v59 =	vmul.f32 v34, v34  }
0x99: {  	v47 =	vld [tilespmem:s10+$0x1EE90];
	v33 =	vmul.f32 v55, v34;
	v45 =	vmul.f32 v57, v57;
	v26 =	vadd.f32 v57, v26  }
0x9a: {  	v60 =	vld [tilespmem:s10+$0x1F510];
	v22 =	vadd.f32 v53, v22;
	v56 =	vmul.f32 v62, v62;
	v38 =	vadd.f32 v61, v50  }
0x9b: {  	v63 =	vld [tilespmem:s10+$0x20];
	v27 =	vadd.f32 v62, v27;
	v40 =	vmul.f32 v52, v62;
	v61 =	vmul.f32 v54, v54  }
0x9c: {  	v48 =	vld [tilespmem:s10+$0x1E820];
	v11 =	vadd.f32 v44, v11;
	v32 =	vmul.f32 v58, v54;
	v54 =	vmul.f32 $1.999999960e-02, v36  }
0x9d: {  	v62 =	vld [tilespmem:s10+$0x420];
	v30 =	vmul.f32 $1.999999960e-02, v30;
	v29 =	vadd.f32 v29, v51;
	v26 =	vadd.f32 v26, v46  }
0x9e: {  	v52 =	vld [tilespmem:s10+$0x430];
	v31 =	vmul.f32 $1.999999960e-02, v31;
	v22 =	vadd.f32 v56, v22;
	v27 =	vadd.f32 v27, v34  }
0x9f: {  	v58 =	vld [tilespmem:s10+$0x1E830];
	v11 =	vadd.f32 v40, v11;
	v21 =	vadd.f32 v61, v21;
	v50 =	vmul.f32 v60, v57  }
0xa0: {  	v44 =	vld [tilespmem:s10+$0x40];
	v12 =	vadd.f32 v32, v12;
	v57 =	vmul.f32 v63, v63;
	v60 =	vmul.f32 v54, v54  }
0xa1: {  	v55 =	vld [tilespmem:s10+$0x1EEA0];
	v29 =	vmul.f32 $1.999999960e-02, v29;
	v22 =	vadd.f32 v22, v59;
	v11 =	vadd.f32 v11, v33  }
0xa2: {  	v51 =	vld [tilespmem:s10+$0x1F520];
	v21 =	vadd.f32 v45, v21;
	v33 =	vmul.f32 v47, v46;
	v45 =	vmul.f32 $1.999999960e-02, v37  }
0xa3: {  	v56 =	vld [tilespmem:s10+$0x30];
	v25 =	vadd.f32 v62, v25;
	v12 =	vadd.f32 v50, v12;
	v53 =	vmul.f32 v62, v62  }
0xa4: {  	v40 =	vmul.f32 v48, v62;
	v20 =	vadd.f32 v52, v20;
	v62 =	vmul.f32 v52, v52  }
0xa5: {  	v61 =	vld [tilespmem:s10+$0x1F530];
	v48 =	vmul.f32 v58, v52;
	v19 =	vadd.f32 v44, v19;
	v21 =	vadd.f32 v21, v49  }
0xa6: {  	v50 =	vmul.f32 v43, v43;
	v25 =	vadd.f32 v63, v25;
	v24 =	vadd.f32 v53, v24  }
0xa7: {  	v46 =	vld [tilespmem:s10+$0x1EEB0];
	v59 =	vmul.f32 v51, v63;
	v12 =	vadd.f32 v12, v33;
	v9 =	vadd.f32 v40, v9  }
0xa8: {  	v58 =	vld [tilespmem:s10+$0x1EEC0];
	v63 =	vmul.f32 v55, v54;
	v20 =	vadd.f32 v56, v20;
	v23 =	vadd.f32 v62, v23  }
0xa9: {  	v49 =	vld [tilespmem:s10+$0x1E840];
	v47 =	vmul.f32 v56, v56;
	v8 =	vadd.f32 v48, v8;
	v16 =	vadd.f32 v50, v16  }
0xaa: {  	v51 =	vld [tilespmem:s10+$0x450];
	v52 =	vmul.f32 v61, v56;
	v19 =	vadd.f32 v19, v30;
	v25 =	vadd.f32 v25, v54  }
0xab: {  	v53 =	vld [tilespmem:s10+$0x1F540];
	v56 =	vmul.f32 v45, v45;
	v24 =	vadd.f32 v57, v24;
	v9 =	vadd.f32 v59, v9  }
0xac: {  	v55 =	vld [tilespmem:s10+$0x50];
	v50 =	vmul.f32 v31, v31;
	v20 =	vadd.f32 v20, v45;
	v23 =	vadd.f32 v47, v23  }
0xad: {  	v61 =	vld [tilespmem:s10+$0x1E850];
	v54 =	vmul.f32 v44, v44;
	v8 =	vadd.f32 v52, v8;
	v57 =	vmul.f32 v46, v45  }
0xae: {  	v62 =	vld [tilespmem:s10+$0x460];
	v59 =	vmul.f32 v30, v30;
	v24 =	vadd.f32 v24, v60;
	v60 =	vmul.f32 v49, v43  }
0xaf: {  	v48 =	vld [tilespmem:s10+$0x1E860];
	v30 =	vmul.f32 v58, v30;
	v9 =	vadd.f32 v9, v63;
	v16 =	vadd.f32 v54, v16  }
0xb0: {  	v45 =	vld [tilespmem:s10+$0x1F550];
	v23 =	vadd.f32 v23, v56;
	v44 =	vmul.f32 v53, v44;
	v6 =	vadd.f32 v60, v6  }
0xb1: {  	v46 =	vld [tilespmem:s10+$0x60];
	v8 =	vadd.f32 v8, v57;
	v63 =	vmul.f32 v51, v51;
	v18 =	vadd.f32 v51, v18  }
0xb2: {  	v52 =	vld [tilespmem:s10+$0x470];
	v57 =	vmul.f32 $1.999999960e-02, v38;
	v47 =	vmul.f32 v55, v55;
	v6 =	vadd.f32 v44, v6  }
0xb3: {  	v49 =	vld [tilespmem:s10+$0x1EED0];
	v33 =	vmul.f32 v61, v51;
	v51 =	vmul.f32 v62, v62;
	v17 =	vadd.f32 v62, v17  }
0xb4: {  	v32 =	vmul.f32 v48, v62;
	v16 =	vadd.f32 v16, v59;
	v6 =	vadd.f32 v6, v30;
	v30 =	vld [tilespmem:s10+$0x1F560]  }
0xb5: {  	v13 =	vadd.f32 v63, v13;
	v18 =	vadd.f32 v55, v18;
	v60 =	vmul.f32 v57, v57  }
0xb6: {  	v5 =	vadd.f32 v33, v5;
	v53 =	vmul.f32 v45, v55;
	v14 =	vadd.f32 v51, v14;
	v55 =	vld [tilespmem:s10+$0x1E870]  }
0xb7: {  	v56 =	vld [tilespmem:s10+$0x70];
	v54 =	vmul.f32 v46, v46;
	v17 =	vadd.f32 v46, v17;
	v7 =	vadd.f32 v32, v7  }
0xb8: {  	v58 =	vld [tilespmem:s10+$0x1F570];
	v18 =	vadd.f32 v18, v31;
	v5 =	vadd.f32 v53, v5;
	v31 =	vmul.f32 v49, v31  }
0xb9: {  	v59 =	vld [tilespmem:s10+$0x1EEE0];
	v15 =	vadd.f32 v52, v15;
	v13 =	vadd.f32 v47, v13;
	v30 =	vmul.f32 v30, v46  }
0xba: {  	v61 =	vmul.f32 v52, v52;
	v14 =	vadd.f32 v54, v14;
	v5 =	vadd.f32 v5, v31;
	v31 =	vld [tilespmem:s10+$0x1EEF0]  }
0xbb: {  	s16 =	sadd.s32 $0x1, s16;
	v17 =	vadd.f32 v17, v57;
	v7 =	vadd.f32 v30, v7;
	v30 =	vmul.f32 v55, v52  }
0xbc: {  	p0 =	sne.s32 s16, $0x6;
	v10 =	vadd.f32 v61, v10;
	v62 =	vmul.f32 v56, v56;
	v15 =	vadd.f32 v56, v15  }
.Ltmp1:
0xbd: {  	v13 =	vadd.f32 v13, v50;
	v4 =	vadd.f32 v30, v4;
	v30 =	vmul.f32 v58, v56;
	(pc) =	sbr.rel @p0 .LBB2_3-.Ltmp1, $4  }
0xbe: {  	v63 =	vmul.f32 v29, v29;
	v14 =	vadd.f32 v14, v60;
	v10 =	vadd.f32 v62, v10  }
0xbf: {  	v33 =	vmul.f32 v59, v57;
	v4 =	vadd.f32 v30, v4;
	v30 =	vmul.f32 v31, v29  }
0xc0: {  	v15 =	vadd.f32 v15, v29;
	v10 =	vadd.f32 v10, v63  }
0xc1: {  	s19 =	sadd.s32 $0x1900, s19;
	v7 =	vadd.f32 v7, v33;
	v4 =	vadd.f32 v4, v30  }
0xc2: {  	s2 =	sadd.s32 $0x1, s2  }
0xc3: {  	p0 =	slt.s32 s2, $0x1F;
	s10 =	smov.u32 s2  }
0xc4: {  	s10 =	simm.s32 @!p0 $0x1F  }
0xc5: {  	s16 =	sshll.u32 s10, $0xA;
	s10 =	sshll.u32 s10, $0x7  }
0xc6: {  	s16 =	sand.u32 $0x6000, s16;
	s10 =	sand.u32 $0x380, s10  }
0xc7: {  	s10 =	sor.u32 s10, s16  }
0xc8: {  	s10 =	sadd.s32 $0x15800, s10  }
0xc9: {  	[tilespmem:s15], [sflag:$0x1] =	stream.indirect.gather [hbm4b:s1+s14], $0x80, s10, s14, $0xb8;
	[tilespmem:$0x1FC00] =	vst v63  }
0xca: {  	s19 =	sor.u32 $0x400, s10  }
0xcb: {  	[tilespmem:s17], [sflag:$0x1] =	stream.indirect.gather [hbm4b:s1+s14], $0x80, s19, s14, $0xb8;
	[tilespmem:$0x1FC00] =	vst v63  }
0xcc: {  	s22 =	sadd.s32 $0x800, s10  }
0xcd: {  	[tilespmem:s20], [sflag:$0x1] =	stream.indirect.gather [hbm4b:s1+s18], $0x80, s22, s18, $0xb8;
	[tilespmem:$0x1FC00] =	vst v63  }
0xce: {  	s16 =	simm.s32 $0x0;
	s10 =	sadd.s32 $0xC00, s10  }
0xcf: {  	[tilespmem:s16], [sflag:$0x1] =	stream.indirect.gather [hbm4b:s3+s21], $0x80, s10, s21, $0xb8;
	[tilespmem:$0x1FC00] =	vst v63  }
0xd0: {  	_ =	swait.ge [sflag:s31], $0x4000  }
0xd1: {  	[sflag:s31] =	ssyncset.done $0x0  }
0xd2: {  	[sflag:s31] =	ssyncadd.s32 $0xFFFFC000  }
0xd3: {  	_ =	swait.ge [sflag:s31], $0x4000  }
0xd4: {  	[sflag:s31] =	ssyncset.done $0x0  }
0xd5: {  	[sflag:s31] =	ssyncadd.s32 $0xFFFFC000  }
0xd6: {  	_ =	swait.ge [sflag:s31], $0x3280  }
0xd7: {  	[sflag:s31] =	ssyncset.done $0x0  }
0xd8: {  	[sflag:s31] =	ssyncadd.s32 $0xFFFFCD80  }
0xd9: {  	_ =	swait.ge [sflag:s31], $0x380  }
0xda: {  	[sflag:s31] =	ssyncset.done $0x0  }
0xdb: {  	s19 =	simm.s32 $0xA9F0;
	[sflag:s31] =	ssyncadd.s32 $0xFFFFFC80  }
.LBB2_7:
0xdc: {  	v28 =	vmov s19;
	_ =	sdelay $0x3  }
0xdd: {  	s22 =	simm.s32 $0x0  }
0xde: {  	v33 =	vld.idx.msk [tilespmem:v28+s22+$0xFFFFFF90 ss:$0x1], $0xffff  }
0xdf: {  	v34 =	vld.idx.msk [tilespmem:v28+s22+$0xFFFFFFA0 ss:$0x1], $0xffff  }
0xe0: {  	v35 =	vld.idx.msk [tilespmem:v28+s22+$0xFFFFFFB0 ss:$0x1], $0xffff  }
0xe1: {  	v36 =	vld.idx.msk [tilespmem:v28+s22+$0xFFFFFFC0 ss:$0x1], $0xffff  }
0xe2: {  	v29 =	vld.idx.msk [tilespmem:v28+s22+$0xFFFFFFD0 ss:$0x1], $0xffff  }
0xe3: {  	v30 =	vld.idx.msk [tilespmem:v28+s22+$0xFFFFFFE0 ss:$0x1], $0xffff  }
0xe4: {  	v41 =	vld.idx.msk [tilespmem:v28+s22+$0xFFFFFF10 ss:$0x1], $0xffff  }
0xe5: {  	v43 =	vld.idx.msk [tilespmem:v28+s22+$0xFFFFFF20 ss:$0x1], $0xffff  }
0xe6: {  	v39 =	vld.idx.msk [tilespmem:v28+s22+$0xFFFFFF30 ss:$0x1], $0xffff  }
0xe7: {  	v42 =	vld.idx.msk [tilespmem:v28+s22+$0xFFFFFF40 ss:$0x1], $0xffff  }
0xe8: {  	v31 =	vld.idx.msk [tilespmem:v28+s22+$0xFFFFFF50 ss:$0x1], $0xffff  }
0xe9: {  	v32 =	vld.idx.msk [tilespmem:v28+s22+$0xFFFFFF60 ss:$0x1], $0xffff  }
0xea: {  	v44 =	vld.idx.msk [tilespmem:v28+s22+$0xFFFFFE90 ss:$0x1], $0xffff  }
0xeb: {  	v45 =	vld.idx.msk [tilespmem:v28+s22+$0xFFFFFEA0 ss:$0x1], $0xffff  }
0xec: {  	v49 =	vld.idx.msk [tilespmem:v28+s22+$0xFFFFFEB0 ss:$0x1], $0xffff  }
0xed: {  	v50 =	vld.idx.msk [tilespmem:v28+s22+$0xFFFFFEC0 ss:$0x1], $0xffff  }
0xee: {  	v46 =	vld.idx.msk [tilespmem:v28+s22+$0xFFFFFE10 ss:$0x1], $0xffff  }
0xef: {  	v51 =	vld.idx.msk [tilespmem:v28+s22+$0xFFFFFE20 ss:$0x1], $0xffff  }
0xf0: {  	v47 =	vld.idx.msk [tilespmem:v28+s22+$0xFFFFFD90 ss:$0x1], $0xffff  }
0xf1: {  	v48 =	vld.idx.msk [tilespmem:v28+s22+$0xFFFFFDA0 ss:$0x1], $0xffff  }
0xf2: {  	v52 =	vld.idx.msk [tilespmem:v28+s22+$0xFFFFFDB0 ss:$0x1], $0xffff  }
0xf3: {  	v53 =	vld.idx.msk [tilespmem:v28+s22+$0xFFFFFDC0 ss:$0x1], $0xffff  }
0xf4: {  	v54 =	vld.idx.msk [tilespmem:v28+s22+$0xFFFFFE30 ss:$0x1], $0xffff  }
0xf5: {  	v55 =	vld.idx.msk [tilespmem:v28+s22+$0xFFFFFE40 ss:$0x1], $0xffff  }
0xf6: {  	v37 =	vimm.f32 $0.0e+00;
	v38 =	vld.idx.msk [tilespmem:v28+s22+$0xFFFFFED0 ss:$0x1], $0xffff  }
0xf7: {  	v40 =	vld.idx.msk [tilespmem:v28+s22+$0xFFFFFEE0 ss:$0x1], $0xffff;
	v56 =	vadd.f32 v47, v37;
	v57 =	vadd.f32 v48, v37  }
0xf8: {  	v47 =	vld.idx.msk [tilespmem:v28+s22+$0xFFFFFE50 ss:$0x1], $0xffff;
	v52 =	vadd.f32 v52, v37;
	v53 =	vadd.f32 v53, v37  }
0xf9: {  	v48 =	vld.idx.msk [tilespmem:v28+s22+$0xFFFFFE60 ss:$0x1], $0xffff;
	v46 =	vadd.f32 v46, v56;
	v57 =	vadd.f32 v51, v57  }
0xfa: {  	v51 =	vld.idx.msk [tilespmem:v28+s22+$0xFFFFFDD0 ss:$0x1], $0xffff;
	v54 =	vadd.f32 v54, v52;
	v55 =	vadd.f32 v55, v53  }
0xfb: {  	v52 =	vld.idx.msk [tilespmem:v28+s22+$0xFFFFFDE0 ss:$0x1], $0xffff;
	v56 =	vadd.f32 v44, v46;
	v57 =	vadd.f32 v45, v57  }
0xfc: {  	s10 =	simm.s32 $0xA00;
	v53 =	vld.idx.msk [tilespmem:v28+s22+$0xFFFFFDF0 ss:$0x1], $0xffff;
	v46 =	vimm.f32 $0.0e+00;
	v44 =	vimm.f32 $0.0e+00;
	v45 =	vimm.f32 $0.0e+00  }
.LBB2_8:
0xfd: {  	p0 =	sne.s32 s10, $0x5A00;
	v58 =	vld.idx.msk [tilespmem:v28+s22+$0xFFFFFE00 ss:$0x1], $0xffff;
	v49 =	vadd.f32 v49, v54;
	v50 =	vadd.f32 v50, v55  }
0xfe: {  	v54 =	vld.idx.msk [tilespmem:v28+s22+$0xFFFFFE70 ss:$0x1], $0xffff;
	v41 =	vadd.f32 v41, v56;
	v43 =	vadd.f32 v43, v57  }
0xff: {  	v55 =	vld.idx.msk [tilespmem:v28+s22+$0xFFFFFE80 ss:$0x1], $0xffff;
	v39 =	vadd.f32 v39, v49;
	v42 =	vadd.f32 v42, v50  }
0x100: {  	v49 =	vld.idx.msk [tilespmem:v28+s22+$0xFFFFFEF0 ss:$0x1], $0xffff;
	v56 =	vadd.f32 v33, v41;
	v57 =	vadd.f32 v34, v43  }
0x101: {  	v41 =	vld.idx.msk [tilespmem:v28+s22+$0xFFFFFF00 ss:$0x1], $0xffff;
	v59 =	vadd.f32 v35, v39;
	v60 =	vadd.f32 v36, v42  }
0x102: {  	v33 =	vadd.f32 v51, v37;
	v34 =	vadd.f32 v52, v46;
	v37 =	vld.idx.msk [tilespmem:v28+s22+$0xFFFFFF70 ss:$0x1], $0xffff  }
0x103: {  	v35 =	vadd.f32 v53, v44;
	v36 =	vadd.f32 v58, v45;
	v39 =	vld.idx.msk [tilespmem:v28+s22+$0xFFFFFF80 ss:$0x1], $0xffff  }
0x104: {  	v42 =	vadd.f32 v47, v33;
	v34 =	vadd.f32 v48, v34;
	v43 =	vld.idx.msk [tilespmem:v28+s22+$0xFFFFFFF0 ss:$0x1], $0xffff  }
0x105: {  	v35 =	vadd.f32 v54, v35;
	v36 =	vadd.f32 v55, v36;
	v45 =	vld.idx.msk [tilespmem:v28+s22+$0x0 ss:$0x1], $0xffff;
	s22 =	sshra.s32 s10, $0x2  }
0x106: {  	v38 =	vadd.f32 v38, v42;
	v40 =	vadd.f32 v40, v34;
	v33 =	vld.idx.msk [tilespmem:v28+s22+$0xFFFFFF90 ss:$0x1], $0xffff  }
0x107: {  	v42 =	vadd.f32 v49, v35;
	v41 =	vadd.f32 v41, v36;
	v34 =	vld.idx.msk [tilespmem:v28+s22+$0xFFFFFFA0 ss:$0x1], $0xffff  }
0x108: {  	v31 =	vadd.f32 v31, v38;
	v32 =	vadd.f32 v32, v40;
	v35 =	vld.idx.msk [tilespmem:v28+s22+$0xFFFFFFB0 ss:$0x1], $0xffff  }
0x109: {  	v38 =	vadd.f32 v37, v42;
	v39 =	vadd.f32 v39, v41;
	v36 =	vld.idx.msk [tilespmem:v28+s22+$0xFFFFFFC0 ss:$0x1], $0xffff  }
0x10a: {  	v37 =	vadd.f32 v29, v31;
	v46 =	vadd.f32 v30, v32;
	v29 =	vld.idx.msk [tilespmem:v28+s22+$0xFFFFFFD0 ss:$0x1], $0xffff  }
0x10b: {  	v44 =	vadd.f32 v43, v38;
	v45 =	vadd.f32 v45, v39;
	v30 =	vld.idx.msk [tilespmem:v28+s22+$0xFFFFFFE0 ss:$0x1], $0xffff  }
0x10c: {  	v41 =	vld.idx.msk [tilespmem:v28+s22+$0xFFFFFF10 ss:$0x1], $0xffff  }
0x10d: {  	v43 =	vld.idx.msk [tilespmem:v28+s22+$0xFFFFFF20 ss:$0x1], $0xffff  }
0x10e: {  	v39 =	vld.idx.msk [tilespmem:v28+s22+$0xFFFFFF30 ss:$0x1], $0xffff  }
0x10f: {  	v42 =	vld.idx.msk [tilespmem:v28+s22+$0xFFFFFF40 ss:$0x1], $0xffff  }
0x110: {  	v31 =	vld.idx.msk [tilespmem:v28+s22+$0xFFFFFF50 ss:$0x1], $0xffff  }
0x111: {  	v32 =	vld.idx.msk [tilespmem:v28+s22+$0xFFFFFF60 ss:$0x1], $0xffff  }
0x112: {  	v58 =	vld.idx.msk [tilespmem:v28+s22+$0xFFFFFE90 ss:$0x1], $0xffff  }
0x113: {  	v61 =	vld.idx.msk [tilespmem:v28+s22+$0xFFFFFEA0 ss:$0x1], $0xffff  }
0x114: {  	v49 =	vld.idx.msk [tilespmem:v28+s22+$0xFFFFFEB0 ss:$0x1], $0xffff  }
0x115: {  	v50 =	vld.idx.msk [tilespmem:v28+s22+$0xFFFFFEC0 ss:$0x1], $0xffff  }
0x116: {  	v52 =	vld.idx.msk [tilespmem:v28+s22+$0xFFFFFE10 ss:$0x1], $0xffff  }
0x117: {  	v53 =	vld.idx.msk [tilespmem:v28+s22+$0xFFFFFE20 ss:$0x1], $0xffff  }
0x118: {  	v47 =	vld.idx.msk [tilespmem:v28+s22+$0xFFFFFD90 ss:$0x1], $0xffff  }
0x119: {  	v48 =	vld.idx.msk [tilespmem:v28+s22+$0xFFFFFDA0 ss:$0x1], $0xffff  }
0x11a: {  	v51 =	vld.idx.msk [tilespmem:v28+s22+$0xFFFFFDB0 ss:$0x1], $0xffff  }
0x11b: {  	v54 =	vld.idx.msk [tilespmem:v28+s22+$0xFFFFFDC0 ss:$0x1], $0xffff  }
0x11c: {  	v55 =	vld.idx.msk [tilespmem:v28+s22+$0xFFFFFE30 ss:$0x1], $0xffff  }
0x11d: {  	v62 =	vld.idx.msk [tilespmem:v28+s22+$0xFFFFFE40 ss:$0x1], $0xffff  }
0x11e: {  	v38 =	vld.idx.msk [tilespmem:v28+s22+$0xFFFFFED0 ss:$0x1], $0xffff  }
0x11f: {  	v40 =	vld.idx.msk [tilespmem:v28+s22+$0xFFFFFEE0 ss:$0x1], $0xffff  }
.Ltmp2:
0x120: {  	v56 =	vadd.f32 v47, v56;
	v57 =	vadd.f32 v48, v57;
	v47 =	vld.idx.msk [tilespmem:v28+s22+$0xFFFFFE50 ss:$0x1], $0xffff;
	(pc) =	sbr.rel @p0 .LBB2_8-.Ltmp2, $4  }
0x121: {  	v59 =	vadd.f32 v51, v59;
	v60 =	vadd.f32 v54, v60;
	v48 =	vld.idx.msk [tilespmem:v28+s22+$0xFFFFFE60 ss:$0x1], $0xffff  }
0x122: {  	v56 =	vadd.f32 v52, v56;
	v57 =	vadd.f32 v53, v57;
	v51 =	vld.idx.msk [tilespmem:v28+s22+$0xFFFFFDD0 ss:$0x1], $0xffff  }
0x123: {  	v54 =	vadd.f32 v55, v59;
	v55 =	vadd.f32 v62, v60;
	v52 =	vld.idx.msk [tilespmem:v28+s22+$0xFFFFFDE0 ss:$0x1], $0xffff  }
0x124: {  	s10 =	sadd.s32 $0xA00, s10;
	v56 =	vadd.f32 v58, v56;
	v57 =	vadd.f32 v61, v57;
	v53 =	vld.idx.msk [tilespmem:v28+s22+$0xFFFFFDF0 ss:$0x1], $0xffff  }
0x125: {  	_ =	sdelay $0x3  }
0x126: {  	v58 =	vld.idx.msk [tilespmem:v28+s22+$0xFFFFFE00 ss:$0x1], $0xffff  }
0x127: {  	v62 =	vld.idx.msk [tilespmem:v28+s22+$0xFFFFFE70 ss:$0x1], $0xffff  }
0x128: {  	v49 =	vadd.f32 v49, v54;
	v50 =	vadd.f32 v50, v55;
	v63 =	vld.idx.msk [tilespmem:v28+s22+$0xFFFFFE80 ss:$0x1], $0xffff  }
0x129: {  	v59 =	vld.idx.msk [tilespmem:v28+s22+$0xFFFFFF80 ss:$0x1], $0xffff;
	v41 =	vadd.f32 v41, v56;
	v43 =	vadd.f32 v43, v57  }
0x12a: {  	s10 =	sshll.u32 s16, $0x7;
	v61 =	vld.idx.msk [tilespmem:v28+s22+$0xFFFFFFF0 ss:$0x1], $0xffff;
	v39 =	vadd.f32 v39, v49;
	v42 =	vadd.f32 v42, v50  }
0x12b: {  	v60 =	vld [tilespmem:s10+$0xA400];
	v37 =	vadd.f32 v51, v37;
	v33 =	vadd.f32 v33, v41  }
0x12c: {  	v54 =	vld [tilespmem:s10+$0xA410];
	v34 =	vadd.f32 v34, v43;
	v52 =	vadd.f32 v52, v46  }
0x12d: {  	v56 =	vld.idx.msk [tilespmem:v28+s22+$0xFFFFFF70 ss:$0x1], $0xffff;
	v35 =	vadd.f32 v35, v39;
	v36 =	vadd.f32 v36, v42  }
0x12e: {  	v49 =	vld.idx.msk [tilespmem:v28+s22+$0xFFFFFEF0 ss:$0x1], $0xffff;
	v57 =	vadd.f32 v53, v44;
	v37 =	vadd.f32 v47, v37  }
0x12f: {  	v50 =	vld.idx.msk [tilespmem:v28+s22+$0xFFFFFF00 ss:$0x1], $0xffff;
	v58 =	vadd.f32 v58, v45;
	v39 =	vadd.f32 v48, v52  }
0x130: {  	v42 =	vld [tilespmem:s10+$0xA440];
	v43 =	vadd.f32 v62, v57;
	v37 =	vadd.f32 v38, v37  }
0x131: {  	v55 =	vld [tilespmem:s10+$0x1F180];
	v27 =	vadd.f32 v60, v27;
	v26 =	vadd.f32 v54, v26  }
0x132: {  	v52 =	vld [tilespmem:s10+$0x1F800];
	v53 =	vmul.f32 v60, v60;
	v44 =	vadd.f32 v63, v58;
	v62 =	vadd.f32 v40, v39  }
0x133: {  	v57 =	vld [tilespmem:s10+$0xA010];
	v48 =	vadd.f32 v49, v43;
	v31 =	vadd.f32 v31, v37  }
0x134: {  	v33 =	vmul.f32 $1.999999960e-02, v33;
	v63 =	vld [tilespmem:s10+$0xA000];
	v22 =	vadd.f32 v53, v22;
	v41 =	vadd.f32 v50, v44  }
0x135: {  	v46 =	vmul.f32 $1.999999960e-02, v34;
	v58 =	vld [tilespmem:s10+$0x1EB10];
	v32 =	vadd.f32 v32, v62;
	v19 =	vadd.f32 v42, v19  }
0x136: {  	v28 =	vld.idx.msk [tilespmem:v28+s22+$0x0 ss:$0x1], $0xffff;
	v44 =	vmul.f32 $1.999999960e-02, v36;
	v50 =	vadd.f32 v56, v48;
	v29 =	vadd.f32 v29, v31  }
0x137: {  	v49 =	vld [tilespmem:s10+$0x1EB00];
	v51 =	vadd.f32 v59, v41;
	v30 =	vadd.f32 v30, v32;
	v59 =	vmul.f32 v33, v33  }
0x138: {  	v32 =	vmul.f32 v55, v33;
	v45 =	vmul.f32 v57, v57;
	v26 =	vadd.f32 v57, v26  }
0x139: {  	v62 =	vld [tilespmem:s10+$0xA420];
	v56 =	vmul.f32 v63, v63;
	v37 =	vadd.f32 v61, v50;
	v39 =	vmul.f32 v52, v63  }
0x13a: {  	v48 =	vld [tilespmem:s10+$0x1EB20];
	v27 =	vadd.f32 v63, v27;
	v61 =	vmul.f32 v54, v54;
	v31 =	vmul.f32 v58, v54  }
0x13b: {  	v63 =	vld [tilespmem:s10+$0xA020];
	v54 =	vmul.f32 $1.999999960e-02, v35;
	v29 =	vmul.f32 $1.999999960e-02, v29;
	v28 =	vadd.f32 v28, v51  }
0x13c: {  	v52 =	vld [tilespmem:s10+$0xA430];
	v43 =	vmul.f32 v49, v60;
	v26 =	vadd.f32 v26, v46;
	v22 =	vadd.f32 v56, v22  }
0x13d: {  	v60 =	vld [tilespmem:s10+$0x1F810];
	v49 =	vmul.f32 v46, v46;
	v27 =	vadd.f32 v27, v33;
	v21 =	vadd.f32 v61, v21  }
0x13e: {  	v51 =	vld [tilespmem:s10+$0x1F820];
	v12 =	vadd.f32 v31, v12;
	v25 =	vadd.f32 v62, v25;
	v53 =	vmul.f32 v62, v62  }
0x13f: {  	v55 =	vld [tilespmem:s10+$0x1F1A0];
	v30 =	vmul.f32 $1.999999960e-02, v30;
	v11 =	vadd.f32 v43, v11;
	v22 =	vadd.f32 v22, v59  }
0x140: {  	v47 =	vld [tilespmem:s10+$0x1F190];
	v28 =	vmul.f32 $1.999999960e-02, v28;
	v21 =	vadd.f32 v45, v21;
	v24 =	vadd.f32 v53, v24  }
0x141: {  	v56 =	vld [tilespmem:s10+$0xA030];
	v11 =	vadd.f32 v39, v11;
	v39 =	vmul.f32 v48, v62;
	v62 =	vmul.f32 v52, v52  }
0x142: {  	v58 =	vld [tilespmem:s10+$0x1EB30];
	v25 =	vadd.f32 v63, v25;
	v50 =	vmul.f32 v60, v57;
	v57 =	vmul.f32 v63, v63  }
0x143: {  	v61 =	vld [tilespmem:s10+$0x1F830];
	v20 =	vadd.f32 v52, v20;
	v59 =	vmul.f32 v51, v63;
	v60 =	vmul.f32 v54, v54  }
0x144: {  	v43 =	vld [tilespmem:s10+$0xA040];
	v21 =	vadd.f32 v21, v49;
	v63 =	vmul.f32 v55, v54;
	v49 =	vmul.f32 v42, v42  }
0x145: {  	v45 =	vld [tilespmem:s10+$0x1F1B0];
	v55 =	vmul.f32 v44, v44;
	v11 =	vadd.f32 v11, v32;
	v25 =	vadd.f32 v25, v54  }
0x146: {  	v48 =	vld [tilespmem:s10+$0x1EB40];
	v32 =	vmul.f32 v47, v46;
	v9 =	vadd.f32 v39, v9;
	v20 =	vadd.f32 v56, v20  }
0x147: {  	v23 =	vadd.f32 v62, v23;
	v47 =	vmul.f32 v58, v52;
	v52 =	vld [tilespmem:s10+$0x1F840];
	v12 =	vadd.f32 v50, v12  }
0x148: {  	v46 =	vmul.f32 v56, v56;
	v54 =	vld [tilespmem:s10+$0xA050];
	v24 =	vadd.f32 v57, v24;
	v16 =	vadd.f32 v49, v16  }
0x149: {  	v51 =	vmul.f32 v61, v56;
	v61 =	vld [tilespmem:s10+$0xA460];
	v19 =	vadd.f32 v43, v19;
	v9 =	vadd.f32 v59, v9  }
0x14a: {  	v50 =	vld [tilespmem:s10+$0xA450];
	v53 =	vmul.f32 v43, v43;
	v20 =	vadd.f32 v20, v44;
	v23 =	vadd.f32 v46, v23  }
0x14b: {  	v58 =	vmul.f32 v29, v29;
	v57 =	vld [tilespmem:s10+$0x1F1C0];
	v8 =	vadd.f32 v47, v8;
	v12 =	vadd.f32 v12, v32  }
0x14c: {  	v56 =	vmul.f32 v45, v44;
	v44 =	vld [tilespmem:s10+$0x1F850];
	v24 =	vadd.f32 v24, v60;
	v16 =	vadd.f32 v53, v16  }
0x14d: {  	v45 =	vld [tilespmem:s10+$0xA060];
	v59 =	vmul.f32 v48, v42;
	v19 =	vadd.f32 v19, v29;
	v9 =	vadd.f32 v9, v63  }
0x14e: {  	v49 =	vmul.f32 v30, v30;
	v47 =	vld [tilespmem:s10+$0x1EB60];
	v8 =	vadd.f32 v51, v8;
	v23 =	vadd.f32 v23, v55  }
0x14f: {  	v16 =	vadd.f32 v16, v58;
	v6 =	vadd.f32 v59, v6;
	v63 =	vmul.f32 v52, v43  }
0x150: {  	v60 =	vld [tilespmem:s10+$0x1EB50];
	v46 =	vmul.f32 v54, v54;
	v17 =	vadd.f32 v61, v17;
	v8 =	vadd.f32 v8, v56  }
0x151: {  	v62 =	vmul.f32 v50, v50;
	v29 =	vmul.f32 v57, v29;
	v6 =	vadd.f32 v63, v6  }
0x152: {  	v51 =	vld [tilespmem:s10+$0xA470];
	v18 =	vadd.f32 v50, v18;
	v56 =	vmul.f32 $1.999999960e-02, v37;
	v52 =	vmul.f32 v44, v54  }
0x153: {  	v53 =	vmul.f32 v45, v45;
	v31 =	vmul.f32 v47, v61;
	v6 =	vadd.f32 v6, v29;
	v29 =	vld [tilespmem:s10+$0x1F860]  }
0x154: {  	v55 =	vld [tilespmem:s10+$0xA070];
	v17 =	vadd.f32 v45, v17;
	v63 =	vmul.f32 v28, v28;
	v13 =	vadd.f32 v62, v13  }
0x155: {  	v18 =	vadd.f32 v54, v18;
	v32 =	vmul.f32 v60, v50;
	v50 =	vmul.f32 v61, v61;
	v54 =	vld [tilespmem:s10+$0x1EB70]  }
0x156: {  	v48 =	vld [tilespmem:s10+$0x1F1D0];
	v59 =	vmul.f32 v56, v56;
	v7 =	vadd.f32 v31, v7;
	v17 =	vadd.f32 v17, v56  }
0x157: {  	v57 =	vld [tilespmem:s10+$0x1F870];
	v61 =	vmul.f32 v51, v51;
	v15 =	vadd.f32 v51, v15;
	v13 =	vadd.f32 v46, v13  }
0x158: {  	v58 =	vld [tilespmem:s10+$0x1F1E0];
	v18 =	vadd.f32 v18, v30;
	v5 =	vadd.f32 v32, v5;
	v29 =	vmul.f32 v29, v45  }
0x159: {  	v60 =	vld [tilespmem:s10+$0x1F1F0];
	v62 =	vmul.f32 v55, v55;
	v14 =	vadd.f32 v50, v14;
	v10 =	vadd.f32 v61, v10  }
0x15a: {  	s16 =	sadd.s32 $0x1, s16;
	v15 =	vadd.f32 v55, v15;
	v7 =	vadd.f32 v29, v7;
	v29 =	vmul.f32 v54, v51  }
0x15b: {  	p0 =	sne.s32 s16, $0x7;
	v30 =	vmul.f32 v48, v30;
	v13 =	vadd.f32 v13, v49;
	v5 =	vadd.f32 v52, v5  }
.Ltmp3:
0x15c: {  	v14 =	vadd.f32 v53, v14;
	v4 =	vadd.f32 v29, v4;
	v29 =	vmul.f32 v57, v55;
	(pc) =	sbr.rel @p0 .LBB2_7-.Ltmp3, $4  }
0x15d: {  	v32 =	vmul.f32 v58, v56;
	v10 =	vadd.f32 v62, v10;
	v15 =	vadd.f32 v15, v28  }
0x15e: {  	v5 =	vadd.f32 v5, v30;
	v4 =	vadd.f32 v29, v4;
	v29 =	vmul.f32 v60, v28  }
0x15f: {  	v14 =	vadd.f32 v14, v59;
	v10 =	vadd.f32 v10, v63  }
0x160: {  	s19 =	sadd.s32 $0x1900, s19;
	v7 =	vadd.f32 v7, v32;
	v4 =	vadd.f32 v4, v29  }
0x161: {  	v27 =	vmul.f32 v27, v27;
	v26 =	vmul.f32 v26, v26;
	_ =	sdelay $0x1  }
0x162: {  	v25 =	vmul.f32 v25, v25;
	v21 =	vadd.f32 v21, v22;
	v26 =	vadd.f32 v26, v27  }
0x163: {  	v39 =	vld [tilespmem:s13+$0x1D800]  }
0x164: {  	v40 =	vld [tilespmem:$0x1FB80];
	v20 =	vmul.f32 v20, v20;
	v21 =	vadd.f32 v24, v21;
	v25 =	vadd.f32 v25, v26  }
0x165: {  	v41 =	vld [tilespmem:s13+$0x1D810]  }
0x166: {  	v42 =	vld [tilespmem:$0x1FB90];
	v19 =	vmul.f32 v19, v19;
	v21 =	vadd.f32 v23, v21;
	v20 =	vadd.f32 v20, v25  }
0x167: {  	v43 =	vld [tilespmem:s13+$0x1D820]  }
0x168: {  	v44 =	vld [tilespmem:$0x1FBA0];
	v18 =	vmul.f32 v18, v18;
	v16 =	vadd.f32 v16, v21;
	v19 =	vadd.f32 v19, v20  }
0x169: {  	v45 =	vld [tilespmem:s13+$0x1D830]  }
0x16a: {  	v46 =	vld [tilespmem:$0x1FBB0];
	v17 =	vmul.f32 v17, v17;
	v13 =	vadd.f32 v13, v16;
	v18 =	vadd.f32 v18, v19  }
0x16b: {  	v47 =	vmul.f32 v40, v39;
	v48 =	vmul.f32 v42, v41  }
0x16c: {  	v15 =	vmul.f32 v15, v15;
	v13 =	vadd.f32 v14, v13;
	v17 =	vadd.f32 v17, v18  }
0x16d: {  	v49 =	vmul.f32 v44, v43;
	v11 =	vadd.f32 v47, v11;
	v12 =	vadd.f32 v48, v12  }
0x16e: {  	v10 =	vadd.f32 v10, v13;
	v15 =	vadd.f32 v15, v17  }
0x16f: {  	v50 =	vmul.f32 v46, v45;
	v9 =	vadd.f32 v49, v9;
	v11 =	vadd.f32 v12, v11  }
0x170: {  	v52 =	vperm.xlane v10, v0;
	v51 =	vperm.xlane v15, v0  }
0x171: {  	v8 =	vadd.f32 v50, v8;
	v9 =	vadd.f32 v9, v11  }
0x172: {  	v10 =	vadd.f32 v52, v10;
	v53 =	vadd.f32 v51, v15  }
0x173: {  	v8 =	vadd.f32 v8, v9  }
0x174: {  	v55 =	vperm.xlane v10, v1;
	v54 =	vperm.xlane v53, v1  }
0x175: {  	v6 =	vadd.f32 v8, v6  }
0x176: {  	v57 =	vadd.f32 v55, v10;
	v56 =	vadd.f32 v54, v53  }
0x177: {  	v5 =	vadd.f32 v6, v5  }
0x178: {  	v10 =	vperm.xlane v57, v2;
	v58 =	vperm.xlane v56, v2  }
0x179: {  	v5 =	vadd.f32 v5, v7  }
0x17a: {  	v59 =	vadd.f32 v10, v57;
	v6 =	vadd.f32 v58, v56  }
0x17b: {  	v4 =	vadd.f32 v5, v4  }
0x17c: {  	v60 =	vperm.xlane v59, v3;
	v5 =	vperm.xlane v6, v3  }
0x17d: {  	v61 =	vperm.xlane v4, v0  }
0x17e: {  	v62 =	vadd.f32 v60, v59;
	v5 =	vadd.f32 v5, v6  }
0x17f: {  	v4 =	vadd.f32 v61, v4  }
0x180: {  	v5 =	vsub.f32 v62, v5  }
0x181: {  	v63 =	vperm.xlane v4, v1  }
0x182: {  	v5 =	vmul.f32 $5.000000000e-01, v5  }
0x183: {  	v4 =	vadd.f32 v63, v4  }
0x184: {  	v5 =	vmul.f32 $1.442695020e+00, v5  }
0x185: {  	v6 =	vperm.xlane v4, v2  }
0x186: {  	(erf) = vpow2.f32 v5  }
0x187: {  	v4 =	vadd.f32 v6, v4  }
0x188: {  	v5 =	vld [tilespmem:$0x1FBC0]  }
0x189: {  	v6 =	vperm.xlane v4, v3;
	_ =	sdelay $0x1  }
0x18a: {  	v4 =	vadd.f32 v6, v4;
	_ =	sdelay $0x1  }
0x18b: {  	v4 =	vadd.f32 v5, v4;
	_ =	sdelay $0x1  }
0x18c: {  	v4 =	vsub.f32 $0.0e+00, v4;
	v5 =	vpop (erf)  }
0x18d: {  	v5 =	vadd.f32 $1.000000000e+00, v5  }
0x18e: {  	v4 =	vmul.f32 $1.442695020e+00, v4  }
0x18f: {  	(erf) = vrcp.f32 v5  }
0x190: {  	(erf) = vpow2.f32 v4;
	_ =	sdelay $0x7  }
0x191: {  	v4 =	vpop (erf)  }
0x192: {  	v5 =	vpop (erf)  }
0x193: {  	v5 =	vadd.f32 $1.000000000e+00, v5;
	_ =	sdelay $0x1  }
0x194: {  	(erf) = vrcp.f32 v5;
	_ =	sdelay $0x8  }
0x195: {  	p0 =	sne.s32 s2, $0x20;
	v5 =	vpop (erf)  }
.Ltmp4:
0x196: {  	v4 =	vadd.f32 v5, v4;
	(pc) =	sbr.rel @p0 .LBB2_2-.Ltmp4, $3  }
0x197: {  	_ = 	snop  }
0x198: {  	v4 =	vmul.f32 $5.000000000e-01, v4;
	_ =	sdelay $0x1  }
0x199: {  	[tilespmem:s13+$0x1D840] =	vst v4  }
0x19a: {  	_ =	swait.ge [sflag:s30], $0x4000  }
0x19b: {  	[sflag:s30] =	ssyncset.done $0x0  }
0x19c: {  	[sflag:s30] =	ssyncadd.s32 $0xFFFFC000  }
0x19d: {  	_ =	swait.ge [sflag:s30], $0x4000  }
0x19e: {  	[sflag:s30] =	ssyncset.done $0x0  }
0x19f: {  	[sflag:s30] =	ssyncadd.s32 $0xFFFFC000  }
0x1a0: {  	_ =	swait.ge [sflag:s30], $0x1900  }
0x1a1: {  	[sflag:s30] =	ssyncset.done $0x0  }
0x1a2: {  	[sflag:s30] =	ssyncadd.s32 $0xFFFFE700  }
0x1a3: {  	s0 =	sadd.s32 $0x1, s0;
	_ =	swait.ge [sflag:s30], $0x300  }
0x1a4: {  	p0 =	sne.s32 s0, s9;
	[sflag:s30] =	ssyncset.done $0x0  }
.Ltmp5:
0x1a5: {  	[sflag:s30] =	ssyncadd.s32 $0xFFFFFD00;
	(pc) =	sbr.rel @p0 .LBB2_1-.Ltmp5, $4  }
0x1a6: {  	[hbm4b:s8+s4] =	stream.linear.scatter [tilespmem:s12], [sflag:$0x3], $0x1000, $0x38;
	[tilespmem:$0x1FC00] =	vst v63  }
0x1a7: {  	_ =	swait.ge [sflag:s11], $0x1000  }
0x1a8: {  	[sflag:s11] =	ssyncset.done $0x0  }
0x1a9: {  	[sflag:s11] =	ssyncadd.s32 $0xFFFFF000  }
0x1aa: {  	_ =	sfence.sel $0x180000  }
0x1ab: {  	[bflag:$0x0] =	sbarrier.arrive $0xFFFF  }
0x1ac: {  	_ =	strace $0x90000047  }
0x1ad: {  	s0 =	stileid.u32;
	[bflag:$0x2] =	sbarrier.arrive $0xFFFF  }
0x1ae: {  	p0 =	sne.s32 s0, $0x0;
	s0 =	rddreg [dreg:$0x3]  }
0x1af: {  	s0 =	sadd.s32 @!p0 $0x100000, s0  }
0x1b0: {  	[sflag:s0] =	ssyncadd.tile.s32 @!p0 $0x1;
	_ =	shalt  }
.Lfunc_end2:
_tile_overlayer_lowered:
.L_overlay_start_2:
0x1b1: {  	(tag) =	ssettag $0x2  }
0x1b2: {  	s0 =	rddreg [dreg:$0x0];
	s2 =	stileid.u32  }
0x1b3: {  	s1 =	rddreg [dreg:$0x1];
	p0 =	sne.s32 s2, $0x0  }
0x1b4: {  	s3 =	rddreg [dreg:$0x2];
	[bflag:$0x3] =	sbarrier.arrive $0xFFFF;
	s2 =	simm.s32 @!p0 $0x1C03  }
0x1b5: {  	[timem:s3], [sflag:s2] =	dma.local @!p0 [hbm:s0], s1  }
0x1b6: {  	s0 =	simm.s32 @!p0 $0x3  }
0x1b7: {  	_ =	swait.ge @!p0 [sflag:s0], s1  }
0x1b8: {  	s1 =	ssub.s32 @!p0 $0x0, s1;
	[sflag:s0] =	ssyncset.done @!p0 $0x0  }
0x1b9: {  	[sflag:s0] =	ssyncadd.s32 @!p0 s1  }
0x1ba: {  	[bflag:$0x3] =	sbarrier.arrive $0xFFFF  }
0x1bb: {  	_ =	shalt  }

</sc_bundles>
